<compile_context>
chip_gen: v7x
topology: tpu7x:2x2x1
jax: 0.10.2.dev20260603
libtpu: 0.0.44.dev20260713+nightly
codegen_flags: <defaults>
</compile_context>

<pallas_src>
import functools

import jax
import jax.numpy as jnp
from jax import lax
from jax.experimental import pallas as pl
from jax.experimental.pallas import tpu as pltpu
from jax.experimental.pallas import tpu_sc as plsc

B = 16384
L = 200
D = 64
NC, NS, LANES = 2, 16, 16
NW = NC * NS
ROWS_PER_W = B // NW
G = 4
CHUNKS = ROWS_PER_W // G
TOK = G * L
IDXW = 100
NGATH = TOK // IDXW
X2W = 100
KV = D // LANES
INV_L = 1.0 / L


def _issue_gathers(table_ref, idx_ref, rows_ref, sem):
    for j in range(NGATH):
        pltpu.async_copy(
            table_ref.at[idx_ref.at[j]],
            rows_ref.at[pl.ds(j * IDXW, IDXW)],
            sem,
        )


def _drain(table_ref, rows_ref, sem):
    pltpu.make_async_copy(table_ref.at[pl.ds(0, TOK)], rows_ref, sem).wait()


def _accumulate(rows_ref, out_stage, slot):
    for g in range(G):
        base = g * L
        zero = jnp.zeros((LANES,), jnp.float32)

        def body(i, accs, base=base):
            a = list(accs)
            for u in range(4):
                r = base + i * 4 + u
                for k in range(KV):
                    a[k] = a[k] + rows_ref[r, pl.ds(k * LANES, LANES)]
            return tuple(a)

        accs = lax.fori_loop(0, L // 4, body, (zero,) * KV, unroll=2)
        for k in range(KV):
            m = jnp.maximum(accs[k] * INV_L, 0.0)
            out_stage[slot * G + g, pl.ds(k * LANES, LANES)] = m


def _sc_bow(x2, table):
    mesh = plsc.VectorSubcoreMesh(
        core_axis_name="c", subcore_axis_name="s",
        num_cores=NC, num_subcores=NS)

    @functools.partial(
        pl.kernel,
        out_type=jax.ShapeDtypeStruct((B, D), jnp.float32),
        mesh=mesh,
        compiler_params=pltpu.CompilerParams(use_tc_tiling_on_sc=False),
        scratch_types=[
            pltpu.VMEM((NGATH, IDXW), jnp.int32),
            pltpu.VMEM((NGATH, IDXW), jnp.int32),
            pltpu.VMEM((TOK, D), jnp.float32),
            pltpu.VMEM((TOK, D), jnp.float32),
            pltpu.VMEM((2 * G, D), jnp.float32),
            pltpu.SemaphoreType.DMA,
            pltpu.SemaphoreType.DMA,
            pltpu.SemaphoreType.DMA,
            pltpu.SemaphoreType.DMA,
            pltpu.SemaphoreType.DMA,
        ],
    )
    def bow(x2_ref, table_ref, out_ref,
            idx0, idx1, rows0, rows1, out_stage,
            sem0, sem1, isem0, isem1, osem):
        wid = lax.axis_index("s") * NC + lax.axis_index("c")
        xrow0 = wid * (CHUNKS * NGATH)
        orow0 = wid * ROWS_PER_W

        def idx_start(c, idxb, isem):
            pltpu.async_copy(
                x2_ref.at[pl.ds(xrow0 + c * NGATH, NGATH)], idxb, isem)

        def idx_wait(idxb, isem):
            pltpu.make_async_copy(
                x2_ref.at[pl.ds(0, NGATH)], idxb, isem).wait()

        pltpu.sync_copy(x2_ref.at[pl.ds(xrow0, NGATH)], idx0)
        _issue_gathers(table_ref, idx0, rows0, sem0)
        idx_start(1, idx1, isem1)

        def step(t, carry):
            idx_wait(idx1, isem1)
            _issue_gathers(table_ref, idx1, rows1, sem1)
            _drain(table_ref, rows0, sem0)

            @pl.when(t < CHUNKS // 2 - 1)
            def _():
                idx_start(2 * t + 2, idx0, isem0)

            @pl.when(t > 0)
            def _():
                pltpu.make_async_copy(
                    out_stage, out_ref.at[pl.ds(0, 2 * G)], osem).wait()

            _accumulate(rows0, out_stage, 0)

            @pl.when(t < CHUNKS // 2 - 1)
            def _():
                idx_wait(idx0, isem0)
                _issue_gathers(table_ref, idx0, rows0, sem0)

            _drain(table_ref, rows1, sem1)

            @pl.when(t < CHUNKS // 2 - 1)
            def _():
                idx_start(2 * t + 3, idx1, isem1)

            _accumulate(rows1, out_stage, 1)

            pltpu.async_copy(out_stage,
                             out_ref.at[pl.ds(orow0 + t * (2 * G), 2 * G)],
                             osem)
            return carry

        lax.fori_loop(0, CHUNKS // 2, step, 0)
        pltpu.make_async_copy(
            out_stage, out_ref.at[pl.ds(0, 2 * G)], osem).wait()

    return bow(x2, table)


def _tc_classify(m, wt, b2):
    def body(m_ref, w_ref, b_ref, o_ref):
        o_ref[...] = (
            jnp.dot(m_ref[...], w_ref[...], preferred_element_type=jnp.float32)
            + b_ref[...])

    grid = 16
    bm = B // grid
    return pl.pallas_call(
        body,
        grid=(grid,),
        in_specs=[
            pl.BlockSpec((bm, D), lambda i: (i, 0)),
            pl.BlockSpec((D, 8), lambda i: (0, 0)),
            pl.BlockSpec((1, 8), lambda i: (0, 0)),
        ],
        out_specs=pl.BlockSpec((bm, 8), lambda i: (i, 0)),
        out_shape=jax.ShapeDtypeStruct((B, 8), jnp.float32),
    )(m, wt, b2)


def kernel(x, emb_table, W, b):
    x2 = x.astype(jnp.int32).reshape(-1, X2W)
    pooled = _sc_bow(x2, emb_table)
    nc = W.shape[0]
    wt = jnp.zeros((D, 8), jnp.float32).at[:, :nc].set(W.T)
    b2 = jnp.zeros((1, 8), jnp.float32).at[0, :nc].set(b)
    logits = _tc_classify(pooled, wt, b2)
    return logits[:, :nc]

# --- scband reference (transcript-rebuilt; emitter-appended) ---
"""Pipeline reference for scband-simple-bow-33732673143400 (READ-ONLY COPY).

The authoritative reference and input builder live on the scoring server;
editing this copy changes nothing except your own understanding.
"""

import jax, jax.numpy as jnp
import numpy as np

NWORDS = 1000000
EMBED_DIM = 64
NCLASSES = 5
BATCH = 16384
HIST = 200

def setup_inputs(seed: int = 0) -> dict:
    key = jax.random.key(seed)
    k1, k2, k3 = jax.random.split(key, 3)
    x = jax.random.randint(k1, (BATCH, HIST), 0, NWORDS, dtype=jnp.int64 if jax.config.read('jax_enable_x64') else jnp.int32)
    emb_table = jax.random.uniform(k2, (NWORDS, EMBED_DIM), dtype=jnp.float32, minval=-0.25, maxval=0.25)
    emb_table = emb_table.at[0].set(0.0)
    W = jax.random.normal(k3, (NCLASSES, EMBED_DIM), dtype=jnp.float32) * (1.0 / np.sqrt(EMBED_DIM))
    b = jnp.zeros((NCLASSES,), dtype=jnp.float32)
    return {"x": x, "emb_table": emb_table, "W": W, "b": b}

def reference(x, emb_table, W, b):
    # 1. Embedding lookup (gather)
    embeddings = jnp.take(emb_table, x, axis=0)              # [B, L, D]
    # 2. Mask by sign(x) (zero token -> zero contribution)
    embeddings = embeddings * jnp.sign(x)[..., None].astype(jnp.float32)
    # 3. Mean over sequence dim
    emb_mean = jnp.mean(embeddings, axis=1)                   # [B, D]
    # 4. ReLU
    emb_relu = jax.nn.relu(emb_mean)
    # 5. Linear classifier
    logit = emb_relu @ W.T + b                                 # [B, C]
    return logit

if __name__ == "__main__":
    import jax
    _d = setup_inputs()
    print(jax.jit(kernel)(*tuple(_d.values())))

</pallas_src>

<mosaic_0001>
#map = affine_map<(d0, d1) -> (0, 0)>
module attributes {stable_mosaic.version = 14 : i64} {
  func.func @bow(%arg0: i32, %arg1: i32, %arg2: memref<32768x100xi32, #tpu.memory_space<hbm>>, %arg3: memref<1000000x64xf32, #tpu.memory_space<hbm>>, %arg4: memref<16384x64xf32, #tpu.memory_space<hbm>>, %arg5: memref<8x100xi32, #tpu.memory_space<vmem>>, %arg6: memref<8x100xi32, #tpu.memory_space<vmem>>, %arg7: memref<800x64xf32, #tpu.memory_space<vmem>>, %arg8: memref<800x64xf32, #tpu.memory_space<vmem>>, %arg9: memref<8x64xf32, #tpu.memory_space<vmem>>, %arg10: memref<!tpu.dma_semaphore, #tpu.memory_space<semaphore_mem>>, %arg11: memref<!tpu.dma_semaphore, #tpu.memory_space<semaphore_mem>>, %arg12: memref<!tpu.dma_semaphore, #tpu.memory_space<semaphore_mem>>, %arg13: memref<!tpu.dma_semaphore, #tpu.memory_space<semaphore_mem>>, %arg14: memref<!tpu.dma_semaphore, #tpu.memory_space<semaphore_mem>>) attributes {dimension_semantics = [#tpu.dimension_semantics<core_parallel>, #tpu.dimension_semantics<subcore_parallel>], iteration_bounds = array<i64: 2, 16>, scalar_prefetch = 0 : i64, scratch_operands = 10 : i64, tpu.core_type = #tpu.core_type<sc_vector_subcore>, window_params = [{transform_indices = #map}, {transform_indices = #map}, {transform_indices = #map}]} {
    %mul3A = arith.constant 2 : i32
    %mul3A_0 = arith.muli %arg1, %mul3A : i32
    %add3A = arith.addi %mul3A_0, %arg0 : i32
    %mul3A_1 = arith.constant 1024 : i32
    %mul3A_2 = arith.muli %add3A, %mul3A_1 : i32
    %mul3A_3 = arith.constant 512 : i32
    %mul3A_4 = arith.muli %add3A, %mul3A_3 : i32
    "tpu.region"() ({
      %run_scoped3A = tpu.sem_alloc : memref<!tpu.dma_semaphore, #tpu.memory_space<semaphore_mem>>
      %dma_start3A_100 = arith.constant 0 : i32
      %dma_start3A_101 = tpu.memref_slice %arg2[%mul3A_2, %dma_start3A_100] : memref<32768x100xi32, #tpu.memory_space<hbm>> -> memref<8x100xi32, #tpu.memory_space<hbm>>
      %dma_start3A_102 = arith.constant 0 : i32
      %dma_start3A_103 = tpu.memref_slice %arg2[%mul3A_2, %dma_start3A_102] : memref<32768x100xi32, #tpu.memory_space<hbm>> -> memref<8x100xi32, #tpu.memory_space<hbm>>
      tpu.enqueue_dma source(%dma_start3A_103 : memref<8x100xi32, #tpu.memory_space<hbm>>) target(%arg5 : memref<8x100xi32, #tpu.memory_space<vmem>>) target_semaphore(%run_scoped3A : memref<!tpu.dma_semaphore, #tpu.memory_space<semaphore_mem>>)
      %dma_wait3A_104 = arith.constant 0 : i32
      %dma_wait3A_105 = tpu.memref_slice %arg2[%mul3A_2, %dma_wait3A_104] : memref<32768x100xi32, #tpu.memory_space<hbm>> -> memref<8x100xi32, #tpu.memory_space<hbm>>
      %dma_wait3A_106 = arith.constant 0 : i32
      %dma_wait3A_107 = tpu.memref_slice %arg2[%mul3A_2, %dma_wait3A_106] : memref<32768x100xi32, #tpu.memory_space<hbm>> -> memref<8x100xi32, #tpu.memory_space<hbm>>
      tpu.wait_dma2 semaphore(%run_scoped3A : memref<!tpu.dma_semaphore, #tpu.memory_space<semaphore_mem>>) src(%dma_wait3A_107 : memref<8x100xi32, #tpu.memory_space<hbm>>) dst(%arg5 : memref<8x100xi32, #tpu.memory_space<vmem>>)
      tpu.yield
    }) : () -> ()
    %dma_start3A = arith.constant 0 : i32
    %dma_start3A_5 = arith.constant 0 : i32
    %dma_start3A_6 = arith.constant 0 : i32
    %dma_start3A_7 = tpu.memref_slice %arg7[%dma_start3A_5, %dma_start3A_6] : memref<800x64xf32, #tpu.memory_space<vmem>> -> memref<100x64xf32, #tpu.memory_space<vmem>>
    %dma_start3A_8 = arith.constant 0 : i32
    %dma_start3A_9 = tpu.memref_slice %arg5[%dma_start3A, %dma_start3A_8] : memref<8x100xi32, #tpu.memory_space<vmem>> -> memref<1x100xi32, #tpu.memory_space<vmem>>
    %dma_start3A_10 = tpu.memref_squeeze %dma_start3A_9 : memref<1x100xi32, #tpu.memory_space<vmem>> -> memref<100xi32, #tpu.memory_space<vmem>>
    %dma_start3A_11 = arith.constant 0 : i32
    %dma_start3A_12 = arith.constant 0 : i32
    %dma_start3A_13 = tpu.memref_slice %arg3[%dma_start3A_11, %dma_start3A_12] : memref<1000000x64xf32, #tpu.memory_space<hbm>> -> memref<1000000x64xf32, #tpu.memory_space<hbm>>
    tpu.enqueue_indirect_dma source(%dma_start3A_13 : memref<1000000x64xf32, #tpu.memory_space<hbm>>) target(%dma_start3A_7 : memref<100x64xf32, #tpu.memory_space<vmem>>) offsets(%dma_start3A_10 : memref<100xi32, #tpu.memory_space<vmem>>) semaphore(%arg10 : memref<!tpu.dma_semaphore, #tpu.memory_space<semaphore_mem>>)
    %dma_start3A_14 = arith.constant 1 : i32
    %dma_start3A_15 = arith.constant 100 : i32
    %dma_start3A_16 = arith.constant 0 : i32
    %dma_start3A_17 = tpu.memref_slice %arg7[%dma_start3A_15, %dma_start3A_16] : memref<800x64xf32, #tpu.memory_space<vmem>> -> memref<100x64xf32, #tpu.memory_space<vmem>>
    %dma_start3A_18 = arith.constant 0 : i32
    %dma_start3A_19 = tpu.memref_slice %arg5[%dma_start3A_14, %dma_start3A_18] : memref<8x100xi32, #tpu.memory_space<vmem>> -> memref<1x100xi32, #tpu.memory_space<vmem>>
    %dma_start3A_20 = tpu.memref_squeeze %dma_start3A_19 : memref<1x100xi32, #tpu.memory_space<vmem>> -> memref<100xi32, #tpu.memory_space<vmem>>
    %dma_start3A_21 = arith.constant 0 : i32
    %dma_start3A_22 = arith.constant 0 : i32
    %dma_start3A_23 = tpu.memref_slice %arg3[%dma_start3A_21, %dma_start3A_22] : memref<1000000x64xf32, #tpu.memory_space<hbm>> -> memref<1000000x64xf32, #tpu.memory_space<hbm>>
    tpu.enqueue_indirect_dma source(%dma_start3A_23 : memref<1000000x64xf32, #tpu.memory_space<hbm>>) target(%dma_start3A_17 : memref<100x64xf32, #tpu.memory_space<vmem>>) offsets(%dma_start3A_20 : memref<100xi32, #tpu.memory_space<vmem>>) semaphore(%arg10 : memref<!tpu.dma_semaphore, #tpu.memory_space<semaphore_mem>>)
    %dma_start3A_24 = arith.constant 2 : i32
    %dma_start3A_25 = arith.constant 200 : i32
    %dma_start3A_26 = arith.constant 0 : i32
    %dma_start3A_27 = tpu.memref_slice %arg7[%dma_start3A_25, %dma_start3A_26] : memref<800x64xf32, #tpu.memory_space<vmem>> -> memref<100x64xf32, #tpu.memory_space<vmem>>
    %dma_start3A_28 = arith.constant 0 : i32
    %dma_start3A_29 = tpu.memref_slice %arg5[%dma_start3A_24, %dma_start3A_28] : memref<8x100xi32, #tpu.memory_space<vmem>> -> memref<1x100xi32, #tpu.memory_space<vmem>>
    %dma_start3A_30 = tpu.memref_squeeze %dma_start3A_29 : memref<1x100xi32, #tpu.memory_space<vmem>> -> memref<100xi32, #tpu.memory_space<vmem>>
    %dma_start3A_31 = arith.constant 0 : i32
    %dma_start3A_32 = arith.constant 0 : i32
    %dma_start3A_33 = tpu.memref_slice %arg3[%dma_start3A_31, %dma_start3A_32] : memref<1000000x64xf32, #tpu.memory_space<hbm>> -> memref<1000000x64xf32, #tpu.memory_space<hbm>>
    tpu.enqueue_indirect_dma source(%dma_start3A_33 : memref<1000000x64xf32, #tpu.memory_space<hbm>>) target(%dma_start3A_27 : memref<100x64xf32, #tpu.memory_space<vmem>>) offsets(%dma_start3A_30 : memref<100xi32, #tpu.memory_space<vmem>>) semaphore(%arg10 : memref<!tpu.dma_semaphore, #tpu.memory_space<semaphore_mem>>)
    %dma_start3A_34 = arith.constant 3 : i32
    %dma_start3A_35 = arith.constant 300 : i32
    %dma_start3A_36 = arith.constant 0 : i32
    %dma_start3A_37 = tpu.memref_slice %arg7[%dma_start3A_35, %dma_start3A_36] : memref<800x64xf32, #tpu.memory_space<vmem>> -> memref<100x64xf32, #tpu.memory_space<vmem>>
    %dma_start3A_38 = arith.constant 0 : i32
    %dma_start3A_39 = tpu.memref_slice %arg5[%dma_start3A_34, %dma_start3A_38] : memref<8x100xi32, #tpu.memory_space<vmem>> -> memref<1x100xi32, #tpu.memory_space<vmem>>
    %dma_start3A_40 = tpu.memref_squeeze %dma_start3A_39 : memref<1x100xi32, #tpu.memory_space<vmem>> -> memref<100xi32, #tpu.memory_space<vmem>>
    %dma_start3A_41 = arith.constant 0 : i32
    %dma_start3A_42 = arith.constant 0 : i32
    %dma_start3A_43 = tpu.memref_slice %arg3[%dma_start3A_41, %dma_start3A_42] : memref<1000000x64xf32, #tpu.memory_space<hbm>> -> memref<1000000x64xf32, #tpu.memory_space<hbm>>
    tpu.enqueue_indirect_dma source(%dma_start3A_43 : memref<1000000x64xf32, #tpu.memory_space<hbm>>) target(%dma_start3A_37 : memref<100x64xf32, #tpu.memory_space<vmem>>) offsets(%dma_start3A_40 : memref<100xi32, #tpu.memory_space<vmem>>) semaphore(%arg10 : memref<!tpu.dma_semaphore, #tpu.memory_space<semaphore_mem>>)
    %dma_start3A_44 = arith.constant 4 : i32
    %dma_start3A_45 = arith.constant 400 : i32
    %dma_start3A_46 = arith.constant 0 : i32
    %dma_start3A_47 = tpu.memref_slice %arg7[%dma_start3A_45, %dma_start3A_46] : memref<800x64xf32, #tpu.memory_space<vmem>> -> memref<100x64xf32, #tpu.memory_space<vmem>>
    %dma_start3A_48 = arith.constant 0 : i32
    %dma_start3A_49 = tpu.memref_slice %arg5[%dma_start3A_44, %dma_start3A_48] : memref<8x100xi32, #tpu.memory_space<vmem>> -> memref<1x100xi32, #tpu.memory_space<vmem>>
    %dma_start3A_50 = tpu.memref_squeeze %dma_start3A_49 : memref<1x100xi32, #tpu.memory_space<vmem>> -> memref<100xi32, #tpu.memory_space<vmem>>
    %dma_start3A_51 = arith.constant 0 : i32
    %dma_start3A_52 = arith.constant 0 : i32
    %dma_start3A_53 = tpu.memref_slice %arg3[%dma_start3A_51, %dma_start3A_52] : memref<1000000x64xf32, #tpu.memory_space<hbm>> -> memref<1000000x64xf32, #tpu.memory_space<hbm>>
    tpu.enqueue_indirect_dma source(%dma_start3A_53 : memref<1000000x64xf32, #tpu.memory_space<hbm>>) target(%dma_start3A_47 : memref<100x64xf32, #tpu.memory_space<vmem>>) offsets(%dma_start3A_50 : memref<100xi32, #tpu.memory_space<vmem>>) semaphore(%arg10 : memref<!tpu.dma_semaphore, #tpu.memory_space<semaphore_mem>>)
    %dma_start3A_54 = arith.constant 5 : i32
    %dma_start3A_55 = arith.constant 500 : i32
    %dma_start3A_56 = arith.constant 0 : i32
    %dma_start3A_57 = tpu.memref_slice %arg7[%dma_start3A_55, %dma_start3A_56] : memref<800x64xf32, #tpu.memory_space<vmem>> -> memref<100x64xf32, #tpu.memory_space<vmem>>
    %dma_start3A_58 = arith.constant 0 : i32
    %dma_start3A_59 = tpu.memref_slice %arg5[%dma_start3A_54, %dma_start3A_58] : memref<8x100xi32, #tpu.memory_space<vmem>> -> memref<1x100xi32, #tpu.memory_space<vmem>>
    %dma_start3A_60 = tpu.memref_squeeze %dma_start3A_59 : memref<1x100xi32, #tpu.memory_space<vmem>> -> memref<100xi32, #tpu.memory_space<vmem>>
    %dma_start3A_61 = arith.constant 0 : i32
    %dma_start3A_62 = arith.constant 0 : i32
    %dma_start3A_63 = tpu.memref_slice %arg3[%dma_start3A_61, %dma_start3A_62] : memref<1000000x64xf32, #tpu.memory_space<hbm>> -> memref<1000000x64xf32, #tpu.memory_space<hbm>>
    tpu.enqueue_indirect_dma source(%dma_start3A_63 : memref<1000000x64xf32, #tpu.memory_space<hbm>>) target(%dma_start3A_57 : memref<100x64xf32, #tpu.memory_space<vmem>>) offsets(%dma_start3A_60 : memref<100xi32, #tpu.memory_space<vmem>>) semaphore(%arg10 : memref<!tpu.dma_semaphore, #tpu.memory_space<semaphore_mem>>)
    %dma_start3A_64 = arith.constant 6 : i32
    %dma_start3A_65 = arith.constant 600 : i32
    %dma_start3A_66 = arith.constant 0 : i32
    %dma_start3A_67 = tpu.memref_slice %arg7[%dma_start3A_65, %dma_start3A_66] : memref<800x64xf32, #tpu.memory_space<vmem>> -> memref<100x64xf32, #tpu.memory_space<vmem>>
    %dma_start3A_68 = arith.constant 0 : i32
    %dma_start3A_69 = tpu.memref_slice %arg5[%dma_start3A_64, %dma_start3A_68] : memref<8x100xi32, #tpu.memory_space<vmem>> -> memref<1x100xi32, #tpu.memory_space<vmem>>
    %dma_start3A_70 = tpu.memref_squeeze %dma_start3A_69 : memref<1x100xi32, #tpu.memory_space<vmem>> -> memref<100xi32, #tpu.memory_space<vmem>>
    %dma_start3A_71 = arith.constant 0 : i32
    %dma_start3A_72 = arith.constant 0 : i32
    %dma_start3A_73 = tpu.memref_slice %arg3[%dma_start3A_71, %dma_start3A_72] : memref<1000000x64xf32, #tpu.memory_space<hbm>> -> memref<1000000x64xf32, #tpu.memory_space<hbm>>
    tpu.enqueue_indirect_dma source(%dma_start3A_73 : memref<1000000x64xf32, #tpu.memory_space<hbm>>) target(%dma_start3A_67 : memref<100x64xf32, #tpu.memory_space<vmem>>) offsets(%dma_start3A_70 : memref<100xi32, #tpu.memory_space<vmem>>) semaphore(%arg10 : memref<!tpu.dma_semaphore, #tpu.memory_space<semaphore_mem>>)
    %dma_start3A_74 = arith.constant 7 : i32
    %dma_start3A_75 = arith.constant 700 : i32
    %dma_start3A_76 = arith.constant 0 : i32
    %dma_start3A_77 = tpu.memref_slice %arg7[%dma_start3A_75, %dma_start3A_76] : memref<800x64xf32, #tpu.memory_space<vmem>> -> memref<100x64xf32, #tpu.memory_space<vmem>>
    %dma_start3A_78 = arith.constant 0 : i32
    %dma_start3A_79 = tpu.memref_slice %arg5[%dma_start3A_74, %dma_start3A_78] : memref<8x100xi32, #tpu.memory_space<vmem>> -> memref<1x100xi32, #tpu.memory_space<vmem>>
    %dma_start3A_80 = tpu.memref_squeeze %dma_start3A_79 : memref<1x100xi32, #tpu.memory_space<vmem>> -> memref<100xi32, #tpu.memory_space<vmem>>
    %dma_start3A_81 = arith.constant 0 : i32
    %dma_start3A_82 = arith.constant 0 : i32
    %dma_start3A_83 = tpu.memref_slice %arg3[%dma_start3A_81, %dma_start3A_82] : memref<1000000x64xf32, #tpu.memory_space<hbm>> -> memref<1000000x64xf32, #tpu.memory_space<hbm>>
    tpu.enqueue_indirect_dma source(%dma_start3A_83 : memref<1000000x64xf32, #tpu.memory_space<hbm>>) target(%dma_start3A_77 : memref<100x64xf32, #tpu.memory_space<vmem>>) offsets(%dma_start3A_80 : memref<100xi32, #tpu.memory_space<vmem>>) semaphore(%arg10 : memref<!tpu.dma_semaphore, #tpu.memory_space<semaphore_mem>>)
    %add3A_84 = arith.constant 8 : i32
    %add3A_85 = arith.addi %mul3A_2, %add3A_84 : i32
    %dma_start3A_86 = arith.constant 0 : i32
    %dma_start3A_87 = tpu.memref_slice %arg2[%add3A_85, %dma_start3A_86] : memref<32768x100xi32, #tpu.memory_space<hbm>> -> memref<8x100xi32, #tpu.memory_space<hbm>>
    %dma_start3A_88 = arith.constant 0 : i32
    %dma_start3A_89 = tpu.memref_slice %arg2[%add3A_85, %dma_start3A_88] : memref<32768x100xi32, #tpu.memory_space<hbm>> -> memref<8x100xi32, #tpu.memory_space<hbm>>
    tpu.enqueue_dma source(%dma_start3A_89 : memref<8x100xi32, #tpu.memory_space<hbm>>) target(%arg6 : memref<8x100xi32, #tpu.memory_space<vmem>>) target_semaphore(%arg13 : memref<!tpu.dma_semaphore, #tpu.memory_space<semaphore_mem>>)
    %scan3A = arith.constant 0 : i32
    %scan3A_90 = arith.constant 0 : i32
    %scan3A_91 = arith.constant 64 : i32
    %scan3A_92 = arith.addi %scan3A_90, %scan3A_91 : i32
    %scan3A_93 = arith.constant 1 : i32
    scf.for %scan3A_100 = %scan3A_90 to %scan3A_92 step %scan3A_93  : i32 {
      %dma_wait3A_101 = arith.constant 0 : i32
      %dma_wait3A_102 = arith.constant 0 : i32
      %dma_wait3A_103 = tpu.memref_slice %arg2[%dma_wait3A_101, %dma_wait3A_102] : memref<32768x100xi32, #tpu.memory_space<hbm>> -> memref<8x100xi32, #tpu.memory_space<hbm>>
      %dma_wait3A_104 = arith.constant 0 : i32
      %dma_wait3A_105 = arith.constant 0 : i32
      %dma_wait3A_106 = tpu.memref_slice %arg2[%dma_wait3A_104, %dma_wait3A_105] : memref<32768x100xi32, #tpu.memory_space<hbm>> -> memref<8x100xi32, #tpu.memory_space<hbm>>
      tpu.wait_dma2 semaphore(%arg13 : memref<!tpu.dma_semaphore, #tpu.memory_space<semaphore_mem>>) src(%dma_wait3A_106 : memref<8x100xi32, #tpu.memory_space<hbm>>) dst(%arg6 : memref<8x100xi32, #tpu.memory_space<vmem>>)
      %dma_start3A_107 = arith.constant 0 : i32
      %dma_start3A_108 = arith.constant 0 : i32
      %dma_start3A_109 = arith.constant 0 : i32
      %dma_start3A_110 = tpu.memref_slice %arg8[%dma_start3A_108, %dma_start3A_109] : memref<800x64xf32, #tpu.memory_space<vmem>> -> memref<100x64xf32, #tpu.memory_space<vmem>>
      %dma_start3A_111 = arith.constant 0 : i32
      %dma_start3A_112 = tpu.memref_slice %arg6[%dma_start3A_107, %dma_start3A_111] : memref<8x100xi32, #tpu.memory_space<vmem>> -> memref<1x100xi32, #tpu.memory_space<vmem>>
      %dma_start3A_113 = tpu.memref_squeeze %dma_start3A_112 : memref<1x100xi32, #tpu.memory_space<vmem>> -> memref<100xi32, #tpu.memory_space<vmem>>
      %dma_start3A_114 = arith.constant 0 : i32
      %dma_start3A_115 = arith.constant 0 : i32
      %dma_start3A_116 = tpu.memref_slice %arg3[%dma_start3A_114, %dma_start3A_115] : memref<1000000x64xf32, #tpu.memory_space<hbm>> -> memref<1000000x64xf32, #tpu.memory_space<hbm>>
      tpu.enqueue_indirect_dma source(%dma_start3A_116 : memref<1000000x64xf32, #tpu.memory_space<hbm>>) target(%dma_start3A_110 : memref<100x64xf32, #tpu.memory_space<vmem>>) offsets(%dma_start3A_113 : memref<100xi32, #tpu.memory_space<vmem>>) semaphore(%arg11 : memref<!tpu.dma_semaphore, #tpu.memory_space<semaphore_mem>>)
      %dma_start3A_117 = arith.constant 1 : i32
      %dma_start3A_118 = arith.constant 100 : i32
      %dma_start3A_119 = arith.constant 0 : i32
      %dma_start3A_120 = tpu.memref_slice %arg8[%dma_start3A_118, %dma_start3A_119] : memref<800x64xf32, #tpu.memory_space<vmem>> -> memref<100x64xf32, #tpu.memory_space<vmem>>
      %dma_start3A_121 = arith.constant 0 : i32
      %dma_start3A_122 = tpu.memref_slice %arg6[%dma_start3A_117, %dma_start3A_121] : memref<8x100xi32, #tpu.memory_space<vmem>> -> memref<1x100xi32, #tpu.memory_space<vmem>>
      %dma_start3A_123 = tpu.memref_squeeze %dma_start3A_122 : memref<1x100xi32, #tpu.memory_space<vmem>> -> memref<100xi32, #tpu.memory_space<vmem>>
      %dma_start3A_124 = arith.constant 0 : i32
      %dma_start3A_125 = arith.constant 0 : i32
      %dma_start3A_126 = tpu.memref_slice %arg3[%dma_start3A_124, %dma_start3A_125] : memref<1000000x64xf32, #tpu.memory_space<hbm>> -> memref<1000000x64xf32, #tpu.memory_space<hbm>>
      tpu.enqueue_indirect_dma source(%dma_start3A_126 : memref<1000000x64xf32, #tpu.memory_space<hbm>>) target(%dma_start3A_120 : memref<100x64xf32, #tpu.memory_space<vmem>>) offsets(%dma_start3A_123 : memref<100xi32, #tpu.memory_space<vmem>>) semaphore(%arg11 : memref<!tpu.dma_semaphore, #tpu.memory_space<semaphore_mem>>)
      %dma_start3A_127 = arith.constant 2 : i32
      %dma_start3A_128 = arith.constant 200 : i32
      %dma_start3A_129 = arith.constant 0 : i32
      %dma_start3A_130 = tpu.memref_slice %arg8[%dma_start3A_128, %dma_start3A_129] : memref<800x64xf32, #tpu.memory_space<vmem>> -> memref<100x64xf32, #tpu.memory_space<vmem>>
      %dma_start3A_131 = arith.constant 0 : i32
      %dma_start3A_132 = tpu.memref_slice %arg6[%dma_start3A_127, %dma_start3A_131] : memref<8x100xi32, #tpu.memory_space<vmem>> -> memref<1x100xi32, #tpu.memory_space<vmem>>
      %dma_start3A_133 = tpu.memref_squeeze %dma_start3A_132 : memref<1x100xi32, #tpu.memory_space<vmem>> -> memref<100xi32, #tpu.memory_space<vmem>>
      %dma_start3A_134 = arith.constant 0 : i32
      %dma_start3A_135 = arith.constant 0 : i32
      %dma_start3A_136 = tpu.memref_slice %arg3[%dma_start3A_134, %dma_start3A_135] : memref<1000000x64xf32, #tpu.memory_space<hbm>> -> memref<1000000x64xf32, #tpu.memory_space<hbm>>
      tpu.enqueue_indirect_dma source(%dma_start3A_136 : memref<1000000x64xf32, #tpu.memory_space<hbm>>) target(%dma_start3A_130 : memref<100x64xf32, #tpu.memory_space<vmem>>) offsets(%dma_start3A_133 : memref<100xi32, #tpu.memory_space<vmem>>) semaphore(%arg11 : memref<!tpu.dma_semaphore, #tpu.memory_space<semaphore_mem>>)
      %dma_start3A_137 = arith.constant 3 : i32
      %dma_start3A_138 = arith.constant 300 : i32
      %dma_start3A_139 = arith.constant 0 : i32
      %dma_start3A_140 = tpu.memref_slice %arg8[%dma_start3A_138, %dma_start3A_139] : memref<800x64xf32, #tpu.memory_space<vmem>> -> memref<100x64xf32, #tpu.memory_space<vmem>>
      %dma_start3A_141 = arith.constant 0 : i32
      %dma_start3A_142 = tpu.memref_slice %arg6[%dma_start3A_137, %dma_start3A_141] : memref<8x100xi32, #tpu.memory_space<vmem>> -> memref<1x100xi32, #tpu.memory_space<vmem>>
      %dma_start3A_143 = tpu.memref_squeeze %dma_start3A_142 : memref<1x100xi32, #tpu.memory_space<vmem>> -> memref<100xi32, #tpu.memory_space<vmem>>
      %dma_start3A_144 = arith.constant 0 : i32
      %dma_start3A_145 = arith.constant 0 : i32
      %dma_start3A_146 = tpu.memref_slice %arg3[%dma_start3A_144, %dma_start3A_145] : memref<1000000x64xf32, #tpu.memory_space<hbm>> -> memref<1000000x64xf32, #tpu.memory_space<hbm>>
      tpu.enqueue_indirect_dma source(%dma_start3A_146 : memref<1000000x64xf32, #tpu.memory_space<hbm>>) target(%dma_start3A_140 : memref<100x64xf32, #tpu.memory_space<vmem>>) offsets(%dma_start3A_143 : memref<100xi32, #tpu.memory_space<vmem>>) semaphore(%arg11 : memref<!tpu.dma_semaphore, #tpu.memory_space<semaphore_mem>>)
      %dma_start3A_147 = arith.constant 4 : i32
      %dma_start3A_148 = arith.constant 400 : i32
      %dma_start3A_149 = arith.constant 0 : i32
      %dma_start3A_150 = tpu.memref_slice %arg8[%dma_start3A_148, %dma_start3A_149] : memref<800x64xf32, #tpu.memory_space<vmem>> -> memref<100x64xf32, #tpu.memory_space<vmem>>
      %dma_start3A_151 = arith.constant 0 : i32
      %dma_start3A_152 = tpu.memref_slice %arg6[%dma_start3A_147, %dma_start3A_151] : memref<8x100xi32, #tpu.memory_space<vmem>> -> memref<1x100xi32, #tpu.memory_space<vmem>>
      %dma_start3A_153 = tpu.memref_squeeze %dma_start3A_152 : memref<1x100xi32, #tpu.memory_space<vmem>> -> memref<100xi32, #tpu.memory_space<vmem>>
      %dma_start3A_154 = arith.constant 0 : i32
      %dma_start3A_155 = arith.constant 0 : i32
      %dma_start3A_156 = tpu.memref_slice %arg3[%dma_start3A_154, %dma_start3A_155] : memref<1000000x64xf32, #tpu.memory_space<hbm>> -> memref<1000000x64xf32, #tpu.memory_space<hbm>>
      tpu.enqueue_indirect_dma source(%dma_start3A_156 : memref<1000000x64xf32, #tpu.memory_space<hbm>>) target(%dma_start3A_150 : memref<100x64xf32, #tpu.memory_space<vmem>>) offsets(%dma_start3A_153 : memref<100xi32, #tpu.memory_space<vmem>>) semaphore(%arg11 : memref<!tpu.dma_semaphore, #tpu.memory_space<semaphore_mem>>)
      %dma_start3A_157 = arith.constant 5 : i32
      %dma_start3A_158 = arith.constant 500 : i32
      %dma_start3A_159 = arith.constant 0 : i32
      %dma_start3A_160 = tpu.memref_slice %arg8[%dma_start3A_158, %dma_start3A_159] : memref<800x64xf32, #tpu.memory_space<vmem>> -> memref<100x64xf32, #tpu.memory_space<vmem>>
      %dma_start3A_161 = arith.constant 0 : i32
      %dma_start3A_162 = tpu.memref_slice %arg6[%dma_start3A_157, %dma_start3A_161] : memref<8x100xi32, #tpu.memory_space<vmem>> -> memref<1x100xi32, #tpu.memory_space<vmem>>
      %dma_start3A_163 = tpu.memref_squeeze %dma_start3A_162 : memref<1x100xi32, #tpu.memory_space<vmem>> -> memref<100xi32, #tpu.memory_space<vmem>>
      %dma_start3A_164 = arith.constant 0 : i32
      %dma_start3A_165 = arith.constant 0 : i32
      %dma_start3A_166 = tpu.memref_slice %arg3[%dma_start3A_164, %dma_start3A_165] : memref<1000000x64xf32, #tpu.memory_space<hbm>> -> memref<1000000x64xf32, #tpu.memory_space<hbm>>
      tpu.enqueue_indirect_dma source(%dma_start3A_166 : memref<1000000x64xf32, #tpu.memory_space<hbm>>) target(%dma_start3A_160 : memref<100x64xf32, #tpu.memory_space<vmem>>) offsets(%dma_start3A_163 : memref<100xi32, #tpu.memory_space<vmem>>) semaphore(%arg11 : memref<!tpu.dma_semaphore, #tpu.memory_space<semaphore_mem>>)
      %dma_start3A_167 = arith.constant 6 : i32
      %dma_start3A_168 = arith.constant 600 : i32
      %dma_start3A_169 = arith.constant 0 : i32
      %dma_start3A_170 = tpu.memref_slice %arg8[%dma_start3A_168, %dma_start3A_169] : memref<800x64xf32, #tpu.memory_space<vmem>> -> memref<100x64xf32, #tpu.memory_space<vmem>>
      %dma_start3A_171 = arith.constant 0 : i32
      %dma_start3A_172 = tpu.memref_slice %arg6[%dma_start3A_167, %dma_start3A_171] : memref<8x100xi32, #tpu.memory_space<vmem>> -> memref<1x100xi32, #tpu.memory_space<vmem>>
      %dma_start3A_173 = tpu.memref_squeeze %dma_start3A_172 : memref<1x100xi32, #tpu.memory_space<vmem>> -> memref<100xi32, #tpu.memory_space<vmem>>
      %dma_start3A_174 = arith.constant 0 : i32
      %dma_start3A_175 = arith.constant 0 : i32
      %dma_start3A_176 = tpu.memref_slice %arg3[%dma_start3A_174, %dma_start3A_175] : memref<1000000x64xf32, #tpu.memory_space<hbm>> -> memref<1000000x64xf32, #tpu.memory_space<hbm>>
      tpu.enqueue_indirect_dma source(%dma_start3A_176 : memref<1000000x64xf32, #tpu.memory_space<hbm>>) target(%dma_start3A_170 : memref<100x64xf32, #tpu.memory_space<vmem>>) offsets(%dma_start3A_173 : memref<100xi32, #tpu.memory_space<vmem>>) semaphore(%arg11 : memref<!tpu.dma_semaphore, #tpu.memory_space<semaphore_mem>>)
      %dma_start3A_177 = arith.constant 7 : i32
      %dma_start3A_178 = arith.constant 700 : i32
      %dma_start3A_179 = arith.constant 0 : i32
      %dma_start3A_180 = tpu.memref_slice %arg8[%dma_start3A_178, %dma_start3A_179] : memref<800x64xf32, #tpu.memory_space<vmem>> -> memref<100x64xf32, #tpu.memory_space<vmem>>
      %dma_start3A_181 = arith.constant 0 : i32
      %dma_start3A_182 = tpu.memref_slice %arg6[%dma_start3A_177, %dma_start3A_181] : memref<8x100xi32, #tpu.memory_space<vmem>> -> memref<1x100xi32, #tpu.memory_space<vmem>>
      %dma_start3A_183 = tpu.memref_squeeze %dma_start3A_182 : memref<1x100xi32, #tpu.memory_space<vmem>> -> memref<100xi32, #tpu.memory_space<vmem>>
      %dma_start3A_184 = arith.constant 0 : i32
      %dma_start3A_185 = arith.constant 0 : i32
      %dma_start3A_186 = tpu.memref_slice %arg3[%dma_start3A_184, %dma_start3A_185] : memref<1000000x64xf32, #tpu.memory_space<hbm>> -> memref<1000000x64xf32, #tpu.memory_space<hbm>>
      tpu.enqueue_indirect_dma source(%dma_start3A_186 : memref<1000000x64xf32, #tpu.memory_space<hbm>>) target(%dma_start3A_180 : memref<100x64xf32, #tpu.memory_space<vmem>>) offsets(%dma_start3A_183 : memref<100xi32, #tpu.memory_space<vmem>>) semaphore(%arg11 : memref<!tpu.dma_semaphore, #tpu.memory_space<semaphore_mem>>)
      %dma_wait3A_187 = arith.constant 0 : i32
      %dma_wait3A_188 = arith.constant 0 : i32
      %dma_wait3A_189 = tpu.memref_slice %arg3[%dma_wait3A_187, %dma_wait3A_188] : memref<1000000x64xf32, #tpu.memory_space<hbm>> -> memref<800x64xf32, #tpu.memory_space<hbm>>
      %dma_wait3A_190 = arith.constant 0 : i32
      %dma_wait3A_191 = arith.constant 0 : i32
      %dma_wait3A_192 = tpu.memref_slice %arg3[%dma_wait3A_190, %dma_wait3A_191] : memref<1000000x64xf32, #tpu.memory_space<hbm>> -> memref<800x64xf32, #tpu.memory_space<hbm>>
      tpu.wait_dma2 semaphore(%arg10 : memref<!tpu.dma_semaphore, #tpu.memory_space<semaphore_mem>>) src(%dma_wait3A_192 : memref<800x64xf32, #tpu.memory_space<hbm>>) dst(%arg7 : memref<800x64xf32, #tpu.memory_space<vmem>>)
      %lt3A = arith.constant 63 : i32
      %lt3A_193 = arith.cmpi slt, %scan3A_100, %lt3A : i32
      %convert_element_type3A = arith.extui %lt3A_193 : i1 to i32
      %cond3A = arith.constant 0 : i32
      %cond3A_194 = arith.cmpi ne, %convert_element_type3A, %cond3A : i32
      scf.if %cond3A_194 {
        %mul3A_667 = arith.constant 2 : i32
        %mul3A_668 = arith.muli %mul3A_667, %scan3A_100 : i32
        %add3A_669 = arith.constant 2 : i32
        %add3A_670 = arith.addi %mul3A_668, %add3A_669 : i32
        %mul3A_671 = arith.constant 8 : i32
        %mul3A_672 = arith.muli %add3A_670, %mul3A_671 : i32
        %add3A_673 = arith.addi %mul3A_2, %mul3A_672 : i32
        %dma_start3A_674 = arith.constant 0 : i32
        %dma_start3A_675 = tpu.memref_slice %arg2[%add3A_673, %dma_start3A_674] : memref<32768x100xi32, #tpu.memory_space<hbm>> -> memref<8x100xi32, #tpu.memory_space<hbm>>
        %dma_start3A_676 = arith.constant 0 : i32
        %dma_start3A_677 = tpu.memref_slice %arg2[%add3A_673, %dma_start3A_676] : memref<32768x100xi32, #tpu.memory_space<hbm>> -> memref<8x100xi32, #tpu.memory_space<hbm>>
        tpu.enqueue_dma source(%dma_start3A_677 : memref<8x100xi32, #tpu.memory_space<hbm>>) target(%arg5 : memref<8x100xi32, #tpu.memory_space<vmem>>) target_semaphore(%arg12 : memref<!tpu.dma_semaphore, #tpu.memory_space<semaphore_mem>>)
      } else {
      }
      %gt3A = arith.constant 0 : i32
      %gt3A_195 = arith.cmpi sgt, %scan3A_100, %gt3A : i32
      %convert_element_type3A_196 = arith.extui %gt3A_195 : i1 to i32
      %cond3A_197 = arith.constant 0 : i32
      %cond3A_198 = arith.cmpi ne, %convert_element_type3A_196, %cond3A_197 : i32
      scf.if %cond3A_198 {
        %dma_wait3A_667 = arith.constant 0 : i32
        %dma_wait3A_668 = arith.constant 0 : i32
        %dma_wait3A_669 = tpu.memref_slice %arg4[%dma_wait3A_667, %dma_wait3A_668] : memref<16384x64xf32, #tpu.memory_space<hbm>> -> memref<8x64xf32, #tpu.memory_space<hbm>>
        %dma_wait3A_670 = arith.constant 0 : i32
        %dma_wait3A_671 = arith.constant 0 : i32
        %dma_wait3A_672 = tpu.memref_slice %arg4[%dma_wait3A_670, %dma_wait3A_671] : memref<16384x64xf32, #tpu.memory_space<hbm>> -> memref<8x64xf32, #tpu.memory_space<hbm>>
        tpu.wait_dma2 semaphore(%arg14 : memref<!tpu.dma_semaphore, #tpu.memory_space<semaphore_mem>>) src(%arg9 : memref<8x64xf32, #tpu.memory_space<vmem>>) dst(%dma_wait3A_672 : memref<8x64xf32, #tpu.memory_space<hbm>>)
      } else {
      }
      %broadcast_in_dim3A = arith.constant 0.000000e+00 : f32
      %broadcast_in_dim3A_199 = vector.broadcast %broadcast_in_dim3A : f32 to vector<16xf32>
      %scan3A_200 = arith.constant 0 : i32
      %scan3A_201 = arith.constant 50 : i32
      %scan3A_202 = arith.addi %scan3A_200, %scan3A_201 : i32
      %scan3A_203 = arith.constant 2 : i32
      %scan3A_204:4 = scf.for %scan3A_667 = %scan3A_200 to %scan3A_202 step %scan3A_203 iter_args(%scan3A_668 = %broadcast_in_dim3A_199, %scan3A_669 = %broadcast_in_dim3A_199, %scan3A_670 = %broadcast_in_dim3A_199, %scan3A_671 = %broadcast_in_dim3A_199) -> (vector<16xf32>, vector<16xf32>, vector<16xf32>, vector<16xf32>)  : i32 {
        %mul3A_672 = arith.constant 4 : i32
        %mul3A_673 = arith.muli %scan3A_667, %mul3A_672 : i32
        %add3A_674 = arith.constant 0 : i32
        %add3A_675 = arith.addi %add3A_674, %mul3A_673 : i32
        %add3A_676 = arith.constant 0 : i32
        %add3A_677 = arith.addi %add3A_675, %add3A_676 : i32
        %get3A = arith.index_cast %add3A_677 : i32 to index
        %get3A_678 = arith.constant 0 : index
        %get3A_679 = tpu.vector_load %arg7[%get3A, %get3A_678] {strides = array<i32>} : memref<800x64xf32, #tpu.memory_space<vmem>>, vector<1x16xf32>,
        %get3A_680 = vector.shape_cast %get3A_679 : vector<1x16xf32> to vector<16xf32>
        %add3A_681 = arith.addf %scan3A_668, %get3A_680 : vector<16xf32>
        %get3A_682 = arith.index_cast %add3A_677 : i32 to index
        %get3A_683 = arith.constant 16 : index
        %get3A_684 = tpu.vector_load %arg7[%get3A_682, %get3A_683] {strides = array<i32>} : memref<800x64xf32, #tpu.memory_space<vmem>>, vector<1x16xf32>,
        %get3A_685 = vector.shape_cast %get3A_684 : vector<1x16xf32> to vector<16xf32>
        %add3A_686 = arith.addf %scan3A_669, %get3A_685 : vector<16xf32>
        %get3A_687 = arith.index_cast %add3A_677 : i32 to index
        %get3A_688 = arith.constant 32 : index
        %get3A_689 = tpu.vector_load %arg7[%get3A_687, %get3A_688] {strides = array<i32>} : memref<800x64xf32, #tpu.memory_space<vmem>>, vector<1x16xf32>,
        %get3A_690 = vector.shape_cast %get3A_689 : vector<1x16xf32> to vector<16xf32>
        %add3A_691 = arith.addf %scan3A_670, %get3A_690 : vector<16xf32>
        %get3A_692 = arith.index_cast %add3A_677 : i32 to index
        %get3A_693 = arith.constant 48 : index
        %get3A_694 = tpu.vector_load %arg7[%get3A_692, %get3A_693] {strides = array<i32>} : memref<800x64xf32, #tpu.memory_space<vmem>>, vector<1x16xf32>,
        %get3A_695 = vector.shape_cast %get3A_694 : vector<1x16xf32> to vector<16xf32>
        %add3A_696 = arith.addf %scan3A_671, %get3A_695 : vector<16xf32>
        %mul3A_697 = arith.constant 4 : i32
        %mul3A_698 = arith.muli %scan3A_667, %mul3A_697 : i32
        %add3A_699 = arith.constant 0 : i32
        %add3A_700 = arith.addi %add3A_699, %mul3A_698 : i32
        %add3A_701 = arith.constant 1 : i32
        %add3A_702 = arith.addi %add3A_700, %add3A_701 : i32
        %get3A_703 = arith.index_cast %add3A_702 : i32 to index
        %get3A_704 = arith.constant 0 : index
        %get3A_705 = tpu.vector_load %arg7[%get3A_703, %get3A_704] {strides = array<i32>} : memref<800x64xf32, #tpu.memory_space<vmem>>, vector<1x16xf32>,
        %get3A_706 = vector.shape_cast %get3A_705 : vector<1x16xf32> to vector<16xf32>
        %add3A_707 = arith.addf %add3A_681, %get3A_706 : vector<16xf32>
        %get3A_708 = arith.index_cast %add3A_702 : i32 to index
        %get3A_709 = arith.constant 16 : index
        %get3A_710 = tpu.vector_load %arg7[%get3A_708, %get3A_709] {strides = array<i32>} : memref<800x64xf32, #tpu.memory_space<vmem>>, vector<1x16xf32>,
        %get3A_711 = vector.shape_cast %get3A_710 : vector<1x16xf32> to vector<16xf32>
        %add3A_712 = arith.addf %add3A_686, %get3A_711 : vector<16xf32>
        %get3A_713 = arith.index_cast %add3A_702 : i32 to index
        %get3A_714 = arith.constant 32 : index
        %get3A_715 = tpu.vector_load %arg7[%get3A_713, %get3A_714] {strides = array<i32>} : memref<800x64xf32, #tpu.memory_space<vmem>>, vector<1x16xf32>,
        %get3A_716 = vector.shape_cast %get3A_715 : vector<1x16xf32> to vector<16xf32>
        %add3A_717 = arith.addf %add3A_691, %get3A_716 : vector<16xf32>
        %get3A_718 = arith.index_cast %add3A_702 : i32 to index
        %get3A_719 = arith.constant 48 : index
        %get3A_720 = tpu.vector_load %arg7[%get3A_718, %get3A_719] {strides = array<i32>} : memref<800x64xf32, #tpu.memory_space<vmem>>, vector<1x16xf32>,
        %get3A_721 = vector.shape_cast %get3A_720 : vector<1x16xf32> to vector<16xf32>
        %add3A_722 = arith.addf %add3A_696, %get3A_721 : vector<16xf32>
        %mul3A_723 = arith.constant 4 : i32
        %mul3A_724 = arith.muli %scan3A_667, %mul3A_723 : i32
        %add3A_725 = arith.constant 0 : i32
        %add3A_726 = arith.addi %add3A_725, %mul3A_724 : i32
        %add3A_727 = arith.constant 2 : i32
        %add3A_728 = arith.addi %add3A_726, %add3A_727 : i32
        %get3A_729 = arith.index_cast %add3A_728 : i32 to index
        %get3A_730 = arith.constant 0 : index
        %get3A_731 = tpu.vector_load %arg7[%get3A_729, %get3A_730] {strides = array<i32>} : memref<800x64xf32, #tpu.memory_space<vmem>>, vector<1x16xf32>,
        %get3A_732 = vector.shape_cast %get3A_731 : vector<1x16xf32> to vector<16xf32>
        %add3A_733 = arith.addf %add3A_707, %get3A_732 : vector<16xf32>
        %get3A_734 = arith.index_cast %add3A_728 : i32 to index
        %get3A_735 = arith.constant 16 : index
        %get3A_736 = tpu.vector_load %arg7[%get3A_734, %get3A_735] {strides = array<i32>} : memref<800x64xf32, #tpu.memory_space<vmem>>, vector<1x16xf32>,
        %get3A_737 = vector.shape_cast %get3A_736 : vector<1x16xf32> to vector<16xf32>
        %add3A_738 = arith.addf %add3A_712, %get3A_737 : vector<16xf32>
        %get3A_739 = arith.index_cast %add3A_728 : i32 to index
        %get3A_740 = arith.constant 32 : index
        %get3A_741 = tpu.vector_load %arg7[%get3A_739, %get3A_740] {strides = array<i32>} : memref<800x64xf32, #tpu.memory_space<vmem>>, vector<1x16xf32>,
        %get3A_742 = vector.shape_cast %get3A_741 : vector<1x16xf32> to vector<16xf32>
        %add3A_743 = arith.addf %add3A_717, %get3A_742 : vector<16xf32>
        %get3A_744 = arith.index_cast %add3A_728 : i32 to index
        %get3A_745 = arith.constant 48 : index
        %get3A_746 = tpu.vector_load %arg7[%get3A_744, %get3A_745] {strides = array<i32>} : memref<800x64xf32, #tpu.memory_space<vmem>>, vector<1x16xf32>,
        %get3A_747 = vector.shape_cast %get3A_746 : vector<1x16xf32> to vector<16xf32>
        %add3A_748 = arith.addf %add3A_722, %get3A_747 : vector<16xf32>
        %mul3A_749 = arith.constant 4 : i32
        %mul3A_750 = arith.muli %scan3A_667, %mul3A_749 : i32
        %add3A_751 = arith.constant 0 : i32
        %add3A_752 = arith.addi %add3A_751, %mul3A_750 : i32
        %add3A_753 = arith.constant 3 : i32
        %add3A_754 = arith.addi %add3A_752, %add3A_753 : i32
        %get3A_755 = arith.index_cast %add3A_754 : i32 to index
        %get3A_756 = arith.constant 0 : index
        %get3A_757 = tpu.vector_load %arg7[%get3A_755, %get3A_756] {strides = array<i32>} : memref<800x64xf32, #tpu.memory_space<vmem>>, vector<1x16xf32>,
        %get3A_758 = vector.shape_cast %get3A_757 : vector<1x16xf32> to vector<16xf32>
        %add3A_759 = arith.addf %add3A_733, %get3A_758 : vector<16xf32>
        %get3A_760 = arith.index_cast %add3A_754 : i32 to index
        %get3A_761 = arith.constant 16 : index
        %get3A_762 = tpu.vector_load %arg7[%get3A_760, %get3A_761] {strides = array<i32>} : memref<800x64xf32, #tpu.memory_space<vmem>>, vector<1x16xf32>,
        %get3A_763 = vector.shape_cast %get3A_762 : vector<1x16xf32> to vector<16xf32>
        %add3A_764 = arith.addf %add3A_738, %get3A_763 : vector<16xf32>
        %get3A_765 = arith.index_cast %add3A_754 : i32 to index
        %get3A_766 = arith.constant 32 : index
        %get3A_767 = tpu.vector_load %arg7[%get3A_765, %get3A_766] {strides = array<i32>} : memref<800x64xf32, #tpu.memory_space<vmem>>, vector<1x16xf32>,
        %get3A_768 = vector.shape_cast %get3A_767 : vector<1x16xf32> to vector<16xf32>
        %add3A_769 = arith.addf %add3A_743, %get3A_768 : vector<16xf32>
        %get3A_770 = arith.index_cast %add3A_754 : i32 to index
        %get3A_771 = arith.constant 48 : index
        %get3A_772 = tpu.vector_load %arg7[%get3A_770, %get3A_771] {strides = array<i32>} : memref<800x64xf32, #tpu.memory_space<vmem>>, vector<1x16xf32>,
        %get3A_773 = vector.shape_cast %get3A_772 : vector<1x16xf32> to vector<16xf32>
        %add3A_774 = arith.addf %add3A_748, %get3A_773 : vector<16xf32>
        %scan3A_775 = arith.constant 1 : i32
        %scan3A_776 = arith.addi %scan3A_667, %scan3A_775 : i32
        %mul3A_777 = arith.constant 4 : i32
        %mul3A_778 = arith.muli %scan3A_776, %mul3A_777 : i32
        %add3A_779 = arith.constant 0 : i32
        %add3A_780 = arith.addi %add3A_779, %mul3A_778 : i32
        %add3A_781 = arith.constant 0 : i32
        %add3A_782 = arith.addi %add3A_780, %add3A_781 : i32
        %get3A_783 = arith.index_cast %add3A_782 : i32 to index
        %get3A_784 = arith.constant 0 : index
        %get3A_785 = tpu.vector_load %arg7[%get3A_783, %get3A_784] {strides = array<i32>} : memref<800x64xf32, #tpu.memory_space<vmem>>, vector<1x16xf32>,
        %get3A_786 = vector.shape_cast %get3A_785 : vector<1x16xf32> to vector<16xf32>
        %add3A_787 = arith.addf %add3A_759, %get3A_786 : vector<16xf32>
        %get3A_788 = arith.index_cast %add3A_782 : i32 to index
        %get3A_789 = arith.constant 16 : index
        %get3A_790 = tpu.vector_load %arg7[%get3A_788, %get3A_789] {strides = array<i32>} : memref<800x64xf32, #tpu.memory_space<vmem>>, vector<1x16xf32>,
        %get3A_791 = vector.shape_cast %get3A_790 : vector<1x16xf32> to vector<16xf32>
        %add3A_792 = arith.addf %add3A_764, %get3A_791 : vector<16xf32>
        %get3A_793 = arith.index_cast %add3A_782 : i32 to index
        %get3A_794 = arith.constant 32 : index
        %get3A_795 = tpu.vector_load %arg7[%get3A_793, %get3A_794] {strides = array<i32>} : memref<800x64xf32, #tpu.memory_space<vmem>>, vector<1x16xf32>,
        %get3A_796 = vector.shape_cast %get3A_795 : vector<1x16xf32> to vector<16xf32>
        %add3A_797 = arith.addf %add3A_769, %get3A_796 : vector<16xf32>
        %get3A_798 = arith.index_cast %add3A_782 : i32 to index
        %get3A_799 = arith.constant 48 : index
        %get3A_800 = tpu.vector_load %arg7[%get3A_798, %get3A_799] {strides = array<i32>} : memref<800x64xf32, #tpu.memory_space<vmem>>, vector<1x16xf32>,
        %get3A_801 = vector.shape_cast %get3A_800 : vector<1x16xf32> to vector<16xf32>
        %add3A_802 = arith.addf %add3A_774, %get3A_801 : vector<16xf32>
        %mul3A_803 = arith.constant 4 : i32
        %mul3A_804 = arith.muli %scan3A_776, %mul3A_803 : i32
        %add3A_805 = arith.constant 0 : i32
        %add3A_806 = arith.addi %add3A_805, %mul3A_804 : i32
        %add3A_807 = arith.constant 1 : i32
        %add3A_808 = arith.addi %add3A_806, %add3A_807 : i32
        %get3A_809 = arith.index_cast %add3A_808 : i32 to index
        %get3A_810 = arith.constant 0 : index
        %get3A_811 = tpu.vector_load %arg7[%get3A_809, %get3A_810] {strides = array<i32>} : memref<800x64xf32, #tpu.memory_space<vmem>>, vector<1x16xf32>,
        %get3A_812 = vector.shape_cast %get3A_811 : vector<1x16xf32> to vector<16xf32>
        %add3A_813 = arith.addf %add3A_787, %get3A_812 : vector<16xf32>
        %get3A_814 = arith.index_cast %add3A_808 : i32 to index
        %get3A_815 = arith.constant 16 : index
        %get3A_816 = tpu.vector_load %arg7[%get3A_814, %get3A_815] {strides = array<i32>} : memref<800x64xf32, #tpu.memory_space<vmem>>, vector<1x16xf32>,
        %get3A_817 = vector.shape_cast %get3A_816 : vector<1x16xf32> to vector<16xf32>
        %add3A_818 = arith.addf %add3A_792, %get3A_817 : vector<16xf32>
        %get3A_819 = arith.index_cast %add3A_808 : i32 to index
        %get3A_820 = arith.constant 32 : index
        %get3A_821 = tpu.vector_load %arg7[%get3A_819, %get3A_820] {strides = array<i32>} : memref<800x64xf32, #tpu.memory_space<vmem>>, vector<1x16xf32>,
        %get3A_822 = vector.shape_cast %get3A_821 : vector<1x16xf32> to vector<16xf32>
        %add3A_823 = arith.addf %add3A_797, %get3A_822 : vector<16xf32>
        %get3A_824 = arith.index_cast %add3A_808 : i32 to index
        %get3A_825 = arith.constant 48 : index
        %get3A_826 = tpu.vector_load %arg7[%get3A_824, %get3A_825] {strides = array<i32>} : memref<800x64xf32, #tpu.memory_space<vmem>>, vector<1x16xf32>,
        %get3A_827 = vector.shape_cast %get3A_826 : vector<1x16xf32> to vector<16xf32>
        %add3A_828 = arith.addf %add3A_802, %get3A_827 : vector<16xf32>
        %mul3A_829 = arith.constant 4 : i32
        %mul3A_830 = arith.muli %scan3A_776, %mul3A_829 : i32
        %add3A_831 = arith.constant 0 : i32
        %add3A_832 = arith.addi %add3A_831, %mul3A_830 : i32
        %add3A_833 = arith.constant 2 : i32
        %add3A_834 = arith.addi %add3A_832, %add3A_833 : i32
        %get3A_835 = arith.index_cast %add3A_834 : i32 to index
        %get3A_836 = arith.constant 0 : index
        %get3A_837 = tpu.vector_load %arg7[%get3A_835, %get3A_836] {strides = array<i32>} : memref<800x64xf32, #tpu.memory_space<vmem>>, vector<1x16xf32>,
        %get3A_838 = vector.shape_cast %get3A_837 : vector<1x16xf32> to vector<16xf32>
        %add3A_839 = arith.addf %add3A_813, %get3A_838 : vector<16xf32>
        %get3A_840 = arith.index_cast %add3A_834 : i32 to index
        %get3A_841 = arith.constant 16 : index
        %get3A_842 = tpu.vector_load %arg7[%get3A_840, %get3A_841] {strides = array<i32>} : memref<800x64xf32, #tpu.memory_space<vmem>>, vector<1x16xf32>,
        %get3A_843 = vector.shape_cast %get3A_842 : vector<1x16xf32> to vector<16xf32>
        %add3A_844 = arith.addf %add3A_818, %get3A_843 : vector<16xf32>
        %get3A_845 = arith.index_cast %add3A_834 : i32 to index
        %get3A_846 = arith.constant 32 : index
        %get3A_847 = tpu.vector_load %arg7[%get3A_845, %get3A_846] {strides = array<i32>} : memref<800x64xf32, #tpu.memory_space<vmem>>, vector<1x16xf32>,
        %get3A_848 = vector.shape_cast %get3A_847 : vector<1x16xf32> to vector<16xf32>
        %add3A_849 = arith.addf %add3A_823, %get3A_848 : vector<16xf32>
        %get3A_850 = arith.index_cast %add3A_834 : i32 to index
        %get3A_851 = arith.constant 48 : index
        %get3A_852 = tpu.vector_load %arg7[%get3A_850, %get3A_851] {strides = array<i32>} : memref<800x64xf32, #tpu.memory_space<vmem>>, vector<1x16xf32>,
        %get3A_853 = vector.shape_cast %get3A_852 : vector<1x16xf32> to vector<16xf32>
        %add3A_854 = arith.addf %add3A_828, %get3A_853 : vector<16xf32>
        %mul3A_855 = arith.constant 4 : i32
        %mul3A_856 = arith.muli %scan3A_776, %mul3A_855 : i32
        %add3A_857 = arith.constant 0 : i32
        %add3A_858 = arith.addi %add3A_857, %mul3A_856 : i32
        %add3A_859 = arith.constant 3 : i32
        %add3A_860 = arith.addi %add3A_858, %add3A_859 : i32
        %get3A_861 = arith.index_cast %add3A_860 : i32 to index
        %get3A_862 = arith.constant 0 : index
        %get3A_863 = tpu.vector_load %arg7[%get3A_861, %get3A_862] {strides = array<i32>} : memref<800x64xf32, #tpu.memory_space<vmem>>, vector<1x16xf32>,
        %get3A_864 = vector.shape_cast %get3A_863 : vector<1x16xf32> to vector<16xf32>
        %add3A_865 = arith.addf %add3A_839, %get3A_864 : vector<16xf32>
        %get3A_866 = arith.index_cast %add3A_860 : i32 to index
        %get3A_867 = arith.constant 16 : index
        %get3A_868 = tpu.vector_load %arg7[%get3A_866, %get3A_867] {strides = array<i32>} : memref<800x64xf32, #tpu.memory_space<vmem>>, vector<1x16xf32>,
        %get3A_869 = vector.shape_cast %get3A_868 : vector<1x16xf32> to vector<16xf32>
        %add3A_870 = arith.addf %add3A_844, %get3A_869 : vector<16xf32>
        %get3A_871 = arith.index_cast %add3A_860 : i32 to index
        %get3A_872 = arith.constant 32 : index
        %get3A_873 = tpu.vector_load %arg7[%get3A_871, %get3A_872] {strides = array<i32>} : memref<800x64xf32, #tpu.memory_space<vmem>>, vector<1x16xf32>,
        %get3A_874 = vector.shape_cast %get3A_873 : vector<1x16xf32> to vector<16xf32>
        %add3A_875 = arith.addf %add3A_849, %get3A_874 : vector<16xf32>
        %get3A_876 = arith.index_cast %add3A_860 : i32 to index
        %get3A_877 = arith.constant 48 : index
        %get3A_878 = tpu.vector_load %arg7[%get3A_876, %get3A_877] {strides = array<i32>} : memref<800x64xf32, #tpu.memory_space<vmem>>, vector<1x16xf32>,
        %get3A_879 = vector.shape_cast %get3A_878 : vector<1x16xf32> to vector<16xf32>
        %add3A_880 = arith.addf %add3A_854, %get3A_879 : vector<16xf32>
        scf.yield %add3A_865, %add3A_870, %add3A_875, %add3A_880 : vector<16xf32>, vector<16xf32>, vector<16xf32>, vector<16xf32>
      }
      %scan3A_205 = arith.constant 50 : i32
      %mul3A_206 = arith.constant 5.000000e-03 : f32
      %mul3A_207 = vector.broadcast %mul3A_206 : f32 to vector<16xf32>
      %mul3A_208 = arith.mulf %scan3A_204#0, %mul3A_207 : vector<16xf32>
      %max3A = arith.constant 0.000000e+00 : f32
      %max3A_209 = vector.broadcast %max3A : f32 to vector<16xf32>
      %max3A_210 = arith.maximumf %mul3A_208, %max3A_209 : vector<16xf32>
      %swap3A = arith.constant 0 : i32
      %swap3A_211 = arith.index_cast %swap3A : i32 to index
      %swap3A_212 = arith.constant 0 : index
      %swap3A_213 = tpu.vector_load %arg9[%swap3A_211, %swap3A_212] {strides = array<i32>} : memref<8x64xf32, #tpu.memory_space<vmem>>, vector<1x16xf32>,
      %swap3A_214 = vector.shape_cast %swap3A_213 : vector<1x16xf32> to vector<16xf32>
      %swap3A_215 = vector.shape_cast %max3A_210 : vector<16xf32> to vector<1x16xf32>
      tpu.vector_store %arg9[%swap3A_211, %swap3A_212], %swap3A_215 {strides = array<i32>} : memref<8x64xf32, #tpu.memory_space<vmem>>, vector<1x16xf32>,
      %mul3A_216 = arith.constant 5.000000e-03 : f32
      %mul3A_217 = vector.broadcast %mul3A_216 : f32 to vector<16xf32>
      %mul3A_218 = arith.mulf %scan3A_204#1, %mul3A_217 : vector<16xf32>
      %max3A_219 = arith.constant 0.000000e+00 : f32
      %max3A_220 = vector.broadcast %max3A_219 : f32 to vector<16xf32>
      %max3A_221 = arith.maximumf %mul3A_218, %max3A_220 : vector<16xf32>
      %swap3A_222 = arith.constant 0 : i32
      %swap3A_223 = arith.index_cast %swap3A_222 : i32 to index
      %swap3A_224 = arith.constant 16 : index
      %swap3A_225 = tpu.vector_load %arg9[%swap3A_223, %swap3A_224] {strides = array<i32>} : memref<8x64xf32, #tpu.memory_space<vmem>>, vector<1x16xf32>,
      %swap3A_226 = vector.shape_cast %swap3A_225 : vector<1x16xf32> to vector<16xf32>
      %swap3A_227 = vector.shape_cast %max3A_221 : vector<16xf32> to vector<1x16xf32>
      tpu.vector_store %arg9[%swap3A_223, %swap3A_224], %swap3A_227 {strides = array<i32>} : memref<8x64xf32, #tpu.memory_space<vmem>>, vector<1x16xf32>,
      %mul3A_228 = arith.constant 5.000000e-03 : f32
      %mul3A_229 = vector.broadcast %mul3A_228 : f32 to vector<16xf32>
      %mul3A_230 = arith.mulf %scan3A_204#2, %mul3A_229 : vector<16xf32>
      %max3A_231 = arith.constant 0.000000e+00 : f32
      %max3A_232 = vector.broadcast %max3A_231 : f32 to vector<16xf32>
      %max3A_233 = arith.maximumf %mul3A_230, %max3A_232 : vector<16xf32>
      %swap3A_234 = arith.constant 0 : i32
      %swap3A_235 = arith.index_cast %swap3A_234 : i32 to index
      %swap3A_236 = arith.constant 32 : index
      %swap3A_237 = tpu.vector_load %arg9[%swap3A_235, %swap3A_236] {strides = array<i32>} : memref<8x64xf32, #tpu.memory_space<vmem>>, vector<1x16xf32>,
      %swap3A_238 = vector.shape_cast %swap3A_237 : vector<1x16xf32> to vector<16xf32>
      %swap3A_239 = vector.shape_cast %max3A_233 : vector<16xf32> to vector<1x16xf32>
      tpu.vector_store %arg9[%swap3A_235, %swap3A_236], %swap3A_239 {strides = array<i32>} : memref<8x64xf32, #tpu.memory_space<vmem>>, vector<1x16xf32>,
      %mul3A_240 = arith.constant 5.000000e-03 : f32
      %mul3A_241 = vector.broadcast %mul3A_240 : f32 to vector<16xf32>
      %mul3A_242 = arith.mulf %scan3A_204#3, %mul3A_241 : vector<16xf32>
      %max3A_243 = arith.constant 0.000000e+00 : f32
      %max3A_244 = vector.broadcast %max3A_243 : f32 to vector<16xf32>
      %max3A_245 = arith.maximumf %mul3A_242, %max3A_244 : vector<16xf32>
      %swap3A_246 = arith.constant 0 : i32
      %swap3A_247 = arith.index_cast %swap3A_246 : i32 to index
      %swap3A_248 = arith.constant 48 : index
      %swap3A_249 = tpu.vector_load %arg9[%swap3A_247, %swap3A_248] {strides = array<i32>} : memref<8x64xf32, #tpu.memory_space<vmem>>, vector<1x16xf32>,
      %swap3A_250 = vector.shape_cast %swap3A_249 : vector<1x16xf32> to vector<16xf32>
      %swap3A_251 = vector.shape_cast %max3A_245 : vector<16xf32> to vector<1x16xf32>
      tpu.vector_store %arg9[%swap3A_247, %swap3A_248], %swap3A_251 {strides = array<i32>} : memref<8x64xf32, #tpu.memory_space<vmem>>, vector<1x16xf32>,
      %broadcast_in_dim3A_252 = arith.constant 0.000000e+00 : f32
      %broadcast_in_dim3A_253 = vector.broadcast %broadcast_in_dim3A_252 : f32 to vector<16xf32>
      %scan3A_254 = arith.constant 0 : i32
      %scan3A_255 = arith.constant 50 : i32
      %scan3A_256 = arith.addi %scan3A_254, %scan3A_255 : i32
      %scan3A_257 = arith.constant 2 : i32
      %scan3A_258:4 = scf.for %scan3A_667 = %scan3A_254 to %scan3A_256 step %scan3A_257 iter_args(%scan3A_668 = %broadcast_in_dim3A_253, %scan3A_669 = %broadcast_in_dim3A_253, %scan3A_670 = %broadcast_in_dim3A_253, %scan3A_671 = %broadcast_in_dim3A_253) -> (vector<16xf32>, vector<16xf32>, vector<16xf32>, vector<16xf32>)  : i32 {
        %mul3A_672 = arith.constant 4 : i32
        %mul3A_673 = arith.muli %scan3A_667, %mul3A_672 : i32
        %add3A_674 = arith.constant 200 : i32
        %add3A_675 = arith.addi %add3A_674, %mul3A_673 : i32
        %add3A_676 = arith.constant 0 : i32
        %add3A_677 = arith.addi %add3A_675, %add3A_676 : i32
        %get3A = arith.index_cast %add3A_677 : i32 to index
        %get3A_678 = arith.constant 0 : index
        %get3A_679 = tpu.vector_load %arg7[%get3A, %get3A_678] {strides = array<i32>} : memref<800x64xf32, #tpu.memory_space<vmem>>, vector<1x16xf32>,
        %get3A_680 = vector.shape_cast %get3A_679 : vector<1x16xf32> to vector<16xf32>
        %add3A_681 = arith.addf %scan3A_668, %get3A_680 : vector<16xf32>
        %get3A_682 = arith.index_cast %add3A_677 : i32 to index
        %get3A_683 = arith.constant 16 : index
        %get3A_684 = tpu.vector_load %arg7[%get3A_682, %get3A_683] {strides = array<i32>} : memref<800x64xf32, #tpu.memory_space<vmem>>, vector<1x16xf32>,
        %get3A_685 = vector.shape_cast %get3A_684 : vector<1x16xf32> to vector<16xf32>
        %add3A_686 = arith.addf %scan3A_669, %get3A_685 : vector<16xf32>
        %get3A_687 = arith.index_cast %add3A_677 : i32 to index
        %get3A_688 = arith.constant 32 : index
        %get3A_689 = tpu.vector_load %arg7[%get3A_687, %get3A_688] {strides = array<i32>} : memref<800x64xf32, #tpu.memory_space<vmem>>, vector<1x16xf32>,
        %get3A_690 = vector.shape_cast %get3A_689 : vector<1x16xf32> to vector<16xf32>
        %add3A_691 = arith.addf %scan3A_670, %get3A_690 : vector<16xf32>
        %get3A_692 = arith.index_cast %add3A_677 : i32 to index
        %get3A_693 = arith.constant 48 : index
        %get3A_694 = tpu.vector_load %arg7[%get3A_692, %get3A_693] {strides = array<i32>} : memref<800x64xf32, #tpu.memory_space<vmem>>, vector<1x16xf32>,
        %get3A_695 = vector.shape_cast %get3A_694 : vector<1x16xf32> to vector<16xf32>
        %add3A_696 = arith.addf %scan3A_671, %get3A_695 : vector<16xf32>
        %mul3A_697 = arith.constant 4 : i32
        %mul3A_698 = arith.muli %scan3A_667, %mul3A_697 : i32
        %add3A_699 = arith.constant 200 : i32
        %add3A_700 = arith.addi %add3A_699, %mul3A_698 : i32
        %add3A_701 = arith.constant 1 : i32
        %add3A_702 = arith.addi %add3A_700, %add3A_701 : i32
        %get3A_703 = arith.index_cast %add3A_702 : i32 to index
        %get3A_704 = arith.constant 0 : index
        %get3A_705 = tpu.vector_load %arg7[%get3A_703, %get3A_704] {strides = array<i32>} : memref<800x64xf32, #tpu.memory_space<vmem>>, vector<1x16xf32>,
        %get3A_706 = vector.shape_cast %get3A_705 : vector<1x16xf32> to vector<16xf32>
        %add3A_707 = arith.addf %add3A_681, %get3A_706 : vector<16xf32>
        %get3A_708 = arith.index_cast %add3A_702 : i32 to index
        %get3A_709 = arith.constant 16 : index
        %get3A_710 = tpu.vector_load %arg7[%get3A_708, %get3A_709] {strides = array<i32>} : memref<800x64xf32, #tpu.memory_space<vmem>>, vector<1x16xf32>,
        %get3A_711 = vector.shape_cast %get3A_710 : vector<1x16xf32> to vector<16xf32>
        %add3A_712 = arith.addf %add3A_686, %get3A_711 : vector<16xf32>
        %get3A_713 = arith.index_cast %add3A_702 : i32 to index
        %get3A_714 = arith.constant 32 : index
        %get3A_715 = tpu.vector_load %arg7[%get3A_713, %get3A_714] {strides = array<i32>} : memref<800x64xf32, #tpu.memory_space<vmem>>, vector<1x16xf32>,
        %get3A_716 = vector.shape_cast %get3A_715 : vector<1x16xf32> to vector<16xf32>
        %add3A_717 = arith.addf %add3A_691, %get3A_716 : vector<16xf32>
        %get3A_718 = arith.index_cast %add3A_702 : i32 to index
        %get3A_719 = arith.constant 48 : index
        %get3A_720 = tpu.vector_load %arg7[%get3A_718, %get3A_719] {strides = array<i32>} : memref<800x64xf32, #tpu.memory_space<vmem>>, vector<1x16xf32>,
        %get3A_721 = vector.shape_cast %get3A_720 : vector<1x16xf32> to vector<16xf32>
        %add3A_722 = arith.addf %add3A_696, %get3A_721 : vector<16xf32>
        %mul3A_723 = arith.constant 4 : i32
        %mul3A_724 = arith.muli %scan3A_667, %mul3A_723 : i32
        %add3A_725 = arith.constant 200 : i32
        %add3A_726 = arith.addi %add3A_725, %mul3A_724 : i32
        %add3A_727 = arith.constant 2 : i32
        %add3A_728 = arith.addi %add3A_726, %add3A_727 : i32
        %get3A_729 = arith.index_cast %add3A_728 : i32 to index
        %get3A_730 = arith.constant 0 : index
        %get3A_731 = tpu.vector_load %arg7[%get3A_729, %get3A_730] {strides = array<i32>} : memref<800x64xf32, #tpu.memory_space<vmem>>, vector<1x16xf32>,
        %get3A_732 = vector.shape_cast %get3A_731 : vector<1x16xf32> to vector<16xf32>
        %add3A_733 = arith.addf %add3A_707, %get3A_732 : vector<16xf32>
        %get3A_734 = arith.index_cast %add3A_728 : i32 to index
        %get3A_735 = arith.constant 16 : index
        %get3A_736 = tpu.vector_load %arg7[%get3A_734, %get3A_735] {strides = array<i32>} : memref<800x64xf32, #tpu.memory_space<vmem>>, vector<1x16xf32>,
        %get3A_737 = vector.shape_cast %get3A_736 : vector<1x16xf32> to vector<16xf32>
        %add3A_738 = arith.addf %add3A_712, %get3A_737 : vector<16xf32>
        %get3A_739 = arith.index_cast %add3A_728 : i32 to index
        %get3A_740 = arith.constant 32 : index
        %get3A_741 = tpu.vector_load %arg7[%get3A_739, %get3A_740] {strides = array<i32>} : memref<800x64xf32, #tpu.memory_space<vmem>>, vector<1x16xf32>,
        %get3A_742 = vector.shape_cast %get3A_741 : vector<1x16xf32> to vector<16xf32>
        %add3A_743 = arith.addf %add3A_717, %get3A_742 : vector<16xf32>
        %get3A_744 = arith.index_cast %add3A_728 : i32 to index
        %get3A_745 = arith.constant 48 : index
        %get3A_746 = tpu.vector_load %arg7[%get3A_744, %get3A_745] {strides = array<i32>} : memref<800x64xf32, #tpu.memory_space<vmem>>, vector<1x16xf32>,
        %get3A_747 = vector.shape_cast %get3A_746 : vector<1x16xf32> to vector<16xf32>
        %add3A_748 = arith.addf %add3A_722, %get3A_747 : vector<16xf32>
        %mul3A_749 = arith.constant 4 : i32
        %mul3A_750 = arith.muli %scan3A_667, %mul3A_749 : i32
        %add3A_751 = arith.constant 200 : i32
        %add3A_752 = arith.addi %add3A_751, %mul3A_750 : i32
        %add3A_753 = arith.constant 3 : i32
        %add3A_754 = arith.addi %add3A_752, %add3A_753 : i32
        %get3A_755 = arith.index_cast %add3A_754 : i32 to index
        %get3A_756 = arith.constant 0 : index
        %get3A_757 = tpu.vector_load %arg7[%get3A_755, %get3A_756] {strides = array<i32>} : memref<800x64xf32, #tpu.memory_space<vmem>>, vector<1x16xf32>,
        %get3A_758 = vector.shape_cast %get3A_757 : vector<1x16xf32> to vector<16xf32>
        %add3A_759 = arith.addf %add3A_733, %get3A_758 : vector<16xf32>
        %get3A_760 = arith.index_cast %add3A_754 : i32 to index
        %get3A_761 = arith.constant 16 : index
        %get3A_762 = tpu.vector_load %arg7[%get3A_760, %get3A_761] {strides = array<i32>} : memref<800x64xf32, #tpu.memory_space<vmem>>, vector<1x16xf32>,
        %get3A_763 = vector.shape_cast %get3A_762 : vector<1x16xf32> to vector<16xf32>
        %add3A_764 = arith.addf %add3A_738, %get3A_763 : vector<16xf32>
        %get3A_765 = arith.index_cast %add3A_754 : i32 to index
        %get3A_766 = arith.constant 32 : index
        %get3A_767 = tpu.vector_load %arg7[%get3A_765, %get3A_766] {strides = array<i32>} : memref<800x64xf32, #tpu.memory_space<vmem>>, vector<1x16xf32>,
        %get3A_768 = vector.shape_cast %get3A_767 : vector<1x16xf32> to vector<16xf32>
        %add3A_769 = arith.addf %add3A_743, %get3A_768 : vector<16xf32>
        %get3A_770 = arith.index_cast %add3A_754 : i32 to index
        %get3A_771 = arith.constant 48 : index
        %get3A_772 = tpu.vector_load %arg7[%get3A_770, %get3A_771] {strides = array<i32>} : memref<800x64xf32, #tpu.memory_space<vmem>>, vector<1x16xf32>,
        %get3A_773 = vector.shape_cast %get3A_772 : vector<1x16xf32> to vector<16xf32>
        %add3A_774 = arith.addf %add3A_748, %get3A_773 : vector<16xf32>
        %scan3A_775 = arith.constant 1 : i32
        %scan3A_776 = arith.addi %scan3A_667, %scan3A_775 : i32
        %mul3A_777 = arith.constant 4 : i32
        %mul3A_778 = arith.muli %scan3A_776, %mul3A_777 : i32
        %add3A_779 = arith.constant 200 : i32
        %add3A_780 = arith.addi %add3A_779, %mul3A_778 : i32
        %add3A_781 = arith.constant 0 : i32
        %add3A_782 = arith.addi %add3A_780, %add3A_781 : i32
        %get3A_783 = arith.index_cast %add3A_782 : i32 to index
        %get3A_784 = arith.constant 0 : index
        %get3A_785 = tpu.vector_load %arg7[%get3A_783, %get3A_784] {strides = array<i32>} : memref<800x64xf32, #tpu.memory_space<vmem>>, vector<1x16xf32>,
        %get3A_786 = vector.shape_cast %get3A_785 : vector<1x16xf32> to vector<16xf32>
        %add3A_787 = arith.addf %add3A_759, %get3A_786 : vector<16xf32>
        %get3A_788 = arith.index_cast %add3A_782 : i32 to index
        %get3A_789 = arith.constant 16 : index
        %get3A_790 = tpu.vector_load %arg7[%get3A_788, %get3A_789] {strides = array<i32>} : memref<800x64xf32, #tpu.memory_space<vmem>>, vector<1x16xf32>,
        %get3A_791 = vector.shape_cast %get3A_790 : vector<1x16xf32> to vector<16xf32>
        %add3A_792 = arith.addf %add3A_764, %get3A_791 : vector<16xf32>
        %get3A_793 = arith.index_cast %add3A_782 : i32 to index
        %get3A_794 = arith.constant 32 : index
        %get3A_795 = tpu.vector_load %arg7[%get3A_793, %get3A_794] {strides = array<i32>} : memref<800x64xf32, #tpu.memory_space<vmem>>, vector<1x16xf32>,
        %get3A_796 = vector.shape_cast %get3A_795 : vector<1x16xf32> to vector<16xf32>
        %add3A_797 = arith.addf %add3A_769, %get3A_796 : vector<16xf32>
        %get3A_798 = arith.index_cast %add3A_782 : i32 to index
        %get3A_799 = arith.constant 48 : index
        %get3A_800 = tpu.vector_load %arg7[%get3A_798, %get3A_799] {strides = array<i32>} : memref<800x64xf32, #tpu.memory_space<vmem>>, vector<1x16xf32>,
        %get3A_801 = vector.shape_cast %get3A_800 : vector<1x16xf32> to vector<16xf32>
        %add3A_802 = arith.addf %add3A_774, %get3A_801 : vector<16xf32>
        %mul3A_803 = arith.constant 4 : i32
        %mul3A_804 = arith.muli %scan3A_776, %mul3A_803 : i32
        %add3A_805 = arith.constant 200 : i32
        %add3A_806 = arith.addi %add3A_805, %mul3A_804 : i32
        %add3A_807 = arith.constant 1 : i32
        %add3A_808 = arith.addi %add3A_806, %add3A_807 : i32
        %get3A_809 = arith.index_cast %add3A_808 : i32 to index
        %get3A_810 = arith.constant 0 : index
        %get3A_811 = tpu.vector_load %arg7[%get3A_809, %get3A_810] {strides = array<i32>} : memref<800x64xf32, #tpu.memory_space<vmem>>, vector<1x16xf32>,
        %get3A_812 = vector.shape_cast %get3A_811 : vector<1x16xf32> to vector<16xf32>
        %add3A_813 = arith.addf %add3A_787, %get3A_812 : vector<16xf32>
        %get3A_814 = arith.index_cast %add3A_808 : i32 to index
        %get3A_815 = arith.constant 16 : index
        %get3A_816 = tpu.vector_load %arg7[%get3A_814, %get3A_815] {strides = array<i32>} : memref<800x64xf32, #tpu.memory_space<vmem>>, vector<1x16xf32>,
        %get3A_817 = vector.shape_cast %get3A_816 : vector<1x16xf32> to vector<16xf32>
        %add3A_818 = arith.addf %add3A_792, %get3A_817 : vector<16xf32>
        %get3A_819 = arith.index_cast %add3A_808 : i32 to index
        %get3A_820 = arith.constant 32 : index
        %get3A_821 = tpu.vector_load %arg7[%get3A_819, %get3A_820] {strides = array<i32>} : memref<800x64xf32, #tpu.memory_space<vmem>>, vector<1x16xf32>,
        %get3A_822 = vector.shape_cast %get3A_821 : vector<1x16xf32> to vector<16xf32>
        %add3A_823 = arith.addf %add3A_797, %get3A_822 : vector<16xf32>
        %get3A_824 = arith.index_cast %add3A_808 : i32 to index
        %get3A_825 = arith.constant 48 : index
        %get3A_826 = tpu.vector_load %arg7[%get3A_824, %get3A_825] {strides = array<i32>} : memref<800x64xf32, #tpu.memory_space<vmem>>, vector<1x16xf32>,
        %get3A_827 = vector.shape_cast %get3A_826 : vector<1x16xf32> to vector<16xf32>
        %add3A_828 = arith.addf %add3A_802, %get3A_827 : vector<16xf32>
        %mul3A_829 = arith.constant 4 : i32
        %mul3A_830 = arith.muli %scan3A_776, %mul3A_829 : i32
        %add3A_831 = arith.constant 200 : i32
        %add3A_832 = arith.addi %add3A_831, %mul3A_830 : i32
        %add3A_833 = arith.constant 2 : i32
        %add3A_834 = arith.addi %add3A_832, %add3A_833 : i32
        %get3A_835 = arith.index_cast %add3A_834 : i32 to index
        %get3A_836 = arith.constant 0 : index
        %get3A_837 = tpu.vector_load %arg7[%get3A_835, %get3A_836] {strides = array<i32>} : memref<800x64xf32, #tpu.memory_space<vmem>>, vector<1x16xf32>,
        %get3A_838 = vector.shape_cast %get3A_837 : vector<1x16xf32> to vector<16xf32>
        %add3A_839 = arith.addf %add3A_813, %get3A_838 : vector<16xf32>
        %get3A_840 = arith.index_cast %add3A_834 : i32 to index
        %get3A_841 = arith.constant 16 : index
        %get3A_842 = tpu.vector_load %arg7[%get3A_840, %get3A_841] {strides = array<i32>} : memref<800x64xf32, #tpu.memory_space<vmem>>, vector<1x16xf32>,
        %get3A_843 = vector.shape_cast %get3A_842 : vector<1x16xf32> to vector<16xf32>
        %add3A_844 = arith.addf %add3A_818, %get3A_843 : vector<16xf32>
        %get3A_845 = arith.index_cast %add3A_834 : i32 to index
        %get3A_846 = arith.constant 32 : index
        %get3A_847 = tpu.vector_load %arg7[%get3A_845, %get3A_846] {strides = array<i32>} : memref<800x64xf32, #tpu.memory_space<vmem>>, vector<1x16xf32>,
        %get3A_848 = vector.shape_cast %get3A_847 : vector<1x16xf32> to vector<16xf32>
        %add3A_849 = arith.addf %add3A_823, %get3A_848 : vector<16xf32>
        %get3A_850 = arith.index_cast %add3A_834 : i32 to index
        %get3A_851 = arith.constant 48 : index
        %get3A_852 = tpu.vector_load %arg7[%get3A_850, %get3A_851] {strides = array<i32>} : memref<800x64xf32, #tpu.memory_space<vmem>>, vector<1x16xf32>,
        %get3A_853 = vector.shape_cast %get3A_852 : vector<1x16xf32> to vector<16xf32>
        %add3A_854 = arith.addf %add3A_828, %get3A_853 : vector<16xf32>
        %mul3A_855 = arith.constant 4 : i32
        %mul3A_856 = arith.muli %scan3A_776, %mul3A_855 : i32
        %add3A_857 = arith.constant 200 : i32
        %add3A_858 = arith.addi %add3A_857, %mul3A_856 : i32
        %add3A_859 = arith.constant 3 : i32
        %add3A_860 = arith.addi %add3A_858, %add3A_859 : i32
        %get3A_861 = arith.index_cast %add3A_860 : i32 to index
        %get3A_862 = arith.constant 0 : index
        %get3A_863 = tpu.vector_load %arg7[%get3A_861, %get3A_862] {strides = array<i32>} : memref<800x64xf32, #tpu.memory_space<vmem>>, vector<1x16xf32>,
        %get3A_864 = vector.shape_cast %get3A_863 : vector<1x16xf32> to vector<16xf32>
        %add3A_865 = arith.addf %add3A_839, %get3A_864 : vector<16xf32>
        %get3A_866 = arith.index_cast %add3A_860 : i32 to index
        %get3A_867 = arith.constant 16 : index
        %get3A_868 = tpu.vector_load %arg7[%get3A_866, %get3A_867] {strides = array<i32>} : memref<800x64xf32, #tpu.memory_space<vmem>>, vector<1x16xf32>,
        %get3A_869 = vector.shape_cast %get3A_868 : vector<1x16xf32> to vector<16xf32>
        %add3A_870 = arith.addf %add3A_844, %get3A_869 : vector<16xf32>
        %get3A_871 = arith.index_cast %add3A_860 : i32 to index
        %get3A_872 = arith.constant 32 : index
        %get3A_873 = tpu.vector_load %arg7[%get3A_871, %get3A_872] {strides = array<i32>} : memref<800x64xf32, #tpu.memory_space<vmem>>, vector<1x16xf32>,
        %get3A_874 = vector.shape_cast %get3A_873 : vector<1x16xf32> to vector<16xf32>
        %add3A_875 = arith.addf %add3A_849, %get3A_874 : vector<16xf32>
        %get3A_876 = arith.index_cast %add3A_860 : i32 to index
        %get3A_877 = arith.constant 48 : index
        %get3A_878 = tpu.vector_load %arg7[%get3A_876, %get3A_877] {strides = array<i32>} : memref<800x64xf32, #tpu.memory_space<vmem>>, vector<1x16xf32>,
        %get3A_879 = vector.shape_cast %get3A_878 : vector<1x16xf32> to vector<16xf32>
        %add3A_880 = arith.addf %add3A_854, %get3A_879 : vector<16xf32>
        scf.yield %add3A_865, %add3A_870, %add3A_875, %add3A_880 : vector<16xf32>, vector<16xf32>, vector<16xf32>, vector<16xf32>
      }
      %scan3A_259 = arith.constant 50 : i32
      %mul3A_260 = arith.constant 5.000000e-03 : f32
      %mul3A_261 = vector.broadcast %mul3A_260 : f32 to vector<16xf32>
      %mul3A_262 = arith.mulf %scan3A_258#0, %mul3A_261 : vector<16xf32>
      %max3A_263 = arith.constant 0.000000e+00 : f32
      %max3A_264 = vector.broadcast %max3A_263 : f32 to vector<16xf32>
      %max3A_265 = arith.maximumf %mul3A_262, %max3A_264 : vector<16xf32>
      %swap3A_266 = arith.constant 1 : i32
      %swap3A_267 = arith.index_cast %swap3A_266 : i32 to index
      %swap3A_268 = arith.constant 0 : index
      %swap3A_269 = tpu.vector_load %arg9[%swap3A_267, %swap3A_268] {strides = array<i32>} : memref<8x64xf32, #tpu.memory_space<vmem>>, vector<1x16xf32>,
      %swap3A_270 = vector.shape_cast %swap3A_269 : vector<1x16xf32> to vector<16xf32>
      %swap3A_271 = vector.shape_cast %max3A_265 : vector<16xf32> to vector<1x16xf32>
      tpu.vector_store %arg9[%swap3A_267, %swap3A_268], %swap3A_271 {strides = array<i32>} : memref<8x64xf32, #tpu.memory_space<vmem>>, vector<1x16xf32>,
      %mul3A_272 = arith.constant 5.000000e-03 : f32
      %mul3A_273 = vector.broadcast %mul3A_272 : f32 to vector<16xf32>
      %mul3A_274 = arith.mulf %scan3A_258#1, %mul3A_273 : vector<16xf32>
      %max3A_275 = arith.constant 0.000000e+00 : f32
      %max3A_276 = vector.broadcast %max3A_275 : f32 to vector<16xf32>
      %max3A_277 = arith.maximumf %mul3A_274, %max3A_276 : vector<16xf32>
      %swap3A_278 = arith.constant 1 : i32
      %swap3A_279 = arith.index_cast %swap3A_278 : i32 to index
      %swap3A_280 = arith.constant 16 : index
      %swap3A_281 = tpu.vector_load %arg9[%swap3A_279, %swap3A_280] {strides = array<i32>} : memref<8x64xf32, #tpu.memory_space<vmem>>, vector<1x16xf32>,
      %swap3A_282 = vector.shape_cast %swap3A_281 : vector<1x16xf32> to vector<16xf32>
      %swap3A_283 = vector.shape_cast %max3A_277 : vector<16xf32> to vector<1x16xf32>
      tpu.vector_store %arg9[%swap3A_279, %swap3A_280], %swap3A_283 {strides = array<i32>} : memref<8x64xf32, #tpu.memory_space<vmem>>, vector<1x16xf32>,
      %mul3A_284 = arith.constant 5.000000e-03 : f32
      %mul3A_285 = vector.broadcast %mul3A_284 : f32 to vector<16xf32>
      %mul3A_286 = arith.mulf %scan3A_258#2, %mul3A_285 : vector<16xf32>
      %max3A_287 = arith.constant 0.000000e+00 : f32
      %max3A_288 = vector.broadcast %max3A_287 : f32 to vector<16xf32>
      %max3A_289 = arith.maximumf %mul3A_286, %max3A_288 : vector<16xf32>
      %swap3A_290 = arith.constant 1 : i32
      %swap3A_291 = arith.index_cast %swap3A_290 : i32 to index
      %swap3A_292 = arith.constant 32 : index
      %swap3A_293 = tpu.vector_load %arg9[%swap3A_291, %swap3A_292] {strides = array<i32>} : memref<8x64xf32, #tpu.memory_space<vmem>>, vector<1x16xf32>,
      %swap3A_294 = vector.shape_cast %swap3A_293 : vector<1x16xf32> to vector<16xf32>
      %swap3A_295 = vector.shape_cast %max3A_289 : vector<16xf32> to vector<1x16xf32>
      tpu.vector_store %arg9[%swap3A_291, %swap3A_292], %swap3A_295 {strides = array<i32>} : memref<8x64xf32, #tpu.memory_space<vmem>>, vector<1x16xf32>,
      %mul3A_296 = arith.constant 5.000000e-03 : f32
      %mul3A_297 = vector.broadcast %mul3A_296 : f32 to vector<16xf32>
      %mul3A_298 = arith.mulf %scan3A_258#3, %mul3A_297 : vector<16xf32>
      %max3A_299 = arith.constant 0.000000e+00 : f32
      %max3A_300 = vector.broadcast %max3A_299 : f32 to vector<16xf32>
      %max3A_301 = arith.maximumf %mul3A_298, %max3A_300 : vector<16xf32>
      %swap3A_302 = arith.constant 1 : i32
      %swap3A_303 = arith.index_cast %swap3A_302 : i32 to index
      %swap3A_304 = arith.constant 48 : index
      %swap3A_305 = tpu.vector_load %arg9[%swap3A_303, %swap3A_304] {strides = array<i32>} : memref<8x64xf32, #tpu.memory_space<vmem>>, vector<1x16xf32>,
      %swap3A_306 = vector.shape_cast %swap3A_305 : vector<1x16xf32> to vector<16xf32>
      %swap3A_307 = vector.shape_cast %max3A_301 : vector<16xf32> to vector<1x16xf32>
      tpu.vector_store %arg9[%swap3A_303, %swap3A_304], %swap3A_307 {strides = array<i32>} : memref<8x64xf32, #tpu.memory_space<vmem>>, vector<1x16xf32>,
      %broadcast_in_dim3A_308 = arith.constant 0.000000e+00 : f32
      %broadcast_in_dim3A_309 = vector.broadcast %broadcast_in_dim3A_308 : f32 to vector<16xf32>
      %scan3A_310 = arith.constant 0 : i32
      %scan3A_311 = arith.constant 50 : i32
      %scan3A_312 = arith.addi %scan3A_310, %scan3A_311 : i32
      %scan3A_313 = arith.constant 2 : i32
      %scan3A_314:4 = scf.for %scan3A_667 = %scan3A_310 to %scan3A_312 step %scan3A_313 iter_args(%scan3A_668 = %broadcast_in_dim3A_309, %scan3A_669 = %broadcast_in_dim3A_309, %scan3A_670 = %broadcast_in_dim3A_309, %scan3A_671 = %broadcast_in_dim3A_309) -> (vector<16xf32>, vector<16xf32>, vector<16xf32>, vector<16xf32>)  : i32 {
        %mul3A_672 = arith.constant 4 : i32
        %mul3A_673 = arith.muli %scan3A_667, %mul3A_672 : i32
        %add3A_674 = arith.constant 400 : i32
        %add3A_675 = arith.addi %add3A_674, %mul3A_673 : i32
        %add3A_676 = arith.constant 0 : i32
        %add3A_677 = arith.addi %add3A_675, %add3A_676 : i32
        %get3A = arith.index_cast %add3A_677 : i32 to index
        %get3A_678 = arith.constant 0 : index
        %get3A_679 = tpu.vector_load %arg7[%get3A, %get3A_678] {strides = array<i32>} : memref<800x64xf32, #tpu.memory_space<vmem>>, vector<1x16xf32>,
        %get3A_680 = vector.shape_cast %get3A_679 : vector<1x16xf32> to vector<16xf32>
        %add3A_681 = arith.addf %scan3A_668, %get3A_680 : vector<16xf32>
        %get3A_682 = arith.index_cast %add3A_677 : i32 to index
        %get3A_683 = arith.constant 16 : index
        %get3A_684 = tpu.vector_load %arg7[%get3A_682, %get3A_683] {strides = array<i32>} : memref<800x64xf32, #tpu.memory_space<vmem>>, vector<1x16xf32>,
        %get3A_685 = vector.shape_cast %get3A_684 : vector<1x16xf32> to vector<16xf32>
        %add3A_686 = arith.addf %scan3A_669, %get3A_685 : vector<16xf32>
        %get3A_687 = arith.index_cast %add3A_677 : i32 to index
        %get3A_688 = arith.constant 32 : index
        %get3A_689 = tpu.vector_load %arg7[%get3A_687, %get3A_688] {strides = array<i32>} : memref<800x64xf32, #tpu.memory_space<vmem>>, vector<1x16xf32>,
        %get3A_690 = vector.shape_cast %get3A_689 : vector<1x16xf32> to vector<16xf32>
        %add3A_691 = arith.addf %scan3A_670, %get3A_690 : vector<16xf32>
        %get3A_692 = arith.index_cast %add3A_677 : i32 to index
        %get3A_693 = arith.constant 48 : index
        %get3A_694 = tpu.vector_load %arg7[%get3A_692, %get3A_693] {strides = array<i32>} : memref<800x64xf32, #tpu.memory_space<vmem>>, vector<1x16xf32>,
        %get3A_695 = vector.shape_cast %get3A_694 : vector<1x16xf32> to vector<16xf32>
        %add3A_696 = arith.addf %scan3A_671, %get3A_695 : vector<16xf32>
        %mul3A_697 = arith.constant 4 : i32
        %mul3A_698 = arith.muli %scan3A_667, %mul3A_697 : i32
        %add3A_699 = arith.constant 400 : i32
        %add3A_700 = arith.addi %add3A_699, %mul3A_698 : i32
        %add3A_701 = arith.constant 1 : i32
        %add3A_702 = arith.addi %add3A_700, %add3A_701 : i32
        %get3A_703 = arith.index_cast %add3A_702 : i32 to index
        %get3A_704 = arith.constant 0 : index
        %get3A_705 = tpu.vector_load %arg7[%get3A_703, %get3A_704] {strides = array<i32>} : memref<800x64xf32, #tpu.memory_space<vmem>>, vector<1x16xf32>,
        %get3A_706 = vector.shape_cast %get3A_705 : vector<1x16xf32> to vector<16xf32>
        %add3A_707 = arith.addf %add3A_681, %get3A_706 : vector<16xf32>
        %get3A_708 = arith.index_cast %add3A_702 : i32 to index
        %get3A_709 = arith.constant 16 : index
        %get3A_710 = tpu.vector_load %arg7[%get3A_708, %get3A_709] {strides = array<i32>} : memref<800x64xf32, #tpu.memory_space<vmem>>, vector<1x16xf32>,
        %get3A_711 = vector.shape_cast %get3A_710 : vector<1x16xf32> to vector<16xf32>
        %add3A_712 = arith.addf %add3A_686, %get3A_711 : vector<16xf32>
        %get3A_713 = arith.index_cast %add3A_702 : i32 to index
        %get3A_714 = arith.constant 32 : index
        %get3A_715 = tpu.vector_load %arg7[%get3A_713, %get3A_714] {strides = array<i32>} : memref<800x64xf32, #tpu.memory_space<vmem>>, vector<1x16xf32>,
        %get3A_716 = vector.shape_cast %get3A_715 : vector<1x16xf32> to vector<16xf32>
        %add3A_717 = arith.addf %add3A_691, %get3A_716 : vector<16xf32>
        %get3A_718 = arith.index_cast %add3A_702 : i32 to index
        %get3A_719 = arith.constant 48 : index
        %get3A_720 = tpu.vector_load %arg7[%get3A_718, %get3A_719] {strides = array<i32>} : memref<800x64xf32, #tpu.memory_space<vmem>>, vector<1x16xf32>,
        %get3A_721 = vector.shape_cast %get3A_720 : vector<1x16xf32> to vector<16xf32>
        %add3A_722 = arith.addf %add3A_696, %get3A_721 : vector<16xf32>
        %mul3A_723 = arith.constant 4 : i32
        %mul3A_724 = arith.muli %scan3A_667, %mul3A_723 : i32
        %add3A_725 = arith.constant 400 : i32
        %add3A_726 = arith.addi %add3A_725, %mul3A_724 : i32
        %add3A_727 = arith.constant 2 : i32
        %add3A_728 = arith.addi %add3A_726, %add3A_727 : i32
        %get3A_729 = arith.index_cast %add3A_728 : i32 to index
        %get3A_730 = arith.constant 0 : index
        %get3A_731 = tpu.vector_load %arg7[%get3A_729, %get3A_730] {strides = array<i32>} : memref<800x64xf32, #tpu.memory_space<vmem>>, vector<1x16xf32>,
        %get3A_732 = vector.shape_cast %get3A_731 : vector<1x16xf32> to vector<16xf32>
        %add3A_733 = arith.addf %add3A_707, %get3A_732 : vector<16xf32>
        %get3A_734 = arith.index_cast %add3A_728 : i32 to index
        %get3A_735 = arith.constant 16 : index
        %get3A_736 = tpu.vector_load %arg7[%get3A_734, %get3A_735] {strides = array<i32>} : memref<800x64xf32, #tpu.memory_space<vmem>>, vector<1x16xf32>,
        %get3A_737 = vector.shape_cast %get3A_736 : vector<1x16xf32> to vector<16xf32>
        %add3A_738 = arith.addf %add3A_712, %get3A_737 : vector<16xf32>
        %get3A_739 = arith.index_cast %add3A_728 : i32 to index
        %get3A_740 = arith.constant 32 : index
        %get3A_741 = tpu.vector_load %arg7[%get3A_739, %get3A_740] {strides = array<i32>} : memref<800x64xf32, #tpu.memory_space<vmem>>, vector<1x16xf32>,
        %get3A_742 = vector.shape_cast %get3A_741 : vector<1x16xf32> to vector<16xf32>
        %add3A_743 = arith.addf %add3A_717, %get3A_742 : vector<16xf32>
        %get3A_744 = arith.index_cast %add3A_728 : i32 to index
        %get3A_745 = arith.constant 48 : index
        %get3A_746 = tpu.vector_load %arg7[%get3A_744, %get3A_745] {strides = array<i32>} : memref<800x64xf32, #tpu.memory_space<vmem>>, vector<1x16xf32>,
        %get3A_747 = vector.shape_cast %get3A_746 : vector<1x16xf32> to vector<16xf32>
        %add3A_748 = arith.addf %add3A_722, %get3A_747 : vector<16xf32>
        %mul3A_749 = arith.constant 4 : i32
        %mul3A_750 = arith.muli %scan3A_667, %mul3A_749 : i32
        %add3A_751 = arith.constant 400 : i32
        %add3A_752 = arith.addi %add3A_751, %mul3A_750 : i32
        %add3A_753 = arith.constant 3 : i32
        %add3A_754 = arith.addi %add3A_752, %add3A_753 : i32
        %get3A_755 = arith.index_cast %add3A_754 : i32 to index
        %get3A_756 = arith.constant 0 : index
        %get3A_757 = tpu.vector_load %arg7[%get3A_755, %get3A_756] {strides = array<i32>} : memref<800x64xf32, #tpu.memory_space<vmem>>, vector<1x16xf32>,
        %get3A_758 = vector.shape_cast %get3A_757 : vector<1x16xf32> to vector<16xf32>
        %add3A_759 = arith.addf %add3A_733, %get3A_758 : vector<16xf32>
        %get3A_760 = arith.index_cast %add3A_754 : i32 to index
        %get3A_761 = arith.constant 16 : index
        %get3A_762 = tpu.vector_load %arg7[%get3A_760, %get3A_761] {strides = array<i32>} : memref<800x64xf32, #tpu.memory_space<vmem>>, vector<1x16xf32>,
        %get3A_763 = vector.shape_cast %get3A_762 : vector<1x16xf32> to vector<16xf32>
        %add3A_764 = arith.addf %add3A_738, %get3A_763 : vector<16xf32>
        %get3A_765 = arith.index_cast %add3A_754 : i32 to index
        %get3A_766 = arith.constant 32 : index
        %get3A_767 = tpu.vector_load %arg7[%get3A_765, %get3A_766] {strides = array<i32>} : memref<800x64xf32, #tpu.memory_space<vmem>>, vector<1x16xf32>,
        %get3A_768 = vector.shape_cast %get3A_767 : vector<1x16xf32> to vector<16xf32>
        %add3A_769 = arith.addf %add3A_743, %get3A_768 : vector<16xf32>
        %get3A_770 = arith.index_cast %add3A_754 : i32 to index
        %get3A_771 = arith.constant 48 : index
        %get3A_772 = tpu.vector_load %arg7[%get3A_770, %get3A_771] {strides = array<i32>} : memref<800x64xf32, #tpu.memory_space<vmem>>, vector<1x16xf32>,
        %get3A_773 = vector.shape_cast %get3A_772 : vector<1x16xf32> to vector<16xf32>
        %add3A_774 = arith.addf %add3A_748, %get3A_773 : vector<16xf32>
        %scan3A_775 = arith.constant 1 : i32
        %scan3A_776 = arith.addi %scan3A_667, %scan3A_775 : i32
        %mul3A_777 = arith.constant 4 : i32
        %mul3A_778 = arith.muli %scan3A_776, %mul3A_777 : i32
        %add3A_779 = arith.constant 400 : i32
        %add3A_780 = arith.addi %add3A_779, %mul3A_778 : i32
        %add3A_781 = arith.constant 0 : i32
        %add3A_782 = arith.addi %add3A_780, %add3A_781 : i32
        %get3A_783 = arith.index_cast %add3A_782 : i32 to index
        %get3A_784 = arith.constant 0 : index
        %get3A_785 = tpu.vector_load %arg7[%get3A_783, %get3A_784] {strides = array<i32>} : memref<800x64xf32, #tpu.memory_space<vmem>>, vector<1x16xf32>,
        %get3A_786 = vector.shape_cast %get3A_785 : vector<1x16xf32> to vector<16xf32>
        %add3A_787 = arith.addf %add3A_759, %get3A_786 : vector<16xf32>
        %get3A_788 = arith.index_cast %add3A_782 : i32 to index
        %get3A_789 = arith.constant 16 : index
        %get3A_790 = tpu.vector_load %arg7[%get3A_788, %get3A_789] {strides = array<i32>} : memref<800x64xf32, #tpu.memory_space<vmem>>, vector<1x16xf32>,
        %get3A_791 = vector.shape_cast %get3A_790 : vector<1x16xf32> to vector<16xf32>
        %add3A_792 = arith.addf %add3A_764, %get3A_791 : vector<16xf32>
        %get3A_793 = arith.index_cast %add3A_782 : i32 to index
        %get3A_794 = arith.constant 32 : index
        %get3A_795 = tpu.vector_load %arg7[%get3A_793, %get3A_794] {strides = array<i32>} : memref<800x64xf32, #tpu.memory_space<vmem>>, vector<1x16xf32>,
        %get3A_796 = vector.shape_cast %get3A_795 : vector<1x16xf32> to vector<16xf32>
        %add3A_797 = arith.addf %add3A_769, %get3A_796 : vector<16xf32>
        %get3A_798 = arith.index_cast %add3A_782 : i32 to index
        %get3A_799 = arith.constant 48 : index
        %get3A_800 = tpu.vector_load %arg7[%get3A_798, %get3A_799] {strides = array<i32>} : memref<800x64xf32, #tpu.memory_space<vmem>>, vector<1x16xf32>,
        %get3A_801 = vector.shape_cast %get3A_800 : vector<1x16xf32> to vector<16xf32>
        %add3A_802 = arith.addf %add3A_774, %get3A_801 : vector<16xf32>
        %mul3A_803 = arith.constant 4 : i32
        %mul3A_804 = arith.muli %scan3A_776, %mul3A_803 : i32
        %add3A_805 = arith.constant 400 : i32
        %add3A_806 = arith.addi %add3A_805, %mul3A_804 : i32
        %add3A_807 = arith.constant 1 : i32
        %add3A_808 = arith.addi %add3A_806, %add3A_807 : i32
        %get3A_809 = arith.index_cast %add3A_808 : i32 to index
        %get3A_810 = arith.constant 0 : index
        %get3A_811 = tpu.vector_load %arg7[%get3A_809, %get3A_810] {strides = array<i32>} : memref<800x64xf32, #tpu.memory_space<vmem>>, vector<1x16xf32>,
        %get3A_812 = vector.shape_cast %get3A_811 : vector<1x16xf32> to vector<16xf32>
        %add3A_813 = arith.addf %add3A_787, %get3A_812 : vector<16xf32>
        %get3A_814 = arith.index_cast %add3A_808 : i32 to index
        %get3A_815 = arith.constant 16 : index
        %get3A_816 = tpu.vector_load %arg7[%get3A_814, %get3A_815] {strides = array<i32>} : memref<800x64xf32, #tpu.memory_space<vmem>>, vector<1x16xf32>,
        %get3A_817 = vector.shape_cast %get3A_816 : vector<1x16xf32> to vector<16xf32>
        %add3A_818 = arith.addf %add3A_792, %get3A_817 : vector<16xf32>
        %get3A_819 = arith.index_cast %add3A_808 : i32 to index
        %get3A_820 = arith.constant 32 : index
        %get3A_821 = tpu.vector_load %arg7[%get3A_819, %get3A_820] {strides = array<i32>} : memref<800x64xf32, #tpu.memory_space<vmem>>, vector<1x16xf32>,
        %get3A_822 = vector.shape_cast %get3A_821 : vector<1x16xf32> to vector<16xf32>
        %add3A_823 = arith.addf %add3A_797, %get3A_822 : vector<16xf32>
        %get3A_824 = arith.index_cast %add3A_808 : i32 to index
        %get3A_825 = arith.constant 48 : index
        %get3A_826 = tpu.vector_load %arg7[%get3A_824, %get3A_825] {strides = array<i32>} : memref<800x64xf32, #tpu.memory_space<vmem>>, vector<1x16xf32>,
        %get3A_827 = vector.shape_cast %get3A_826 : vector<1x16xf32> to vector<16xf32>
        %add3A_828 = arith.addf %add3A_802, %get3A_827 : vector<16xf32>
        %mul3A_829 = arith.constant 4 : i32
        %mul3A_830 = arith.muli %scan3A_776, %mul3A_829 : i32
        %add3A_831 = arith.constant 400 : i32
        %add3A_832 = arith.addi %add3A_831, %mul3A_830 : i32
        %add3A_833 = arith.constant 2 : i32
        %add3A_834 = arith.addi %add3A_832, %add3A_833 : i32
        %get3A_835 = arith.index_cast %add3A_834 : i32 to index
        %get3A_836 = arith.constant 0 : index
        %get3A_837 = tpu.vector_load %arg7[%get3A_835, %get3A_836] {strides = array<i32>} : memref<800x64xf32, #tpu.memory_space<vmem>>, vector<1x16xf32>,
        %get3A_838 = vector.shape_cast %get3A_837 : vector<1x16xf32> to vector<16xf32>
        %add3A_839 = arith.addf %add3A_813, %get3A_838 : vector<16xf32>
        %get3A_840 = arith.index_cast %add3A_834 : i32 to index
        %get3A_841 = arith.constant 16 : index
        %get3A_842 = tpu.vector_load %arg7[%get3A_840, %get3A_841] {strides = array<i32>} : memref<800x64xf32, #tpu.memory_space<vmem>>, vector<1x16xf32>,
        %get3A_843 = vector.shape_cast %get3A_842 : vector<1x16xf32> to vector<16xf32>
        %add3A_844 = arith.addf %add3A_818, %get3A_843 : vector<16xf32>
        %get3A_845 = arith.index_cast %add3A_834 : i32 to index
        %get3A_846 = arith.constant 32 : index
        %get3A_847 = tpu.vector_load %arg7[%get3A_845, %get3A_846] {strides = array<i32>} : memref<800x64xf32, #tpu.memory_space<vmem>>, vector<1x16xf32>,
        %get3A_848 = vector.shape_cast %get3A_847 : vector<1x16xf32> to vector<16xf32>
        %add3A_849 = arith.addf %add3A_823, %get3A_848 : vector<16xf32>
        %get3A_850 = arith.index_cast %add3A_834 : i32 to index
        %get3A_851 = arith.constant 48 : index
        %get3A_852 = tpu.vector_load %arg7[%get3A_850, %get3A_851] {strides = array<i32>} : memref<800x64xf32, #tpu.memory_space<vmem>>, vector<1x16xf32>,
        %get3A_853 = vector.shape_cast %get3A_852 : vector<1x16xf32> to vector<16xf32>
        %add3A_854 = arith.addf %add3A_828, %get3A_853 : vector<16xf32>
        %mul3A_855 = arith.constant 4 : i32
        %mul3A_856 = arith.muli %scan3A_776, %mul3A_855 : i32
        %add3A_857 = arith.constant 400 : i32
        %add3A_858 = arith.addi %add3A_857, %mul3A_856 : i32
        %add3A_859 = arith.constant 3 : i32
        %add3A_860 = arith.addi %add3A_858, %add3A_859 : i32
        %get3A_861 = arith.index_cast %add3A_860 : i32 to index
        %get3A_862 = arith.constant 0 : index
        %get3A_863 = tpu.vector_load %arg7[%get3A_861, %get3A_862] {strides = array<i32>} : memref<800x64xf32, #tpu.memory_space<vmem>>, vector<1x16xf32>,
        %get3A_864 = vector.shape_cast %get3A_863 : vector<1x16xf32> to vector<16xf32>
        %add3A_865 = arith.addf %add3A_839, %get3A_864 : vector<16xf32>
        %get3A_866 = arith.index_cast %add3A_860 : i32 to index
        %get3A_867 = arith.constant 16 : index
        %get3A_868 = tpu.vector_load %arg7[%get3A_866, %get3A_867] {strides = array<i32>} : memref<800x64xf32, #tpu.memory_space<vmem>>, vector<1x16xf32>,
        %get3A_869 = vector.shape_cast %get3A_868 : vector<1x16xf32> to vector<16xf32>
        %add3A_870 = arith.addf %add3A_844, %get3A_869 : vector<16xf32>
        %get3A_871 = arith.index_cast %add3A_860 : i32 to index
        %get3A_872 = arith.constant 32 : index
        %get3A_873 = tpu.vector_load %arg7[%get3A_871, %get3A_872] {strides = array<i32>} : memref<800x64xf32, #tpu.memory_space<vmem>>, vector<1x16xf32>,
        %get3A_874 = vector.shape_cast %get3A_873 : vector<1x16xf32> to vector<16xf32>
        %add3A_875 = arith.addf %add3A_849, %get3A_874 : vector<16xf32>
        %get3A_876 = arith.index_cast %add3A_860 : i32 to index
        %get3A_877 = arith.constant 48 : index
        %get3A_878 = tpu.vector_load %arg7[%get3A_876, %get3A_877] {strides = array<i32>} : memref<800x64xf32, #tpu.memory_space<vmem>>, vector<1x16xf32>,
        %get3A_879 = vector.shape_cast %get3A_878 : vector<1x16xf32> to vector<16xf32>
        %add3A_880 = arith.addf %add3A_854, %get3A_879 : vector<16xf32>
        scf.yield %add3A_865, %add3A_870, %add3A_875, %add3A_880 : vector<16xf32>, vector<16xf32>, vector<16xf32>, vector<16xf32>
      }
      %scan3A_315 = arith.constant 50 : i32
      %mul3A_316 = arith.constant 5.000000e-03 : f32
      %mul3A_317 = vector.broadcast %mul3A_316 : f32 to vector<16xf32>
      %mul3A_318 = arith.mulf %scan3A_314#0, %mul3A_317 : vector<16xf32>
      %max3A_319 = arith.constant 0.000000e+00 : f32
      %max3A_320 = vector.broadcast %max3A_319 : f32 to vector<16xf32>
      %max3A_321 = arith.maximumf %mul3A_318, %max3A_320 : vector<16xf32>
      %swap3A_322 = arith.constant 2 : i32
      %swap3A_323 = arith.index_cast %swap3A_322 : i32 to index
      %swap3A_324 = arith.constant 0 : index
      %swap3A_325 = tpu.vector_load %arg9[%swap3A_323, %swap3A_324] {strides = array<i32>} : memref<8x64xf32, #tpu.memory_space<vmem>>, vector<1x16xf32>,
      %swap3A_326 = vector.shape_cast %swap3A_325 : vector<1x16xf32> to vector<16xf32>
      %swap3A_327 = vector.shape_cast %max3A_321 : vector<16xf32> to vector<1x16xf32>
      tpu.vector_store %arg9[%swap3A_323, %swap3A_324], %swap3A_327 {strides = array<i32>} : memref<8x64xf32, #tpu.memory_space<vmem>>, vector<1x16xf32>,
      %mul3A_328 = arith.constant 5.000000e-03 : f32
      %mul3A_329 = vector.broadcast %mul3A_328 : f32 to vector<16xf32>
      %mul3A_330 = arith.mulf %scan3A_314#1, %mul3A_329 : vector<16xf32>
      %max3A_331 = arith.constant 0.000000e+00 : f32
      %max3A_332 = vector.broadcast %max3A_331 : f32 to vector<16xf32>
      %max3A_333 = arith.maximumf %mul3A_330, %max3A_332 : vector<16xf32>
      %swap3A_334 = arith.constant 2 : i32
      %swap3A_335 = arith.index_cast %swap3A_334 : i32 to index
      %swap3A_336 = arith.constant 16 : index
      %swap3A_337 = tpu.vector_load %arg9[%swap3A_335, %swap3A_336] {strides = array<i32>} : memref<8x64xf32, #tpu.memory_space<vmem>>, vector<1x16xf32>,
      %swap3A_338 = vector.shape_cast %swap3A_337 : vector<1x16xf32> to vector<16xf32>
      %swap3A_339 = vector.shape_cast %max3A_333 : vector<16xf32> to vector<1x16xf32>
      tpu.vector_store %arg9[%swap3A_335, %swap3A_336], %swap3A_339 {strides = array<i32>} : memref<8x64xf32, #tpu.memory_space<vmem>>, vector<1x16xf32>,
      %mul3A_340 = arith.constant 5.000000e-03 : f32
      %mul3A_341 = vector.broadcast %mul3A_340 : f32 to vector<16xf32>
      %mul3A_342 = arith.mulf %scan3A_314#2, %mul3A_341 : vector<16xf32>
      %max3A_343 = arith.constant 0.000000e+00 : f32
      %max3A_344 = vector.broadcast %max3A_343 : f32 to vector<16xf32>
      %max3A_345 = arith.maximumf %mul3A_342, %max3A_344 : vector<16xf32>
      %swap3A_346 = arith.constant 2 : i32
      %swap3A_347 = arith.index_cast %swap3A_346 : i32 to index
      %swap3A_348 = arith.constant 32 : index
      %swap3A_349 = tpu.vector_load %arg9[%swap3A_347, %swap3A_348] {strides = array<i32>} : memref<8x64xf32, #tpu.memory_space<vmem>>, vector<1x16xf32>,
      %swap3A_350 = vector.shape_cast %swap3A_349 : vector<1x16xf32> to vector<16xf32>
      %swap3A_351 = vector.shape_cast %max3A_345 : vector<16xf32> to vector<1x16xf32>
      tpu.vector_store %arg9[%swap3A_347, %swap3A_348], %swap3A_351 {strides = array<i32>} : memref<8x64xf32, #tpu.memory_space<vmem>>, vector<1x16xf32>,
      %mul3A_352 = arith.constant 5.000000e-03 : f32
      %mul3A_353 = vector.broadcast %mul3A_352 : f32 to vector<16xf32>
      %mul3A_354 = arith.mulf %scan3A_314#3, %mul3A_353 : vector<16xf32>
      %max3A_355 = arith.constant 0.000000e+00 : f32
      %max3A_356 = vector.broadcast %max3A_355 : f32 to vector<16xf32>
      %max3A_357 = arith.maximumf %mul3A_354, %max3A_356 : vector<16xf32>
      %swap3A_358 = arith.constant 2 : i32
      %swap3A_359 = arith.index_cast %swap3A_358 : i32 to index
      %swap3A_360 = arith.constant 48 : index
      %swap3A_361 = tpu.vector_load %arg9[%swap3A_359, %swap3A_360] {strides = array<i32>} : memref<8x64xf32, #tpu.memory_space<vmem>>, vector<1x16xf32>,
      %swap3A_362 = vector.shape_cast %swap3A_361 : vector<1x16xf32> to vector<16xf32>
      %swap3A_363 = vector.shape_cast %max3A_357 : vector<16xf32> to vector<1x16xf32>
      tpu.vector_store %arg9[%swap3A_359, %swap3A_360], %swap3A_363 {strides = array<i32>} : memref<8x64xf32, #tpu.memory_space<vmem>>, vector<1x16xf32>,
      %broadcast_in_dim3A_364 = arith.constant 0.000000e+00 : f32
      %broadcast_in_dim3A_365 = vector.broadcast %broadcast_in_dim3A_364 : f32 to vector<16xf32>
      %scan3A_366 = arith.constant 0 : i32
      %scan3A_367 = arith.constant 50 : i32
      %scan3A_368 = arith.addi %scan3A_366, %scan3A_367 : i32
      %scan3A_369 = arith.constant 2 : i32
      %scan3A_370:4 = scf.for %scan3A_667 = %scan3A_366 to %scan3A_368 step %scan3A_369 iter_args(%scan3A_668 = %broadcast_in_dim3A_365, %scan3A_669 = %broadcast_in_dim3A_365, %scan3A_670 = %broadcast_in_dim3A_365, %scan3A_671 = %broadcast_in_dim3A_365) -> (vector<16xf32>, vector<16xf32>, vector<16xf32>, vector<16xf32>)  : i32 {
        %mul3A_672 = arith.constant 4 : i32
        %mul3A_673 = arith.muli %scan3A_667, %mul3A_672 : i32
        %add3A_674 = arith.constant 600 : i32
        %add3A_675 = arith.addi %add3A_674, %mul3A_673 : i32
        %add3A_676 = arith.constant 0 : i32
        %add3A_677 = arith.addi %add3A_675, %add3A_676 : i32
        %get3A = arith.index_cast %add3A_677 : i32 to index
        %get3A_678 = arith.constant 0 : index
        %get3A_679 = tpu.vector_load %arg7[%get3A, %get3A_678] {strides = array<i32>} : memref<800x64xf32, #tpu.memory_space<vmem>>, vector<1x16xf32>,
        %get3A_680 = vector.shape_cast %get3A_679 : vector<1x16xf32> to vector<16xf32>
        %add3A_681 = arith.addf %scan3A_668, %get3A_680 : vector<16xf32>
        %get3A_682 = arith.index_cast %add3A_677 : i32 to index
        %get3A_683 = arith.constant 16 : index
        %get3A_684 = tpu.vector_load %arg7[%get3A_682, %get3A_683] {strides = array<i32>} : memref<800x64xf32, #tpu.memory_space<vmem>>, vector<1x16xf32>,
        %get3A_685 = vector.shape_cast %get3A_684 : vector<1x16xf32> to vector<16xf32>
        %add3A_686 = arith.addf %scan3A_669, %get3A_685 : vector<16xf32>
        %get3A_687 = arith.index_cast %add3A_677 : i32 to index
        %get3A_688 = arith.constant 32 : index
        %get3A_689 = tpu.vector_load %arg7[%get3A_687, %get3A_688] {strides = array<i32>} : memref<800x64xf32, #tpu.memory_space<vmem>>, vector<1x16xf32>,
        %get3A_690 = vector.shape_cast %get3A_689 : vector<1x16xf32> to vector<16xf32>
        %add3A_691 = arith.addf %scan3A_670, %get3A_690 : vector<16xf32>
        %get3A_692 = arith.index_cast %add3A_677 : i32 to index
        %get3A_693 = arith.constant 48 : index
        %get3A_694 = tpu.vector_load %arg7[%get3A_692, %get3A_693] {strides = array<i32>} : memref<800x64xf32, #tpu.memory_space<vmem>>, vector<1x16xf32>,
        %get3A_695 = vector.shape_cast %get3A_694 : vector<1x16xf32> to vector<16xf32>
        %add3A_696 = arith.addf %scan3A_671, %get3A_695 : vector<16xf32>
        %mul3A_697 = arith.constant 4 : i32
        %mul3A_698 = arith.muli %scan3A_667, %mul3A_697 : i32
        %add3A_699 = arith.constant 600 : i32
        %add3A_700 = arith.addi %add3A_699, %mul3A_698 : i32
        %add3A_701 = arith.constant 1 : i32
        %add3A_702 = arith.addi %add3A_700, %add3A_701 : i32
        %get3A_703 = arith.index_cast %add3A_702 : i32 to index
        %get3A_704 = arith.constant 0 : index
        %get3A_705 = tpu.vector_load %arg7[%get3A_703, %get3A_704] {strides = array<i32>} : memref<800x64xf32, #tpu.memory_space<vmem>>, vector<1x16xf32>,
        %get3A_706 = vector.shape_cast %get3A_705 : vector<1x16xf32> to vector<16xf32>
        %add3A_707 = arith.addf %add3A_681, %get3A_706 : vector<16xf32>
        %get3A_708 = arith.index_cast %add3A_702 : i32 to index
        %get3A_709 = arith.constant 16 : index
        %get3A_710 = tpu.vector_load %arg7[%get3A_708, %get3A_709] {strides = array<i32>} : memref<800x64xf32, #tpu.memory_space<vmem>>, vector<1x16xf32>,
        %get3A_711 = vector.shape_cast %get3A_710 : vector<1x16xf32> to vector<16xf32>
        %add3A_712 = arith.addf %add3A_686, %get3A_711 : vector<16xf32>
        %get3A_713 = arith.index_cast %add3A_702 : i32 to index
        %get3A_714 = arith.constant 32 : index
        %get3A_715 = tpu.vector_load %arg7[%get3A_713, %get3A_714] {strides = array<i32>} : memref<800x64xf32, #tpu.memory_space<vmem>>, vector<1x16xf32>,
        %get3A_716 = vector.shape_cast %get3A_715 : vector<1x16xf32> to vector<16xf32>
        %add3A_717 = arith.addf %add3A_691, %get3A_716 : vector<16xf32>
        %get3A_718 = arith.index_cast %add3A_702 : i32 to index
        %get3A_719 = arith.constant 48 : index
        %get3A_720 = tpu.vector_load %arg7[%get3A_718, %get3A_719] {strides = array<i32>} : memref<800x64xf32, #tpu.memory_space<vmem>>, vector<1x16xf32>,
        %get3A_721 = vector.shape_cast %get3A_720 : vector<1x16xf32> to vector<16xf32>
        %add3A_722 = arith.addf %add3A_696, %get3A_721 : vector<16xf32>
        %mul3A_723 = arith.constant 4 : i32
        %mul3A_724 = arith.muli %scan3A_667, %mul3A_723 : i32
        %add3A_725 = arith.constant 600 : i32
        %add3A_726 = arith.addi %add3A_725, %mul3A_724 : i32
        %add3A_727 = arith.constant 2 : i32
        %add3A_728 = arith.addi %add3A_726, %add3A_727 : i32
        %get3A_729 = arith.index_cast %add3A_728 : i32 to index
        %get3A_730 = arith.constant 0 : index
        %get3A_731 = tpu.vector_load %arg7[%get3A_729, %get3A_730] {strides = array<i32>} : memref<800x64xf32, #tpu.memory_space<vmem>>, vector<1x16xf32>,
        %get3A_732 = vector.shape_cast %get3A_731 : vector<1x16xf32> to vector<16xf32>
        %add3A_733 = arith.addf %add3A_707, %get3A_732 : vector<16xf32>
        %get3A_734 = arith.index_cast %add3A_728 : i32 to index
        %get3A_735 = arith.constant 16 : index
        %get3A_736 = tpu.vector_load %arg7[%get3A_734, %get3A_735] {strides = array<i32>} : memref<800x64xf32, #tpu.memory_space<vmem>>, vector<1x16xf32>,
        %get3A_737 = vector.shape_cast %get3A_736 : vector<1x16xf32> to vector<16xf32>
        %add3A_738 = arith.addf %add3A_712, %get3A_737 : vector<16xf32>
        %get3A_739 = arith.index_cast %add3A_728 : i32 to index
        %get3A_740 = arith.constant 32 : index
        %get3A_741 = tpu.vector_load %arg7[%get3A_739, %get3A_740] {strides = array<i32>} : memref<800x64xf32, #tpu.memory_space<vmem>>, vector<1x16xf32>,
        %get3A_742 = vector.shape_cast %get3A_741 : vector<1x16xf32> to vector<16xf32>
        %add3A_743 = arith.addf %add3A_717, %get3A_742 : vector<16xf32>
        %get3A_744 = arith.index_cast %add3A_728 : i32 to index
        %get3A_745 = arith.constant 48 : index
        %get3A_746 = tpu.vector_load %arg7[%get3A_744, %get3A_745] {strides = array<i32>} : memref<800x64xf32, #tpu.memory_space<vmem>>, vector<1x16xf32>,
        %get3A_747 = vector.shape_cast %get3A_746 : vector<1x16xf32> to vector<16xf32>
        %add3A_748 = arith.addf %add3A_722, %get3A_747 : vector<16xf32>
        %mul3A_749 = arith.constant 4 : i32
        %mul3A_750 = arith.muli %scan3A_667, %mul3A_749 : i32
        %add3A_751 = arith.constant 600 : i32
        %add3A_752 = arith.addi %add3A_751, %mul3A_750 : i32
        %add3A_753 = arith.constant 3 : i32
        %add3A_754 = arith.addi %add3A_752, %add3A_753 : i32
        %get3A_755 = arith.index_cast %add3A_754 : i32 to index
        %get3A_756 = arith.constant 0 : index
        %get3A_757 = tpu.vector_load %arg7[%get3A_755, %get3A_756] {strides = array<i32>} : memref<800x64xf32, #tpu.memory_space<vmem>>, vector<1x16xf32>,
        %get3A_758 = vector.shape_cast %get3A_757 : vector<1x16xf32> to vector<16xf32>
        %add3A_759 = arith.addf %add3A_733, %get3A_758 : vector<16xf32>
        %get3A_760 = arith.index_cast %add3A_754 : i32 to index
        %get3A_761 = arith.constant 16 : index
        %get3A_762 = tpu.vector_load %arg7[%get3A_760, %get3A_761] {strides = array<i32>} : memref<800x64xf32, #tpu.memory_space<vmem>>, vector<1x16xf32>,
        %get3A_763 = vector.shape_cast %get3A_762 : vector<1x16xf32> to vector<16xf32>
        %add3A_764 = arith.addf %add3A_738, %get3A_763 : vector<16xf32>
        %get3A_765 = arith.index_cast %add3A_754 : i32 to index
        %get3A_766 = arith.constant 32 : index
        %get3A_767 = tpu.vector_load %arg7[%get3A_765, %get3A_766] {strides = array<i32>} : memref<800x64xf32, #tpu.memory_space<vmem>>, vector<1x16xf32>,
        %get3A_768 = vector.shape_cast %get3A_767 : vector<1x16xf32> to vector<16xf32>
        %add3A_769 = arith.addf %add3A_743, %get3A_768 : vector<16xf32>
        %get3A_770 = arith.index_cast %add3A_754 : i32 to index
        %get3A_771 = arith.constant 48 : index
        %get3A_772 = tpu.vector_load %arg7[%get3A_770, %get3A_771] {strides = array<i32>} : memref<800x64xf32, #tpu.memory_space<vmem>>, vector<1x16xf32>,
        %get3A_773 = vector.shape_cast %get3A_772 : vector<1x16xf32> to vector<16xf32>
        %add3A_774 = arith.addf %add3A_748, %get3A_773 : vector<16xf32>
        %scan3A_775 = arith.constant 1 : i32
        %scan3A_776 = arith.addi %scan3A_667, %scan3A_775 : i32
        %mul3A_777 = arith.constant 4 : i32
        %mul3A_778 = arith.muli %scan3A_776, %mul3A_777 : i32
        %add3A_779 = arith.constant 600 : i32
        %add3A_780 = arith.addi %add3A_779, %mul3A_778 : i32
        %add3A_781 = arith.constant 0 : i32
        %add3A_782 = arith.addi %add3A_780, %add3A_781 : i32
        %get3A_783 = arith.index_cast %add3A_782 : i32 to index
        %get3A_784 = arith.constant 0 : index
        %get3A_785 = tpu.vector_load %arg7[%get3A_783, %get3A_784] {strides = array<i32>} : memref<800x64xf32, #tpu.memory_space<vmem>>, vector<1x16xf32>,
        %get3A_786 = vector.shape_cast %get3A_785 : vector<1x16xf32> to vector<16xf32>
        %add3A_787 = arith.addf %add3A_759, %get3A_786 : vector<16xf32>
        %get3A_788 = arith.index_cast %add3A_782 : i32 to index
        %get3A_789 = arith.constant 16 : index
        %get3A_790 = tpu.vector_load %arg7[%get3A_788, %get3A_789] {strides = array<i32>} : memref<800x64xf32, #tpu.memory_space<vmem>>, vector<1x16xf32>,
        %get3A_791 = vector.shape_cast %get3A_790 : vector<1x16xf32> to vector<16xf32>
        %add3A_792 = arith.addf %add3A_764, %get3A_791 : vector<16xf32>
        %get3A_793 = arith.index_cast %add3A_782 : i32 to index
        %get3A_794 = arith.constant 32 : index
        %get3A_795 = tpu.vector_load %arg7[%get3A_793, %get3A_794] {strides = array<i32>} : memref<800x64xf32, #tpu.memory_space<vmem>>, vector<1x16xf32>,
        %get3A_796 = vector.shape_cast %get3A_795 : vector<1x16xf32> to vector<16xf32>
        %add3A_797 = arith.addf %add3A_769, %get3A_796 : vector<16xf32>
        %get3A_798 = arith.index_cast %add3A_782 : i32 to index
        %get3A_799 = arith.constant 48 : index
        %get3A_800 = tpu.vector_load %arg7[%get3A_798, %get3A_799] {strides = array<i32>} : memref<800x64xf32, #tpu.memory_space<vmem>>, vector<1x16xf32>,
        %get3A_801 = vector.shape_cast %get3A_800 : vector<1x16xf32> to vector<16xf32>
        %add3A_802 = arith.addf %add3A_774, %get3A_801 : vector<16xf32>
        %mul3A_803 = arith.constant 4 : i32
        %mul3A_804 = arith.muli %scan3A_776, %mul3A_803 : i32
        %add3A_805 = arith.constant 600 : i32
        %add3A_806 = arith.addi %add3A_805, %mul3A_804 : i32
        %add3A_807 = arith.constant 1 : i32
        %add3A_808 = arith.addi %add3A_806, %add3A_807 : i32
        %get3A_809 = arith.index_cast %add3A_808 : i32 to index
        %get3A_810 = arith.constant 0 : index
        %get3A_811 = tpu.vector_load %arg7[%get3A_809, %get3A_810] {strides = array<i32>} : memref<800x64xf32, #tpu.memory_space<vmem>>, vector<1x16xf32>,
        %get3A_812 = vector.shape_cast %get3A_811 : vector<1x16xf32> to vector<16xf32>
        %add3A_813 = arith.addf %add3A_787, %get3A_812 : vector<16xf32>
        %get3A_814 = arith.index_cast %add3A_808 : i32 to index
        %get3A_815 = arith.constant 16 : index
        %get3A_816 = tpu.vector_load %arg7[%get3A_814, %get3A_815] {strides = array<i32>} : memref<800x64xf32, #tpu.memory_space<vmem>>, vector<1x16xf32>,
        %get3A_817 = vector.shape_cast %get3A_816 : vector<1x16xf32> to vector<16xf32>
        %add3A_818 = arith.addf %add3A_792, %get3A_817 : vector<16xf32>
        %get3A_819 = arith.index_cast %add3A_808 : i32 to index
        %get3A_820 = arith.constant 32 : index
        %get3A_821 = tpu.vector_load %arg7[%get3A_819, %get3A_820] {strides = array<i32>} : memref<800x64xf32, #tpu.memory_space<vmem>>, vector<1x16xf32>,
        %get3A_822 = vector.shape_cast %get3A_821 : vector<1x16xf32> to vector<16xf32>
        %add3A_823 = arith.addf %add3A_797, %get3A_822 : vector<16xf32>
        %get3A_824 = arith.index_cast %add3A_808 : i32 to index
        %get3A_825 = arith.constant 48 : index
        %get3A_826 = tpu.vector_load %arg7[%get3A_824, %get3A_825] {strides = array<i32>} : memref<800x64xf32, #tpu.memory_space<vmem>>, vector<1x16xf32>,
        %get3A_827 = vector.shape_cast %get3A_826 : vector<1x16xf32> to vector<16xf32>
        %add3A_828 = arith.addf %add3A_802, %get3A_827 : vector<16xf32>
        %mul3A_829 = arith.constant 4 : i32
        %mul3A_830 = arith.muli %scan3A_776, %mul3A_829 : i32
        %add3A_831 = arith.constant 600 : i32
        %add3A_832 = arith.addi %add3A_831, %mul3A_830 : i32
        %add3A_833 = arith.constant 2 : i32
        %add3A_834 = arith.addi %add3A_832, %add3A_833 : i32
        %get3A_835 = arith.index_cast %add3A_834 : i32 to index
        %get3A_836 = arith.constant 0 : index
        %get3A_837 = tpu.vector_load %arg7[%get3A_835, %get3A_836] {strides = array<i32>} : memref<800x64xf32, #tpu.memory_space<vmem>>, vector<1x16xf32>,
        %get3A_838 = vector.shape_cast %get3A_837 : vector<1x16xf32> to vector<16xf32>
        %add3A_839 = arith.addf %add3A_813, %get3A_838 : vector<16xf32>
        %get3A_840 = arith.index_cast %add3A_834 : i32 to index
        %get3A_841 = arith.constant 16 : index
        %get3A_842 = tpu.vector_load %arg7[%get3A_840, %get3A_841] {strides = array<i32>} : memref<800x64xf32, #tpu.memory_space<vmem>>, vector<1x16xf32>,
        %get3A_843 = vector.shape_cast %get3A_842 : vector<1x16xf32> to vector<16xf32>
        %add3A_844 = arith.addf %add3A_818, %get3A_843 : vector<16xf32>
        %get3A_845 = arith.index_cast %add3A_834 : i32 to index
        %get3A_846 = arith.constant 32 : index
        %get3A_847 = tpu.vector_load %arg7[%get3A_845, %get3A_846] {strides = array<i32>} : memref<800x64xf32, #tpu.memory_space<vmem>>, vector<1x16xf32>,
        %get3A_848 = vector.shape_cast %get3A_847 : vector<1x16xf32> to vector<16xf32>
        %add3A_849 = arith.addf %add3A_823, %get3A_848 : vector<16xf32>
        %get3A_850 = arith.index_cast %add3A_834 : i32 to index
        %get3A_851 = arith.constant 48 : index
        %get3A_852 = tpu.vector_load %arg7[%get3A_850, %get3A_851] {strides = array<i32>} : memref<800x64xf32, #tpu.memory_space<vmem>>, vector<1x16xf32>,
        %get3A_853 = vector.shape_cast %get3A_852 : vector<1x16xf32> to vector<16xf32>
        %add3A_854 = arith.addf %add3A_828, %get3A_853 : vector<16xf32>
        %mul3A_855 = arith.constant 4 : i32
        %mul3A_856 = arith.muli %scan3A_776, %mul3A_855 : i32
        %add3A_857 = arith.constant 600 : i32
        %add3A_858 = arith.addi %add3A_857, %mul3A_856 : i32
        %add3A_859 = arith.constant 3 : i32
        %add3A_860 = arith.addi %add3A_858, %add3A_859 : i32
        %get3A_861 = arith.index_cast %add3A_860 : i32 to index
        %get3A_862 = arith.constant 0 : index
        %get3A_863 = tpu.vector_load %arg7[%get3A_861, %get3A_862] {strides = array<i32>} : memref<800x64xf32, #tpu.memory_space<vmem>>, vector<1x16xf32>,
        %get3A_864 = vector.shape_cast %get3A_863 : vector<1x16xf32> to vector<16xf32>
        %add3A_865 = arith.addf %add3A_839, %get3A_864 : vector<16xf32>
        %get3A_866 = arith.index_cast %add3A_860 : i32 to index
        %get3A_867 = arith.constant 16 : index
        %get3A_868 = tpu.vector_load %arg7[%get3A_866, %get3A_867] {strides = array<i32>} : memref<800x64xf32, #tpu.memory_space<vmem>>, vector<1x16xf32>,
        %get3A_869 = vector.shape_cast %get3A_868 : vector<1x16xf32> to vector<16xf32>
        %add3A_870 = arith.addf %add3A_844, %get3A_869 : vector<16xf32>
        %get3A_871 = arith.index_cast %add3A_860 : i32 to index
        %get3A_872 = arith.constant 32 : index
        %get3A_873 = tpu.vector_load %arg7[%get3A_871, %get3A_872] {strides = array<i32>} : memref<800x64xf32, #tpu.memory_space<vmem>>, vector<1x16xf32>,
        %get3A_874 = vector.shape_cast %get3A_873 : vector<1x16xf32> to vector<16xf32>
        %add3A_875 = arith.addf %add3A_849, %get3A_874 : vector<16xf32>
        %get3A_876 = arith.index_cast %add3A_860 : i32 to index
        %get3A_877 = arith.constant 48 : index
        %get3A_878 = tpu.vector_load %arg7[%get3A_876, %get3A_877] {strides = array<i32>} : memref<800x64xf32, #tpu.memory_space<vmem>>, vector<1x16xf32>,
        %get3A_879 = vector.shape_cast %get3A_878 : vector<1x16xf32> to vector<16xf32>
        %add3A_880 = arith.addf %add3A_854, %get3A_879 : vector<16xf32>
        scf.yield %add3A_865, %add3A_870, %add3A_875, %add3A_880 : vector<16xf32>, vector<16xf32>, vector<16xf32>, vector<16xf32>
      }
      %scan3A_371 = arith.constant 50 : i32
      %mul3A_372 = arith.constant 5.000000e-03 : f32
      %mul3A_373 = vector.broadcast %mul3A_372 : f32 to vector<16xf32>
      %mul3A_374 = arith.mulf %scan3A_370#0, %mul3A_373 : vector<16xf32>
      %max3A_375 = arith.constant 0.000000e+00 : f32
      %max3A_376 = vector.broadcast %max3A_375 : f32 to vector<16xf32>
      %max3A_377 = arith.maximumf %mul3A_374, %max3A_376 : vector<16xf32>
      %swap3A_378 = arith.constant 3 : i32
      %swap3A_379 = arith.index_cast %swap3A_378 : i32 to index
      %swap3A_380 = arith.constant 0 : index
      %swap3A_381 = tpu.vector_load %arg9[%swap3A_379, %swap3A_380] {strides = array<i32>} : memref<8x64xf32, #tpu.memory_space<vmem>>, vector<1x16xf32>,
      %swap3A_382 = vector.shape_cast %swap3A_381 : vector<1x16xf32> to vector<16xf32>
      %swap3A_383 = vector.shape_cast %max3A_377 : vector<16xf32> to vector<1x16xf32>
      tpu.vector_store %arg9[%swap3A_379, %swap3A_380], %swap3A_383 {strides = array<i32>} : memref<8x64xf32, #tpu.memory_space<vmem>>, vector<1x16xf32>,
      %mul3A_384 = arith.constant 5.000000e-03 : f32
      %mul3A_385 = vector.broadcast %mul3A_384 : f32 to vector<16xf32>
      %mul3A_386 = arith.mulf %scan3A_370#1, %mul3A_385 : vector<16xf32>
      %max3A_387 = arith.constant 0.000000e+00 : f32
      %max3A_388 = vector.broadcast %max3A_387 : f32 to vector<16xf32>
      %max3A_389 = arith.maximumf %mul3A_386, %max3A_388 : vector<16xf32>
      %swap3A_390 = arith.constant 3 : i32
      %swap3A_391 = arith.index_cast %swap3A_390 : i32 to index
      %swap3A_392 = arith.constant 16 : index
      %swap3A_393 = tpu.vector_load %arg9[%swap3A_391, %swap3A_392] {strides = array<i32>} : memref<8x64xf32, #tpu.memory_space<vmem>>, vector<1x16xf32>,
      %swap3A_394 = vector.shape_cast %swap3A_393 : vector<1x16xf32> to vector<16xf32>
      %swap3A_395 = vector.shape_cast %max3A_389 : vector<16xf32> to vector<1x16xf32>
      tpu.vector_store %arg9[%swap3A_391, %swap3A_392], %swap3A_395 {strides = array<i32>} : memref<8x64xf32, #tpu.memory_space<vmem>>, vector<1x16xf32>,
      %mul3A_396 = arith.constant 5.000000e-03 : f32
      %mul3A_397 = vector.broadcast %mul3A_396 : f32 to vector<16xf32>
      %mul3A_398 = arith.mulf %scan3A_370#2, %mul3A_397 : vector<16xf32>
      %max3A_399 = arith.constant 0.000000e+00 : f32
      %max3A_400 = vector.broadcast %max3A_399 : f32 to vector<16xf32>
      %max3A_401 = arith.maximumf %mul3A_398, %max3A_400 : vector<16xf32>
      %swap3A_402 = arith.constant 3 : i32
      %swap3A_403 = arith.index_cast %swap3A_402 : i32 to index
      %swap3A_404 = arith.constant 32 : index
      %swap3A_405 = tpu.vector_load %arg9[%swap3A_403, %swap3A_404] {strides = array<i32>} : memref<8x64xf32, #tpu.memory_space<vmem>>, vector<1x16xf32>,
      %swap3A_406 = vector.shape_cast %swap3A_405 : vector<1x16xf32> to vector<16xf32>
      %swap3A_407 = vector.shape_cast %max3A_401 : vector<16xf32> to vector<1x16xf32>
      tpu.vector_store %arg9[%swap3A_403, %swap3A_404], %swap3A_407 {strides = array<i32>} : memref<8x64xf32, #tpu.memory_space<vmem>>, vector<1x16xf32>,
      %mul3A_408 = arith.constant 5.000000e-03 : f32
      %mul3A_409 = vector.broadcast %mul3A_408 : f32 to vector<16xf32>
      %mul3A_410 = arith.mulf %scan3A_370#3, %mul3A_409 : vector<16xf32>
      %max3A_411 = arith.constant 0.000000e+00 : f32
      %max3A_412 = vector.broadcast %max3A_411 : f32 to vector<16xf32>
      %max3A_413 = arith.maximumf %mul3A_410, %max3A_412 : vector<16xf32>
      %swap3A_414 = arith.constant 3 : i32
      %swap3A_415 = arith.index_cast %swap3A_414 : i32 to index
      %swap3A_416 = arith.constant 48 : index
      %swap3A_417 = tpu.vector_load %arg9[%swap3A_415, %swap3A_416] {strides = array<i32>} : memref<8x64xf32, #tpu.memory_space<vmem>>, vector<1x16xf32>,
      %swap3A_418 = vector.shape_cast %swap3A_417 : vector<1x16xf32> to vector<16xf32>
      %swap3A_419 = vector.shape_cast %max3A_413 : vector<16xf32> to vector<1x16xf32>
      tpu.vector_store %arg9[%swap3A_415, %swap3A_416], %swap3A_419 {strides = array<i32>} : memref<8x64xf32, #tpu.memory_space<vmem>>, vector<1x16xf32>,
      %lt3A_420 = arith.constant 63 : i32
      %lt3A_421 = arith.cmpi slt, %scan3A_100, %lt3A_420 : i32
      %convert_element_type3A_422 = arith.extui %lt3A_421 : i1 to i32
      %cond3A_423 = arith.constant 0 : i32
      %cond3A_424 = arith.cmpi ne, %convert_element_type3A_422, %cond3A_423 : i32
      scf.if %cond3A_424 {
        %dma_wait3A_667 = arith.constant 0 : i32
        %dma_wait3A_668 = arith.constant 0 : i32
        %dma_wait3A_669 = tpu.memref_slice %arg2[%dma_wait3A_667, %dma_wait3A_668] : memref<32768x100xi32, #tpu.memory_space<hbm>> -> memref<8x100xi32, #tpu.memory_space<hbm>>
        %dma_wait3A_670 = arith.constant 0 : i32
        %dma_wait3A_671 = arith.constant 0 : i32
        %dma_wait3A_672 = tpu.memref_slice %arg2[%dma_wait3A_670, %dma_wait3A_671] : memref<32768x100xi32, #tpu.memory_space<hbm>> -> memref<8x100xi32, #tpu.memory_space<hbm>>
        tpu.wait_dma2 semaphore(%arg12 : memref<!tpu.dma_semaphore, #tpu.memory_space<semaphore_mem>>) src(%dma_wait3A_672 : memref<8x100xi32, #tpu.memory_space<hbm>>) dst(%arg5 : memref<8x100xi32, #tpu.memory_space<vmem>>)
        %dma_start3A_673 = arith.constant 0 : i32
        %dma_start3A_674 = arith.constant 0 : i32
        %dma_start3A_675 = arith.constant 0 : i32
        %dma_start3A_676 = tpu.memref_slice %arg7[%dma_start3A_674, %dma_start3A_675] : memref<800x64xf32, #tpu.memory_space<vmem>> -> memref<100x64xf32, #tpu.memory_space<vmem>>
        %dma_start3A_677 = arith.constant 0 : i32
        %dma_start3A_678 = tpu.memref_slice %arg5[%dma_start3A_673, %dma_start3A_677] : memref<8x100xi32, #tpu.memory_space<vmem>> -> memref<1x100xi32, #tpu.memory_space<vmem>>
        %dma_start3A_679 = tpu.memref_squeeze %dma_start3A_678 : memref<1x100xi32, #tpu.memory_space<vmem>> -> memref<100xi32, #tpu.memory_space<vmem>>
        %dma_start3A_680 = arith.constant 0 : i32
        %dma_start3A_681 = arith.constant 0 : i32
        %dma_start3A_682 = tpu.memref_slice %arg3[%dma_start3A_680, %dma_start3A_681] : memref<1000000x64xf32, #tpu.memory_space<hbm>> -> memref<1000000x64xf32, #tpu.memory_space<hbm>>
        tpu.enqueue_indirect_dma source(%dma_start3A_682 : memref<1000000x64xf32, #tpu.memory_space<hbm>>) target(%dma_start3A_676 : memref<100x64xf32, #tpu.memory_space<vmem>>) offsets(%dma_start3A_679 : memref<100xi32, #tpu.memory_space<vmem>>) semaphore(%arg10 : memref<!tpu.dma_semaphore, #tpu.memory_space<semaphore_mem>>)
        %dma_start3A_683 = arith.constant 1 : i32
        %dma_start3A_684 = arith.constant 100 : i32
        %dma_start3A_685 = arith.constant 0 : i32
        %dma_start3A_686 = tpu.memref_slice %arg7[%dma_start3A_684, %dma_start3A_685] : memref<800x64xf32, #tpu.memory_space<vmem>> -> memref<100x64xf32, #tpu.memory_space<vmem>>
        %dma_start3A_687 = arith.constant 0 : i32
        %dma_start3A_688 = tpu.memref_slice %arg5[%dma_start3A_683, %dma_start3A_687] : memref<8x100xi32, #tpu.memory_space<vmem>> -> memref<1x100xi32, #tpu.memory_space<vmem>>
        %dma_start3A_689 = tpu.memref_squeeze %dma_start3A_688 : memref<1x100xi32, #tpu.memory_space<vmem>> -> memref<100xi32, #tpu.memory_space<vmem>>
        %dma_start3A_690 = arith.constant 0 : i32
        %dma_start3A_691 = arith.constant 0 : i32
        %dma_start3A_692 = tpu.memref_slice %arg3[%dma_start3A_690, %dma_start3A_691] : memref<1000000x64xf32, #tpu.memory_space<hbm>> -> memref<1000000x64xf32, #tpu.memory_space<hbm>>
        tpu.enqueue_indirect_dma source(%dma_start3A_692 : memref<1000000x64xf32, #tpu.memory_space<hbm>>) target(%dma_start3A_686 : memref<100x64xf32, #tpu.memory_space<vmem>>) offsets(%dma_start3A_689 : memref<100xi32, #tpu.memory_space<vmem>>) semaphore(%arg10 : memref<!tpu.dma_semaphore, #tpu.memory_space<semaphore_mem>>)
        %dma_start3A_693 = arith.constant 2 : i32
        %dma_start3A_694 = arith.constant 200 : i32
        %dma_start3A_695 = arith.constant 0 : i32
        %dma_start3A_696 = tpu.memref_slice %arg7[%dma_start3A_694, %dma_start3A_695] : memref<800x64xf32, #tpu.memory_space<vmem>> -> memref<100x64xf32, #tpu.memory_space<vmem>>
        %dma_start3A_697 = arith.constant 0 : i32
        %dma_start3A_698 = tpu.memref_slice %arg5[%dma_start3A_693, %dma_start3A_697] : memref<8x100xi32, #tpu.memory_space<vmem>> -> memref<1x100xi32, #tpu.memory_space<vmem>>
        %dma_start3A_699 = tpu.memref_squeeze %dma_start3A_698 : memref<1x100xi32, #tpu.memory_space<vmem>> -> memref<100xi32, #tpu.memory_space<vmem>>
        %dma_start3A_700 = arith.constant 0 : i32
        %dma_start3A_701 = arith.constant 0 : i32
        %dma_start3A_702 = tpu.memref_slice %arg3[%dma_start3A_700, %dma_start3A_701] : memref<1000000x64xf32, #tpu.memory_space<hbm>> -> memref<1000000x64xf32, #tpu.memory_space<hbm>>
        tpu.enqueue_indirect_dma source(%dma_start3A_702 : memref<1000000x64xf32, #tpu.memory_space<hbm>>) target(%dma_start3A_696 : memref<100x64xf32, #tpu.memory_space<vmem>>) offsets(%dma_start3A_699 : memref<100xi32, #tpu.memory_space<vmem>>) semaphore(%arg10 : memref<!tpu.dma_semaphore, #tpu.memory_space<semaphore_mem>>)
        %dma_start3A_703 = arith.constant 3 : i32
        %dma_start3A_704 = arith.constant 300 : i32
        %dma_start3A_705 = arith.constant 0 : i32
        %dma_start3A_706 = tpu.memref_slice %arg7[%dma_start3A_704, %dma_start3A_705] : memref<800x64xf32, #tpu.memory_space<vmem>> -> memref<100x64xf32, #tpu.memory_space<vmem>>
        %dma_start3A_707 = arith.constant 0 : i32
        %dma_start3A_708 = tpu.memref_slice %arg5[%dma_start3A_703, %dma_start3A_707] : memref<8x100xi32, #tpu.memory_space<vmem>> -> memref<1x100xi32, #tpu.memory_space<vmem>>
        %dma_start3A_709 = tpu.memref_squeeze %dma_start3A_708 : memref<1x100xi32, #tpu.memory_space<vmem>> -> memref<100xi32, #tpu.memory_space<vmem>>
        %dma_start3A_710 = arith.constant 0 : i32
        %dma_start3A_711 = arith.constant 0 : i32
        %dma_start3A_712 = tpu.memref_slice %arg3[%dma_start3A_710, %dma_start3A_711] : memref<1000000x64xf32, #tpu.memory_space<hbm>> -> memref<1000000x64xf32, #tpu.memory_space<hbm>>
        tpu.enqueue_indirect_dma source(%dma_start3A_712 : memref<1000000x64xf32, #tpu.memory_space<hbm>>) target(%dma_start3A_706 : memref<100x64xf32, #tpu.memory_space<vmem>>) offsets(%dma_start3A_709 : memref<100xi32, #tpu.memory_space<vmem>>) semaphore(%arg10 : memref<!tpu.dma_semaphore, #tpu.memory_space<semaphore_mem>>)
        %dma_start3A_713 = arith.constant 4 : i32
        %dma_start3A_714 = arith.constant 400 : i32
        %dma_start3A_715 = arith.constant 0 : i32
        %dma_start3A_716 = tpu.memref_slice %arg7[%dma_start3A_714, %dma_start3A_715] : memref<800x64xf32, #tpu.memory_space<vmem>> -> memref<100x64xf32, #tpu.memory_space<vmem>>
        %dma_start3A_717 = arith.constant 0 : i32
        %dma_start3A_718 = tpu.memref_slice %arg5[%dma_start3A_713, %dma_start3A_717] : memref<8x100xi32, #tpu.memory_space<vmem>> -> memref<1x100xi32, #tpu.memory_space<vmem>>
        %dma_start3A_719 = tpu.memref_squeeze %dma_start3A_718 : memref<1x100xi32, #tpu.memory_space<vmem>> -> memref<100xi32, #tpu.memory_space<vmem>>
        %dma_start3A_720 = arith.constant 0 : i32
        %dma_start3A_721 = arith.constant 0 : i32
        %dma_start3A_722 = tpu.memref_slice %arg3[%dma_start3A_720, %dma_start3A_721] : memref<1000000x64xf32, #tpu.memory_space<hbm>> -> memref<1000000x64xf32, #tpu.memory_space<hbm>>
        tpu.enqueue_indirect_dma source(%dma_start3A_722 : memref<1000000x64xf32, #tpu.memory_space<hbm>>) target(%dma_start3A_716 : memref<100x64xf32, #tpu.memory_space<vmem>>) offsets(%dma_start3A_719 : memref<100xi32, #tpu.memory_space<vmem>>) semaphore(%arg10 : memref<!tpu.dma_semaphore, #tpu.memory_space<semaphore_mem>>)
        %dma_start3A_723 = arith.constant 5 : i32
        %dma_start3A_724 = arith.constant 500 : i32
        %dma_start3A_725 = arith.constant 0 : i32
        %dma_start3A_726 = tpu.memref_slice %arg7[%dma_start3A_724, %dma_start3A_725] : memref<800x64xf32, #tpu.memory_space<vmem>> -> memref<100x64xf32, #tpu.memory_space<vmem>>
        %dma_start3A_727 = arith.constant 0 : i32
        %dma_start3A_728 = tpu.memref_slice %arg5[%dma_start3A_723, %dma_start3A_727] : memref<8x100xi32, #tpu.memory_space<vmem>> -> memref<1x100xi32, #tpu.memory_space<vmem>>
        %dma_start3A_729 = tpu.memref_squeeze %dma_start3A_728 : memref<1x100xi32, #tpu.memory_space<vmem>> -> memref<100xi32, #tpu.memory_space<vmem>>
        %dma_start3A_730 = arith.constant 0 : i32
        %dma_start3A_731 = arith.constant 0 : i32
        %dma_start3A_732 = tpu.memref_slice %arg3[%dma_start3A_730, %dma_start3A_731] : memref<1000000x64xf32, #tpu.memory_space<hbm>> -> memref<1000000x64xf32, #tpu.memory_space<hbm>>
        tpu.enqueue_indirect_dma source(%dma_start3A_732 : memref<1000000x64xf32, #tpu.memory_space<hbm>>) target(%dma_start3A_726 : memref<100x64xf32, #tpu.memory_space<vmem>>) offsets(%dma_start3A_729 : memref<100xi32, #tpu.memory_space<vmem>>) semaphore(%arg10 : memref<!tpu.dma_semaphore, #tpu.memory_space<semaphore_mem>>)
        %dma_start3A_733 = arith.constant 6 : i32
        %dma_start3A_734 = arith.constant 600 : i32
        %dma_start3A_735 = arith.constant 0 : i32
        %dma_start3A_736 = tpu.memref_slice %arg7[%dma_start3A_734, %dma_start3A_735] : memref<800x64xf32, #tpu.memory_space<vmem>> -> memref<100x64xf32, #tpu.memory_space<vmem>>
        %dma_start3A_737 = arith.constant 0 : i32
        %dma_start3A_738 = tpu.memref_slice %arg5[%dma_start3A_733, %dma_start3A_737] : memref<8x100xi32, #tpu.memory_space<vmem>> -> memref<1x100xi32, #tpu.memory_space<vmem>>
        %dma_start3A_739 = tpu.memref_squeeze %dma_start3A_738 : memref<1x100xi32, #tpu.memory_space<vmem>> -> memref<100xi32, #tpu.memory_space<vmem>>
        %dma_start3A_740 = arith.constant 0 : i32
        %dma_start3A_741 = arith.constant 0 : i32
        %dma_start3A_742 = tpu.memref_slice %arg3[%dma_start3A_740, %dma_start3A_741] : memref<1000000x64xf32, #tpu.memory_space<hbm>> -> memref<1000000x64xf32, #tpu.memory_space<hbm>>
        tpu.enqueue_indirect_dma source(%dma_start3A_742 : memref<1000000x64xf32, #tpu.memory_space<hbm>>) target(%dma_start3A_736 : memref<100x64xf32, #tpu.memory_space<vmem>>) offsets(%dma_start3A_739 : memref<100xi32, #tpu.memory_space<vmem>>) semaphore(%arg10 : memref<!tpu.dma_semaphore, #tpu.memory_space<semaphore_mem>>)
        %dma_start3A_743 = arith.constant 7 : i32
        %dma_start3A_744 = arith.constant 700 : i32
        %dma_start3A_745 = arith.constant 0 : i32
        %dma_start3A_746 = tpu.memref_slice %arg7[%dma_start3A_744, %dma_start3A_745] : memref<800x64xf32, #tpu.memory_space<vmem>> -> memref<100x64xf32, #tpu.memory_space<vmem>>
        %dma_start3A_747 = arith.constant 0 : i32
        %dma_start3A_748 = tpu.memref_slice %arg5[%dma_start3A_743, %dma_start3A_747] : memref<8x100xi32, #tpu.memory_space<vmem>> -> memref<1x100xi32, #tpu.memory_space<vmem>>
        %dma_start3A_749 = tpu.memref_squeeze %dma_start3A_748 : memref<1x100xi32, #tpu.memory_space<vmem>> -> memref<100xi32, #tpu.memory_space<vmem>>
        %dma_start3A_750 = arith.constant 0 : i32
        %dma_start3A_751 = arith.constant 0 : i32
        %dma_start3A_752 = tpu.memref_slice %arg3[%dma_start3A_750, %dma_start3A_751] : memref<1000000x64xf32, #tpu.memory_space<hbm>> -> memref<1000000x64xf32, #tpu.memory_space<hbm>>
        tpu.enqueue_indirect_dma source(%dma_start3A_752 : memref<1000000x64xf32, #tpu.memory_space<hbm>>) target(%dma_start3A_746 : memref<100x64xf32, #tpu.memory_space<vmem>>) offsets(%dma_start3A_749 : memref<100xi32, #tpu.memory_space<vmem>>) semaphore(%arg10 : memref<!tpu.dma_semaphore, #tpu.memory_space<semaphore_mem>>)
      } else {
      }
      %dma_wait3A_425 = arith.constant 0 : i32
      %dma_wait3A_426 = arith.constant 0 : i32
      %dma_wait3A_427 = tpu.memref_slice %arg3[%dma_wait3A_425, %dma_wait3A_426] : memref<1000000x64xf32, #tpu.memory_space<hbm>> -> memref<800x64xf32, #tpu.memory_space<hbm>>
      %dma_wait3A_428 = arith.constant 0 : i32
      %dma_wait3A_429 = arith.constant 0 : i32
      %dma_wait3A_430 = tpu.memref_slice %arg3[%dma_wait3A_428, %dma_wait3A_429] : memref<1000000x64xf32, #tpu.memory_space<hbm>> -> memref<800x64xf32, #tpu.memory_space<hbm>>
      tpu.wait_dma2 semaphore(%arg11 : memref<!tpu.dma_semaphore, #tpu.memory_space<semaphore_mem>>) src(%dma_wait3A_430 : memref<800x64xf32, #tpu.memory_space<hbm>>) dst(%arg8 : memref<800x64xf32, #tpu.memory_space<vmem>>)
      %lt3A_431 = arith.constant 63 : i32
      %lt3A_432 = arith.cmpi slt, %scan3A_100, %lt3A_431 : i32
      %convert_element_type3A_433 = arith.extui %lt3A_432 : i1 to i32
      %cond3A_434 = arith.constant 0 : i32
      %cond3A_435 = arith.cmpi ne, %convert_element_type3A_433, %cond3A_434 : i32
      scf.if %cond3A_435 {
        %mul3A_667 = arith.constant 2 : i32
        %mul3A_668 = arith.muli %mul3A_667, %scan3A_100 : i32
        %add3A_669 = arith.constant 3 : i32
        %add3A_670 = arith.addi %mul3A_668, %add3A_669 : i32
        %mul3A_671 = arith.constant 8 : i32
        %mul3A_672 = arith.muli %add3A_670, %mul3A_671 : i32
        %add3A_673 = arith.addi %mul3A_2, %mul3A_672 : i32
        %dma_start3A_674 = arith.constant 0 : i32
        %dma_start3A_675 = tpu.memref_slice %arg2[%add3A_673, %dma_start3A_674] : memref<32768x100xi32, #tpu.memory_space<hbm>> -> memref<8x100xi32, #tpu.memory_space<hbm>>
        %dma_start3A_676 = arith.constant 0 : i32
        %dma_start3A_677 = tpu.memref_slice %arg2[%add3A_673, %dma_start3A_676] : memref<32768x100xi32, #tpu.memory_space<hbm>> -> memref<8x100xi32, #tpu.memory_space<hbm>>
        tpu.enqueue_dma source(%dma_start3A_677 : memref<8x100xi32, #tpu.memory_space<hbm>>) target(%arg6 : memref<8x100xi32, #tpu.memory_space<vmem>>) target_semaphore(%arg13 : memref<!tpu.dma_semaphore, #tpu.memory_space<semaphore_mem>>)
      } else {
      }
      %broadcast_in_dim3A_436 = arith.constant 0.000000e+00 : f32
      %broadcast_in_dim3A_437 = vector.broadcast %broadcast_in_dim3A_436 : f32 to vector<16xf32>
      %scan3A_438 = arith.constant 0 : i32
      %scan3A_439 = arith.constant 50 : i32
      %scan3A_440 = arith.addi %scan3A_438, %scan3A_439 : i32
      %scan3A_441 = arith.constant 2 : i32
      %scan3A_442:4 = scf.for %scan3A_667 = %scan3A_438 to %scan3A_440 step %scan3A_441 iter_args(%scan3A_668 = %broadcast_in_dim3A_437, %scan3A_669 = %broadcast_in_dim3A_437, %scan3A_670 = %broadcast_in_dim3A_437, %scan3A_671 = %broadcast_in_dim3A_437) -> (vector<16xf32>, vector<16xf32>, vector<16xf32>, vector<16xf32>)  : i32 {
        %mul3A_672 = arith.constant 4 : i32
        %mul3A_673 = arith.muli %scan3A_667, %mul3A_672 : i32
        %add3A_674 = arith.constant 0 : i32
        %add3A_675 = arith.addi %add3A_674, %mul3A_673 : i32
        %add3A_676 = arith.constant 0 : i32
        %add3A_677 = arith.addi %add3A_675, %add3A_676 : i32
        %get3A = arith.index_cast %add3A_677 : i32 to index
        %get3A_678 = arith.constant 0 : index
        %get3A_679 = tpu.vector_load %arg8[%get3A, %get3A_678] {strides = array<i32>} : memref<800x64xf32, #tpu.memory_space<vmem>>, vector<1x16xf32>,
        %get3A_680 = vector.shape_cast %get3A_679 : vector<1x16xf32> to vector<16xf32>
        %add3A_681 = arith.addf %scan3A_668, %get3A_680 : vector<16xf32>
        %get3A_682 = arith.index_cast %add3A_677 : i32 to index
        %get3A_683 = arith.constant 16 : index
        %get3A_684 = tpu.vector_load %arg8[%get3A_682, %get3A_683] {strides = array<i32>} : memref<800x64xf32, #tpu.memory_space<vmem>>, vector<1x16xf32>,
        %get3A_685 = vector.shape_cast %get3A_684 : vector<1x16xf32> to vector<16xf32>
        %add3A_686 = arith.addf %scan3A_669, %get3A_685 : vector<16xf32>
        %get3A_687 = arith.index_cast %add3A_677 : i32 to index
        %get3A_688 = arith.constant 32 : index
        %get3A_689 = tpu.vector_load %arg8[%get3A_687, %get3A_688] {strides = array<i32>} : memref<800x64xf32, #tpu.memory_space<vmem>>, vector<1x16xf32>,
        %get3A_690 = vector.shape_cast %get3A_689 : vector<1x16xf32> to vector<16xf32>
        %add3A_691 = arith.addf %scan3A_670, %get3A_690 : vector<16xf32>
        %get3A_692 = arith.index_cast %add3A_677 : i32 to index
        %get3A_693 = arith.constant 48 : index
        %get3A_694 = tpu.vector_load %arg8[%get3A_692, %get3A_693] {strides = array<i32>} : memref<800x64xf32, #tpu.memory_space<vmem>>, vector<1x16xf32>,
        %get3A_695 = vector.shape_cast %get3A_694 : vector<1x16xf32> to vector<16xf32>
        %add3A_696 = arith.addf %scan3A_671, %get3A_695 : vector<16xf32>
        %mul3A_697 = arith.constant 4 : i32
        %mul3A_698 = arith.muli %scan3A_667, %mul3A_697 : i32
        %add3A_699 = arith.constant 0 : i32
        %add3A_700 = arith.addi %add3A_699, %mul3A_698 : i32
        %add3A_701 = arith.constant 1 : i32
        %add3A_702 = arith.addi %add3A_700, %add3A_701 : i32
        %get3A_703 = arith.index_cast %add3A_702 : i32 to index
        %get3A_704 = arith.constant 0 : index
        %get3A_705 = tpu.vector_load %arg8[%get3A_703, %get3A_704] {strides = array<i32>} : memref<800x64xf32, #tpu.memory_space<vmem>>, vector<1x16xf32>,
        %get3A_706 = vector.shape_cast %get3A_705 : vector<1x16xf32> to vector<16xf32>
        %add3A_707 = arith.addf %add3A_681, %get3A_706 : vector<16xf32>
        %get3A_708 = arith.index_cast %add3A_702 : i32 to index
        %get3A_709 = arith.constant 16 : index
        %get3A_710 = tpu.vector_load %arg8[%get3A_708, %get3A_709] {strides = array<i32>} : memref<800x64xf32, #tpu.memory_space<vmem>>, vector<1x16xf32>,
        %get3A_711 = vector.shape_cast %get3A_710 : vector<1x16xf32> to vector<16xf32>
        %add3A_712 = arith.addf %add3A_686, %get3A_711 : vector<16xf32>
        %get3A_713 = arith.index_cast %add3A_702 : i32 to index
        %get3A_714 = arith.constant 32 : index
        %get3A_715 = tpu.vector_load %arg8[%get3A_713, %get3A_714] {strides = array<i32>} : memref<800x64xf32, #tpu.memory_space<vmem>>, vector<1x16xf32>,
        %get3A_716 = vector.shape_cast %get3A_715 : vector<1x16xf32> to vector<16xf32>
        %add3A_717 = arith.addf %add3A_691, %get3A_716 : vector<16xf32>
        %get3A_718 = arith.index_cast %add3A_702 : i32 to index
        %get3A_719 = arith.constant 48 : index
        %get3A_720 = tpu.vector_load %arg8[%get3A_718, %get3A_719] {strides = array<i32>} : memref<800x64xf32, #tpu.memory_space<vmem>>, vector<1x16xf32>,
        %get3A_721 = vector.shape_cast %get3A_720 : vector<1x16xf32> to vector<16xf32>
        %add3A_722 = arith.addf %add3A_696, %get3A_721 : vector<16xf32>
        %mul3A_723 = arith.constant 4 : i32
        %mul3A_724 = arith.muli %scan3A_667, %mul3A_723 : i32
        %add3A_725 = arith.constant 0 : i32
        %add3A_726 = arith.addi %add3A_725, %mul3A_724 : i32
        %add3A_727 = arith.constant 2 : i32
        %add3A_728 = arith.addi %add3A_726, %add3A_727 : i32
        %get3A_729 = arith.index_cast %add3A_728 : i32 to index
        %get3A_730 = arith.constant 0 : index
        %get3A_731 = tpu.vector_load %arg8[%get3A_729, %get3A_730] {strides = array<i32>} : memref<800x64xf32, #tpu.memory_space<vmem>>, vector<1x16xf32>,
        %get3A_732 = vector.shape_cast %get3A_731 : vector<1x16xf32> to vector<16xf32>
        %add3A_733 = arith.addf %add3A_707, %get3A_732 : vector<16xf32>
        %get3A_734 = arith.index_cast %add3A_728 : i32 to index
        %get3A_735 = arith.constant 16 : index
        %get3A_736 = tpu.vector_load %arg8[%get3A_734, %get3A_735] {strides = array<i32>} : memref<800x64xf32, #tpu.memory_space<vmem>>, vector<1x16xf32>,
        %get3A_737 = vector.shape_cast %get3A_736 : vector<1x16xf32> to vector<16xf32>
        %add3A_738 = arith.addf %add3A_712, %get3A_737 : vector<16xf32>
        %get3A_739 = arith.index_cast %add3A_728 : i32 to index
        %get3A_740 = arith.constant 32 : index
        %get3A_741 = tpu.vector_load %arg8[%get3A_739, %get3A_740] {strides = array<i32>} : memref<800x64xf32, #tpu.memory_space<vmem>>, vector<1x16xf32>,
        %get3A_742 = vector.shape_cast %get3A_741 : vector<1x16xf32> to vector<16xf32>
        %add3A_743 = arith.addf %add3A_717, %get3A_742 : vector<16xf32>
        %get3A_744 = arith.index_cast %add3A_728 : i32 to index
        %get3A_745 = arith.constant 48 : index
        %get3A_746 = tpu.vector_load %arg8[%get3A_744, %get3A_745] {strides = array<i32>} : memref<800x64xf32, #tpu.memory_space<vmem>>, vector<1x16xf32>,
        %get3A_747 = vector.shape_cast %get3A_746 : vector<1x16xf32> to vector<16xf32>
        %add3A_748 = arith.addf %add3A_722, %get3A_747 : vector<16xf32>
        %mul3A_749 = arith.constant 4 : i32
        %mul3A_750 = arith.muli %scan3A_667, %mul3A_749 : i32
        %add3A_751 = arith.constant 0 : i32
        %add3A_752 = arith.addi %add3A_751, %mul3A_750 : i32
        %add3A_753 = arith.constant 3 : i32
        %add3A_754 = arith.addi %add3A_752, %add3A_753 : i32
        %get3A_755 = arith.index_cast %add3A_754 : i32 to index
        %get3A_756 = arith.constant 0 : index
        %get3A_757 = tpu.vector_load %arg8[%get3A_755, %get3A_756] {strides = array<i32>} : memref<800x64xf32, #tpu.memory_space<vmem>>, vector<1x16xf32>,
        %get3A_758 = vector.shape_cast %get3A_757 : vector<1x16xf32> to vector<16xf32>
        %add3A_759 = arith.addf %add3A_733, %get3A_758 : vector<16xf32>
        %get3A_760 = arith.index_cast %add3A_754 : i32 to index
        %get3A_761 = arith.constant 16 : index
        %get3A_762 = tpu.vector_load %arg8[%get3A_760, %get3A_761] {strides = array<i32>} : memref<800x64xf32, #tpu.memory_space<vmem>>, vector<1x16xf32>,
        %get3A_763 = vector.shape_cast %get3A_762 : vector<1x16xf32> to vector<16xf32>
        %add3A_764 = arith.addf %add3A_738, %get3A_763 : vector<16xf32>
        %get3A_765 = arith.index_cast %add3A_754 : i32 to index
        %get3A_766 = arith.constant 32 : index
        %get3A_767 = tpu.vector_load %arg8[%get3A_765, %get3A_766] {strides = array<i32>} : memref<800x64xf32, #tpu.memory_space<vmem>>, vector<1x16xf32>,
        %get3A_768 = vector.shape_cast %get3A_767 : vector<1x16xf32> to vector<16xf32>
        %add3A_769 = arith.addf %add3A_743, %get3A_768 : vector<16xf32>
        %get3A_770 = arith.index_cast %add3A_754 : i32 to index
        %get3A_771 = arith.constant 48 : index
        %get3A_772 = tpu.vector_load %arg8[%get3A_770, %get3A_771] {strides = array<i32>} : memref<800x64xf32, #tpu.memory_space<vmem>>, vector<1x16xf32>,
        %get3A_773 = vector.shape_cast %get3A_772 : vector<1x16xf32> to vector<16xf32>
        %add3A_774 = arith.addf %add3A_748, %get3A_773 : vector<16xf32>
        %scan3A_775 = arith.constant 1 : i32
        %scan3A_776 = arith.addi %scan3A_667, %scan3A_775 : i32
        %mul3A_777 = arith.constant 4 : i32
        %mul3A_778 = arith.muli %scan3A_776, %mul3A_777 : i32
        %add3A_779 = arith.constant 0 : i32
        %add3A_780 = arith.addi %add3A_779, %mul3A_778 : i32
        %add3A_781 = arith.constant 0 : i32
        %add3A_782 = arith.addi %add3A_780, %add3A_781 : i32
        %get3A_783 = arith.index_cast %add3A_782 : i32 to index
        %get3A_784 = arith.constant 0 : index
        %get3A_785 = tpu.vector_load %arg8[%get3A_783, %get3A_784] {strides = array<i32>} : memref<800x64xf32, #tpu.memory_space<vmem>>, vector<1x16xf32>,
        %get3A_786 = vector.shape_cast %get3A_785 : vector<1x16xf32> to vector<16xf32>
        %add3A_787 = arith.addf %add3A_759, %get3A_786 : vector<16xf32>
        %get3A_788 = arith.index_cast %add3A_782 : i32 to index
        %get3A_789 = arith.constant 16 : index
        %get3A_790 = tpu.vector_load %arg8[%get3A_788, %get3A_789] {strides = array<i32>} : memref<800x64xf32, #tpu.memory_space<vmem>>, vector<1x16xf32>,
        %get3A_791 = vector.shape_cast %get3A_790 : vector<1x16xf32> to vector<16xf32>
        %add3A_792 = arith.addf %add3A_764, %get3A_791 : vector<16xf32>
        %get3A_793 = arith.index_cast %add3A_782 : i32 to index
        %get3A_794 = arith.constant 32 : index
        %get3A_795 = tpu.vector_load %arg8[%get3A_793, %get3A_794] {strides = array<i32>} : memref<800x64xf32, #tpu.memory_space<vmem>>, vector<1x16xf32>,
        %get3A_796 = vector.shape_cast %get3A_795 : vector<1x16xf32> to vector<16xf32>
        %add3A_797 = arith.addf %add3A_769, %get3A_796 : vector<16xf32>
        %get3A_798 = arith.index_cast %add3A_782 : i32 to index
        %get3A_799 = arith.constant 48 : index
        %get3A_800 = tpu.vector_load %arg8[%get3A_798, %get3A_799] {strides = array<i32>} : memref<800x64xf32, #tpu.memory_space<vmem>>, vector<1x16xf32>,
        %get3A_801 = vector.shape_cast %get3A_800 : vector<1x16xf32> to vector<16xf32>
        %add3A_802 = arith.addf %add3A_774, %get3A_801 : vector<16xf32>
        %mul3A_803 = arith.constant 4 : i32
        %mul3A_804 = arith.muli %scan3A_776, %mul3A_803 : i32
        %add3A_805 = arith.constant 0 : i32
        %add3A_806 = arith.addi %add3A_805, %mul3A_804 : i32
        %add3A_807 = arith.constant 1 : i32
        %add3A_808 = arith.addi %add3A_806, %add3A_807 : i32
        %get3A_809 = arith.index_cast %add3A_808 : i32 to index
        %get3A_810 = arith.constant 0 : index
        %get3A_811 = tpu.vector_load %arg8[%get3A_809, %get3A_810] {strides = array<i32>} : memref<800x64xf32, #tpu.memory_space<vmem>>, vector<1x16xf32>,
        %get3A_812 = vector.shape_cast %get3A_811 : vector<1x16xf32> to vector<16xf32>
        %add3A_813 = arith.addf %add3A_787, %get3A_812 : vector<16xf32>
        %get3A_814 = arith.index_cast %add3A_808 : i32 to index
        %get3A_815 = arith.constant 16 : index
        %get3A_816 = tpu.vector_load %arg8[%get3A_814, %get3A_815] {strides = array<i32>} : memref<800x64xf32, #tpu.memory_space<vmem>>, vector<1x16xf32>,
        %get3A_817 = vector.shape_cast %get3A_816 : vector<1x16xf32> to vector<16xf32>
        %add3A_818 = arith.addf %add3A_792, %get3A_817 : vector<16xf32>
        %get3A_819 = arith.index_cast %add3A_808 : i32 to index
        %get3A_820 = arith.constant 32 : index
        %get3A_821 = tpu.vector_load %arg8[%get3A_819, %get3A_820] {strides = array<i32>} : memref<800x64xf32, #tpu.memory_space<vmem>>, vector<1x16xf32>,
        %get3A_822 = vector.shape_cast %get3A_821 : vector<1x16xf32> to vector<16xf32>
        %add3A_823 = arith.addf %add3A_797, %get3A_822 : vector<16xf32>
        %get3A_824 = arith.index_cast %add3A_808 : i32 to index
        %get3A_825 = arith.constant 48 : index
        %get3A_826 = tpu.vector_load %arg8[%get3A_824, %get3A_825] {strides = array<i32>} : memref<800x64xf32, #tpu.memory_space<vmem>>, vector<1x16xf32>,
        %get3A_827 = vector.shape_cast %get3A_826 : vector<1x16xf32> to vector<16xf32>
        %add3A_828 = arith.addf %add3A_802, %get3A_827 : vector<16xf32>
        %mul3A_829 = arith.constant 4 : i32
        %mul3A_830 = arith.muli %scan3A_776, %mul3A_829 : i32
        %add3A_831 = arith.constant 0 : i32
        %add3A_832 = arith.addi %add3A_831, %mul3A_830 : i32
        %add3A_833 = arith.constant 2 : i32
        %add3A_834 = arith.addi %add3A_832, %add3A_833 : i32
        %get3A_835 = arith.index_cast %add3A_834 : i32 to index
        %get3A_836 = arith.constant 0 : index
        %get3A_837 = tpu.vector_load %arg8[%get3A_835, %get3A_836] {strides = array<i32>} : memref<800x64xf32, #tpu.memory_space<vmem>>, vector<1x16xf32>,
        %get3A_838 = vector.shape_cast %get3A_837 : vector<1x16xf32> to vector<16xf32>
        %add3A_839 = arith.addf %add3A_813, %get3A_838 : vector<16xf32>
        %get3A_840 = arith.index_cast %add3A_834 : i32 to index
        %get3A_841 = arith.constant 16 : index
        %get3A_842 = tpu.vector_load %arg8[%get3A_840, %get3A_841] {strides = array<i32>} : memref<800x64xf32, #tpu.memory_space<vmem>>, vector<1x16xf32>,
        %get3A_843 = vector.shape_cast %get3A_842 : vector<1x16xf32> to vector<16xf32>
        %add3A_844 = arith.addf %add3A_818, %get3A_843 : vector<16xf32>
        %get3A_845 = arith.index_cast %add3A_834 : i32 to index
        %get3A_846 = arith.constant 32 : index
        %get3A_847 = tpu.vector_load %arg8[%get3A_845, %get3A_846] {strides = array<i32>} : memref<800x64xf32, #tpu.memory_space<vmem>>, vector<1x16xf32>,
        %get3A_848 = vector.shape_cast %get3A_847 : vector<1x16xf32> to vector<16xf32>
        %add3A_849 = arith.addf %add3A_823, %get3A_848 : vector<16xf32>
        %get3A_850 = arith.index_cast %add3A_834 : i32 to index
        %get3A_851 = arith.constant 48 : index
        %get3A_852 = tpu.vector_load %arg8[%get3A_850, %get3A_851] {strides = array<i32>} : memref<800x64xf32, #tpu.memory_space<vmem>>, vector<1x16xf32>,
        %get3A_853 = vector.shape_cast %get3A_852 : vector<1x16xf32> to vector<16xf32>
        %add3A_854 = arith.addf %add3A_828, %get3A_853 : vector<16xf32>
        %mul3A_855 = arith.constant 4 : i32
        %mul3A_856 = arith.muli %scan3A_776, %mul3A_855 : i32
        %add3A_857 = arith.constant 0 : i32
        %add3A_858 = arith.addi %add3A_857, %mul3A_856 : i32
        %add3A_859 = arith.constant 3 : i32
        %add3A_860 = arith.addi %add3A_858, %add3A_859 : i32
        %get3A_861 = arith.index_cast %add3A_860 : i32 to index
        %get3A_862 = arith.constant 0 : index
        %get3A_863 = tpu.vector_load %arg8[%get3A_861, %get3A_862] {strides = array<i32>} : memref<800x64xf32, #tpu.memory_space<vmem>>, vector<1x16xf32>,
        %get3A_864 = vector.shape_cast %get3A_863 : vector<1x16xf32> to vector<16xf32>
        %add3A_865 = arith.addf %add3A_839, %get3A_864 : vector<16xf32>
        %get3A_866 = arith.index_cast %add3A_860 : i32 to index
        %get3A_867 = arith.constant 16 : index
        %get3A_868 = tpu.vector_load %arg8[%get3A_866, %get3A_867] {strides = array<i32>} : memref<800x64xf32, #tpu.memory_space<vmem>>, vector<1x16xf32>,
        %get3A_869 = vector.shape_cast %get3A_868 : vector<1x16xf32> to vector<16xf32>
        %add3A_870 = arith.addf %add3A_844, %get3A_869 : vector<16xf32>
        %get3A_871 = arith.index_cast %add3A_860 : i32 to index
        %get3A_872 = arith.constant 32 : index
        %get3A_873 = tpu.vector_load %arg8[%get3A_871, %get3A_872] {strides = array<i32>} : memref<800x64xf32, #tpu.memory_space<vmem>>, vector<1x16xf32>,
        %get3A_874 = vector.shape_cast %get3A_873 : vector<1x16xf32> to vector<16xf32>
        %add3A_875 = arith.addf %add3A_849, %get3A_874 : vector<16xf32>
        %get3A_876 = arith.index_cast %add3A_860 : i32 to index
        %get3A_877 = arith.constant 48 : index
        %get3A_878 = tpu.vector_load %arg8[%get3A_876, %get3A_877] {strides = array<i32>} : memref<800x64xf32, #tpu.memory_space<vmem>>, vector<1x16xf32>,
        %get3A_879 = vector.shape_cast %get3A_878 : vector<1x16xf32> to vector<16xf32>
        %add3A_880 = arith.addf %add3A_854, %get3A_879 : vector<16xf32>
        scf.yield %add3A_865, %add3A_870, %add3A_875, %add3A_880 : vector<16xf32>, vector<16xf32>, vector<16xf32>, vector<16xf32>
      }
      %scan3A_443 = arith.constant 50 : i32
      %mul3A_444 = arith.constant 5.000000e-03 : f32
      %mul3A_445 = vector.broadcast %mul3A_444 : f32 to vector<16xf32>
      %mul3A_446 = arith.mulf %scan3A_442#0, %mul3A_445 : vector<16xf32>
      %max3A_447 = arith.constant 0.000000e+00 : f32
      %max3A_448 = vector.broadcast %max3A_447 : f32 to vector<16xf32>
      %max3A_449 = arith.maximumf %mul3A_446, %max3A_448 : vector<16xf32>
      %swap3A_450 = arith.constant 4 : i32
      %swap3A_451 = arith.index_cast %swap3A_450 : i32 to index
      %swap3A_452 = arith.constant 0 : index
      %swap3A_453 = tpu.vector_load %arg9[%swap3A_451, %swap3A_452] {strides = array<i32>} : memref<8x64xf32, #tpu.memory_space<vmem>>, vector<1x16xf32>,
      %swap3A_454 = vector.shape_cast %swap3A_453 : vector<1x16xf32> to vector<16xf32>
      %swap3A_455 = vector.shape_cast %max3A_449 : vector<16xf32> to vector<1x16xf32>
      tpu.vector_store %arg9[%swap3A_451, %swap3A_452], %swap3A_455 {strides = array<i32>} : memref<8x64xf32, #tpu.memory_space<vmem>>, vector<1x16xf32>,
      %mul3A_456 = arith.constant 5.000000e-03 : f32
      %mul3A_457 = vector.broadcast %mul3A_456 : f32 to vector<16xf32>
      %mul3A_458 = arith.mulf %scan3A_442#1, %mul3A_457 : vector<16xf32>
      %max3A_459 = arith.constant 0.000000e+00 : f32
      %max3A_460 = vector.broadcast %max3A_459 : f32 to vector<16xf32>
      %max3A_461 = arith.maximumf %mul3A_458, %max3A_460 : vector<16xf32>
      %swap3A_462 = arith.constant 4 : i32
      %swap3A_463 = arith.index_cast %swap3A_462 : i32 to index
      %swap3A_464 = arith.constant 16 : index
      %swap3A_465 = tpu.vector_load %arg9[%swap3A_463, %swap3A_464] {strides = array<i32>} : memref<8x64xf32, #tpu.memory_space<vmem>>, vector<1x16xf32>,
      %swap3A_466 = vector.shape_cast %swap3A_465 : vector<1x16xf32> to vector<16xf32>
      %swap3A_467 = vector.shape_cast %max3A_461 : vector<16xf32> to vector<1x16xf32>
      tpu.vector_store %arg9[%swap3A_463, %swap3A_464], %swap3A_467 {strides = array<i32>} : memref<8x64xf32, #tpu.memory_space<vmem>>, vector<1x16xf32>,
      %mul3A_468 = arith.constant 5.000000e-03 : f32
      %mul3A_469 = vector.broadcast %mul3A_468 : f32 to vector<16xf32>
      %mul3A_470 = arith.mulf %scan3A_442#2, %mul3A_469 : vector<16xf32>
      %max3A_471 = arith.constant 0.000000e+00 : f32
      %max3A_472 = vector.broadcast %max3A_471 : f32 to vector<16xf32>
      %max3A_473 = arith.maximumf %mul3A_470, %max3A_472 : vector<16xf32>
      %swap3A_474 = arith.constant 4 : i32
      %swap3A_475 = arith.index_cast %swap3A_474 : i32 to index
      %swap3A_476 = arith.constant 32 : index
      %swap3A_477 = tpu.vector_load %arg9[%swap3A_475, %swap3A_476] {strides = array<i32>} : memref<8x64xf32, #tpu.memory_space<vmem>>, vector<1x16xf32>,
      %swap3A_478 = vector.shape_cast %swap3A_477 : vector<1x16xf32> to vector<16xf32>
      %swap3A_479 = vector.shape_cast %max3A_473 : vector<16xf32> to vector<1x16xf32>
      tpu.vector_store %arg9[%swap3A_475, %swap3A_476], %swap3A_479 {strides = array<i32>} : memref<8x64xf32, #tpu.memory_space<vmem>>, vector<1x16xf32>,
      %mul3A_480 = arith.constant 5.000000e-03 : f32
      %mul3A_481 = vector.broadcast %mul3A_480 : f32 to vector<16xf32>
      %mul3A_482 = arith.mulf %scan3A_442#3, %mul3A_481 : vector<16xf32>
      %max3A_483 = arith.constant 0.000000e+00 : f32
      %max3A_484 = vector.broadcast %max3A_483 : f32 to vector<16xf32>
      %max3A_485 = arith.maximumf %mul3A_482, %max3A_484 : vector<16xf32>
      %swap3A_486 = arith.constant 4 : i32
      %swap3A_487 = arith.index_cast %swap3A_486 : i32 to index
      %swap3A_488 = arith.constant 48 : index
      %swap3A_489 = tpu.vector_load %arg9[%swap3A_487, %swap3A_488] {strides = array<i32>} : memref<8x64xf32, #tpu.memory_space<vmem>>, vector<1x16xf32>,
      %swap3A_490 = vector.shape_cast %swap3A_489 : vector<1x16xf32> to vector<16xf32>
      %swap3A_491 = vector.shape_cast %max3A_485 : vector<16xf32> to vector<1x16xf32>
      tpu.vector_store %arg9[%swap3A_487, %swap3A_488], %swap3A_491 {strides = array<i32>} : memref<8x64xf32, #tpu.memory_space<vmem>>, vector<1x16xf32>,
      %broadcast_in_dim3A_492 = arith.constant 0.000000e+00 : f32
      %broadcast_in_dim3A_493 = vector.broadcast %broadcast_in_dim3A_492 : f32 to vector<16xf32>
      %scan3A_494 = arith.constant 0 : i32
      %scan3A_495 = arith.constant 50 : i32
      %scan3A_496 = arith.addi %scan3A_494, %scan3A_495 : i32
      %scan3A_497 = arith.constant 2 : i32
      %scan3A_498:4 = scf.for %scan3A_667 = %scan3A_494 to %scan3A_496 step %scan3A_497 iter_args(%scan3A_668 = %broadcast_in_dim3A_493, %scan3A_669 = %broadcast_in_dim3A_493, %scan3A_670 = %broadcast_in_dim3A_493, %scan3A_671 = %broadcast_in_dim3A_493) -> (vector<16xf32>, vector<16xf32>, vector<16xf32>, vector<16xf32>)  : i32 {
        %mul3A_672 = arith.constant 4 : i32
        %mul3A_673 = arith.muli %scan3A_667, %mul3A_672 : i32
        %add3A_674 = arith.constant 200 : i32
        %add3A_675 = arith.addi %add3A_674, %mul3A_673 : i32
        %add3A_676 = arith.constant 0 : i32
        %add3A_677 = arith.addi %add3A_675, %add3A_676 : i32
        %get3A = arith.index_cast %add3A_677 : i32 to index
        %get3A_678 = arith.constant 0 : index
        %get3A_679 = tpu.vector_load %arg8[%get3A, %get3A_678] {strides = array<i32>} : memref<800x64xf32, #tpu.memory_space<vmem>>, vector<1x16xf32>,
        %get3A_680 = vector.shape_cast %get3A_679 : vector<1x16xf32> to vector<16xf32>
        %add3A_681 = arith.addf %scan3A_668, %get3A_680 : vector<16xf32>
        %get3A_682 = arith.index_cast %add3A_677 : i32 to index
        %get3A_683 = arith.constant 16 : index
        %get3A_684 = tpu.vector_load %arg8[%get3A_682, %get3A_683] {strides = array<i32>} : memref<800x64xf32, #tpu.memory_space<vmem>>, vector<1x16xf32>,
        %get3A_685 = vector.shape_cast %get3A_684 : vector<1x16xf32> to vector<16xf32>
        %add3A_686 = arith.addf %scan3A_669, %get3A_685 : vector<16xf32>
        %get3A_687 = arith.index_cast %add3A_677 : i32 to index
        %get3A_688 = arith.constant 32 : index
        %get3A_689 = tpu.vector_load %arg8[%get3A_687, %get3A_688] {strides = array<i32>} : memref<800x64xf32, #tpu.memory_space<vmem>>, vector<1x16xf32>,
        %get3A_690 = vector.shape_cast %get3A_689 : vector<1x16xf32> to vector<16xf32>
        %add3A_691 = arith.addf %scan3A_670, %get3A_690 : vector<16xf32>
        %get3A_692 = arith.index_cast %add3A_677 : i32 to index
        %get3A_693 = arith.constant 48 : index
        %get3A_694 = tpu.vector_load %arg8[%get3A_692, %get3A_693] {strides = array<i32>} : memref<800x64xf32, #tpu.memory_space<vmem>>, vector<1x16xf32>,
        %get3A_695 = vector.shape_cast %get3A_694 : vector<1x16xf32> to vector<16xf32>
        %add3A_696 = arith.addf %scan3A_671, %get3A_695 : vector<16xf32>
        %mul3A_697 = arith.constant 4 : i32
        %mul3A_698 = arith.muli %scan3A_667, %mul3A_697 : i32
        %add3A_699 = arith.constant 200 : i32
        %add3A_700 = arith.addi %add3A_699, %mul3A_698 : i32
        %add3A_701 = arith.constant 1 : i32
        %add3A_702 = arith.addi %add3A_700, %add3A_701 : i32
        %get3A_703 = arith.index_cast %add3A_702 : i32 to index
        %get3A_704 = arith.constant 0 : index
        %get3A_705 = tpu.vector_load %arg8[%get3A_703, %get3A_704] {strides = array<i32>} : memref<800x64xf32, #tpu.memory_space<vmem>>, vector<1x16xf32>,
        %get3A_706 = vector.shape_cast %get3A_705 : vector<1x16xf32> to vector<16xf32>
        %add3A_707 = arith.addf %add3A_681, %get3A_706 : vector<16xf32>
        %get3A_708 = arith.index_cast %add3A_702 : i32 to index
        %get3A_709 = arith.constant 16 : index
        %get3A_710 = tpu.vector_load %arg8[%get3A_708, %get3A_709] {strides = array<i32>} : memref<800x64xf32, #tpu.memory_space<vmem>>, vector<1x16xf32>,
        %get3A_711 = vector.shape_cast %get3A_710 : vector<1x16xf32> to vector<16xf32>
        %add3A_712 = arith.addf %add3A_686, %get3A_711 : vector<16xf32>
        %get3A_713 = arith.index_cast %add3A_702 : i32 to index
        %get3A_714 = arith.constant 32 : index
        %get3A_715 = tpu.vector_load %arg8[%get3A_713, %get3A_714] {strides = array<i32>} : memref<800x64xf32, #tpu.memory_space<vmem>>, vector<1x16xf32>,
        %get3A_716 = vector.shape_cast %get3A_715 : vector<1x16xf32> to vector<16xf32>
        %add3A_717 = arith.addf %add3A_691, %get3A_716 : vector<16xf32>
        %get3A_718 = arith.index_cast %add3A_702 : i32 to index
        %get3A_719 = arith.constant 48 : index
        %get3A_720 = tpu.vector_load %arg8[%get3A_718, %get3A_719] {strides = array<i32>} : memref<800x64xf32, #tpu.memory_space<vmem>>, vector<1x16xf32>,
        %get3A_721 = vector.shape_cast %get3A_720 : vector<1x16xf32> to vector<16xf32>
        %add3A_722 = arith.addf %add3A_696, %get3A_721 : vector<16xf32>
        %mul3A_723 = arith.constant 4 : i32
        %mul3A_724 = arith.muli %scan3A_667, %mul3A_723 : i32
        %add3A_725 = arith.constant 200 : i32
        %add3A_726 = arith.addi %add3A_725, %mul3A_724 : i32
        %add3A_727 = arith.constant 2 : i32
        %add3A_728 = arith.addi %add3A_726, %add3A_727 : i32
        %get3A_729 = arith.index_cast %add3A_728 : i32 to index
        %get3A_730 = arith.constant 0 : index
        %get3A_731 = tpu.vector_load %arg8[%get3A_729, %get3A_730] {strides = array<i32>} : memref<800x64xf32, #tpu.memory_space<vmem>>, vector<1x16xf32>,
        %get3A_732 = vector.shape_cast %get3A_731 : vector<1x16xf32> to vector<16xf32>
        %add3A_733 = arith.addf %add3A_707, %get3A_732 : vector<16xf32>
        %get3A_734 = arith.index_cast %add3A_728 : i32 to index
        %get3A_735 = arith.constant 16 : index
        %get3A_736 = tpu.vector_load %arg8[%get3A_734, %get3A_735] {strides = array<i32>} : memref<800x64xf32, #tpu.memory_space<vmem>>, vector<1x16xf32>,
        %get3A_737 = vector.shape_cast %get3A_736 : vector<1x16xf32> to vector<16xf32>
        %add3A_738 = arith.addf %add3A_712, %get3A_737 : vector<16xf32>
        %get3A_739 = arith.index_cast %add3A_728 : i32 to index
        %get3A_740 = arith.constant 32 : index
        %get3A_741 = tpu.vector_load %arg8[%get3A_739, %get3A_740] {strides = array<i32>} : memref<800x64xf32, #tpu.memory_space<vmem>>, vector<1x16xf32>,
        %get3A_742 = vector.shape_cast %get3A_741 : vector<1x16xf32> to vector<16xf32>
        %add3A_743 = arith.addf %add3A_717, %get3A_742 : vector<16xf32>
        %get3A_744 = arith.index_cast %add3A_728 : i32 to index
        %get3A_745 = arith.constant 48 : index
        %get3A_746 = tpu.vector_load %arg8[%get3A_744, %get3A_745] {strides = array<i32>} : memref<800x64xf32, #tpu.memory_space<vmem>>, vector<1x16xf32>,
        %get3A_747 = vector.shape_cast %get3A_746 : vector<1x16xf32> to vector<16xf32>
        %add3A_748 = arith.addf %add3A_722, %get3A_747 : vector<16xf32>
        %mul3A_749 = arith.constant 4 : i32
        %mul3A_750 = arith.muli %scan3A_667, %mul3A_749 : i32
        %add3A_751 = arith.constant 200 : i32
        %add3A_752 = arith.addi %add3A_751, %mul3A_750 : i32
        %add3A_753 = arith.constant 3 : i32
        %add3A_754 = arith.addi %add3A_752, %add3A_753 : i32
        %get3A_755 = arith.index_cast %add3A_754 : i32 to index
        %get3A_756 = arith.constant 0 : index
        %get3A_757 = tpu.vector_load %arg8[%get3A_755, %get3A_756] {strides = array<i32>} : memref<800x64xf32, #tpu.memory_space<vmem>>, vector<1x16xf32>,
        %get3A_758 = vector.shape_cast %get3A_757 : vector<1x16xf32> to vector<16xf32>
        %add3A_759 = arith.addf %add3A_733, %get3A_758 : vector<16xf32>
        %get3A_760 = arith.index_cast %add3A_754 : i32 to index
        %get3A_761 = arith.constant 16 : index
        %get3A_762 = tpu.vector_load %arg8[%get3A_760, %get3A_761] {strides = array<i32>} : memref<800x64xf32, #tpu.memory_space<vmem>>, vector<1x16xf32>,
        %get3A_763 = vector.shape_cast %get3A_762 : vector<1x16xf32> to vector<16xf32>
        %add3A_764 = arith.addf %add3A_738, %get3A_763 : vector<16xf32>
        %get3A_765 = arith.index_cast %add3A_754 : i32 to index
        %get3A_766 = arith.constant 32 : index
        %get3A_767 = tpu.vector_load %arg8[%get3A_765, %get3A_766] {strides = array<i32>} : memref<800x64xf32, #tpu.memory_space<vmem>>, vector<1x16xf32>,
        %get3A_768 = vector.shape_cast %get3A_767 : vector<1x16xf32> to vector<16xf32>
        %add3A_769 = arith.addf %add3A_743, %get3A_768 : vector<16xf32>
        %get3A_770 = arith.index_cast %add3A_754 : i32 to index
        %get3A_771 = arith.constant 48 : index
        %get3A_772 = tpu.vector_load %arg8[%get3A_770, %get3A_771] {strides = array<i32>} : memref<800x64xf32, #tpu.memory_space<vmem>>, vector<1x16xf32>,
        %get3A_773 = vector.shape_cast %get3A_772 : vector<1x16xf32> to vector<16xf32>
        %add3A_774 = arith.addf %add3A_748, %get3A_773 : vector<16xf32>
        %scan3A_775 = arith.constant 1 : i32
        %scan3A_776 = arith.addi %scan3A_667, %scan3A_775 : i32
        %mul3A_777 = arith.constant 4 : i32
        %mul3A_778 = arith.muli %scan3A_776, %mul3A_777 : i32
        %add3A_779 = arith.constant 200 : i32
        %add3A_780 = arith.addi %add3A_779, %mul3A_778 : i32
        %add3A_781 = arith.constant 0 : i32
        %add3A_782 = arith.addi %add3A_780, %add3A_781 : i32
        %get3A_783 = arith.index_cast %add3A_782 : i32 to index
        %get3A_784 = arith.constant 0 : index
        %get3A_785 = tpu.vector_load %arg8[%get3A_783, %get3A_784] {strides = array<i32>} : memref<800x64xf32, #tpu.memory_space<vmem>>, vector<1x16xf32>,
        %get3A_786 = vector.shape_cast %get3A_785 : vector<1x16xf32> to vector<16xf32>
        %add3A_787 = arith.addf %add3A_759, %get3A_786 : vector<16xf32>
        %get3A_788 = arith.index_cast %add3A_782 : i32 to index
        %get3A_789 = arith.constant 16 : index
        %get3A_790 = tpu.vector_load %arg8[%get3A_788, %get3A_789] {strides = array<i32>} : memref<800x64xf32, #tpu.memory_space<vmem>>, vector<1x16xf32>,
        %get3A_791 = vector.shape_cast %get3A_790 : vector<1x16xf32> to vector<16xf32>
        %add3A_792 = arith.addf %add3A_764, %get3A_791 : vector<16xf32>
        %get3A_793 = arith.index_cast %add3A_782 : i32 to index
        %get3A_794 = arith.constant 32 : index
        %get3A_795 = tpu.vector_load %arg8[%get3A_793, %get3A_794] {strides = array<i32>} : memref<800x64xf32, #tpu.memory_space<vmem>>, vector<1x16xf32>,
        %get3A_796 = vector.shape_cast %get3A_795 : vector<1x16xf32> to vector<16xf32>
        %add3A_797 = arith.addf %add3A_769, %get3A_796 : vector<16xf32>
        %get3A_798 = arith.index_cast %add3A_782 : i32 to index
        %get3A_799 = arith.constant 48 : index
        %get3A_800 = tpu.vector_load %arg8[%get3A_798, %get3A_799] {strides = array<i32>} : memref<800x64xf32, #tpu.memory_space<vmem>>, vector<1x16xf32>,
        %get3A_801 = vector.shape_cast %get3A_800 : vector<1x16xf32> to vector<16xf32>
        %add3A_802 = arith.addf %add3A_774, %get3A_801 : vector<16xf32>
        %mul3A_803 = arith.constant 4 : i32
        %mul3A_804 = arith.muli %scan3A_776, %mul3A_803 : i32
        %add3A_805 = arith.constant 200 : i32
        %add3A_806 = arith.addi %add3A_805, %mul3A_804 : i32
        %add3A_807 = arith.constant 1 : i32
        %add3A_808 = arith.addi %add3A_806, %add3A_807 : i32
        %get3A_809 = arith.index_cast %add3A_808 : i32 to index
        %get3A_810 = arith.constant 0 : index
        %get3A_811 = tpu.vector_load %arg8[%get3A_809, %get3A_810] {strides = array<i32>} : memref<800x64xf32, #tpu.memory_space<vmem>>, vector<1x16xf32>,
        %get3A_812 = vector.shape_cast %get3A_811 : vector<1x16xf32> to vector<16xf32>
        %add3A_813 = arith.addf %add3A_787, %get3A_812 : vector<16xf32>
        %get3A_814 = arith.index_cast %add3A_808 : i32 to index
        %get3A_815 = arith.constant 16 : index
        %get3A_816 = tpu.vector_load %arg8[%get3A_814, %get3A_815] {strides = array<i32>} : memref<800x64xf32, #tpu.memory_space<vmem>>, vector<1x16xf32>,
        %get3A_817 = vector.shape_cast %get3A_816 : vector<1x16xf32> to vector<16xf32>
        %add3A_818 = arith.addf %add3A_792, %get3A_817 : vector<16xf32>
        %get3A_819 = arith.index_cast %add3A_808 : i32 to index
        %get3A_820 = arith.constant 32 : index
        %get3A_821 = tpu.vector_load %arg8[%get3A_819, %get3A_820] {strides = array<i32>} : memref<800x64xf32, #tpu.memory_space<vmem>>, vector<1x16xf32>,
        %get3A_822 = vector.shape_cast %get3A_821 : vector<1x16xf32> to vector<16xf32>
        %add3A_823 = arith.addf %add3A_797, %get3A_822 : vector<16xf32>
        %get3A_824 = arith.index_cast %add3A_808 : i32 to index
        %get3A_825 = arith.constant 48 : index
        %get3A_826 = tpu.vector_load %arg8[%get3A_824, %get3A_825] {strides = array<i32>} : memref<800x64xf32, #tpu.memory_space<vmem>>, vector<1x16xf32>,
        %get3A_827 = vector.shape_cast %get3A_826 : vector<1x16xf32> to vector<16xf32>
        %add3A_828 = arith.addf %add3A_802, %get3A_827 : vector<16xf32>
        %mul3A_829 = arith.constant 4 : i32
        %mul3A_830 = arith.muli %scan3A_776, %mul3A_829 : i32
        %add3A_831 = arith.constant 200 : i32
        %add3A_832 = arith.addi %add3A_831, %mul3A_830 : i32
        %add3A_833 = arith.constant 2 : i32
        %add3A_834 = arith.addi %add3A_832, %add3A_833 : i32
        %get3A_835 = arith.index_cast %add3A_834 : i32 to index
        %get3A_836 = arith.constant 0 : index
        %get3A_837 = tpu.vector_load %arg8[%get3A_835, %get3A_836] {strides = array<i32>} : memref<800x64xf32, #tpu.memory_space<vmem>>, vector<1x16xf32>,
        %get3A_838 = vector.shape_cast %get3A_837 : vector<1x16xf32> to vector<16xf32>
        %add3A_839 = arith.addf %add3A_813, %get3A_838 : vector<16xf32>
        %get3A_840 = arith.index_cast %add3A_834 : i32 to index
        %get3A_841 = arith.constant 16 : index
        %get3A_842 = tpu.vector_load %arg8[%get3A_840, %get3A_841] {strides = array<i32>} : memref<800x64xf32, #tpu.memory_space<vmem>>, vector<1x16xf32>,
        %get3A_843 = vector.shape_cast %get3A_842 : vector<1x16xf32> to vector<16xf32>
        %add3A_844 = arith.addf %add3A_818, %get3A_843 : vector<16xf32>
        %get3A_845 = arith.index_cast %add3A_834 : i32 to index
        %get3A_846 = arith.constant 32 : index
        %get3A_847 = tpu.vector_load %arg8[%get3A_845, %get3A_846] {strides = array<i32>} : memref<800x64xf32, #tpu.memory_space<vmem>>, vector<1x16xf32>,
        %get3A_848 = vector.shape_cast %get3A_847 : vector<1x16xf32> to vector<16xf32>
        %add3A_849 = arith.addf %add3A_823, %get3A_848 : vector<16xf32>
        %get3A_850 = arith.index_cast %add3A_834 : i32 to index
        %get3A_851 = arith.constant 48 : index
        %get3A_852 = tpu.vector_load %arg8[%get3A_850, %get3A_851] {strides = array<i32>} : memref<800x64xf32, #tpu.memory_space<vmem>>, vector<1x16xf32>,
        %get3A_853 = vector.shape_cast %get3A_852 : vector<1x16xf32> to vector<16xf32>
        %add3A_854 = arith.addf %add3A_828, %get3A_853 : vector<16xf32>
        %mul3A_855 = arith.constant 4 : i32
        %mul3A_856 = arith.muli %scan3A_776, %mul3A_855 : i32
        %add3A_857 = arith.constant 200 : i32
        %add3A_858 = arith.addi %add3A_857, %mul3A_856 : i32
        %add3A_859 = arith.constant 3 : i32
        %add3A_860 = arith.addi %add3A_858, %add3A_859 : i32
        %get3A_861 = arith.index_cast %add3A_860 : i32 to index
        %get3A_862 = arith.constant 0 : index
        %get3A_863 = tpu.vector_load %arg8[%get3A_861, %get3A_862] {strides = array<i32>} : memref<800x64xf32, #tpu.memory_space<vmem>>, vector<1x16xf32>,
        %get3A_864 = vector.shape_cast %get3A_863 : vector<1x16xf32> to vector<16xf32>
        %add3A_865 = arith.addf %add3A_839, %get3A_864 : vector<16xf32>
        %get3A_866 = arith.index_cast %add3A_860 : i32 to index
        %get3A_867 = arith.constant 16 : index
        %get3A_868 = tpu.vector_load %arg8[%get3A_866, %get3A_867] {strides = array<i32>} : memref<800x64xf32, #tpu.memory_space<vmem>>, vector<1x16xf32>,
        %get3A_869 = vector.shape_cast %get3A_868 : vector<1x16xf32> to vector<16xf32>
        %add3A_870 = arith.addf %add3A_844, %get3A_869 : vector<16xf32>
        %get3A_871 = arith.index_cast %add3A_860 : i32 to index
        %get3A_872 = arith.constant 32 : index
        %get3A_873 = tpu.vector_load %arg8[%get3A_871, %get3A_872] {strides = array<i32>} : memref<800x64xf32, #tpu.memory_space<vmem>>, vector<1x16xf32>,
        %get3A_874 = vector.shape_cast %get3A_873 : vector<1x16xf32> to vector<16xf32>
        %add3A_875 = arith.addf %add3A_849, %get3A_874 : vector<16xf32>
        %get3A_876 = arith.index_cast %add3A_860 : i32 to index
        %get3A_877 = arith.constant 48 : index
        %get3A_878 = tpu.vector_load %arg8[%get3A_876, %get3A_877] {strides = array<i32>} : memref<800x64xf32, #tpu.memory_space<vmem>>, vector<1x16xf32>,
        %get3A_879 = vector.shape_cast %get3A_878 : vector<1x16xf32> to vector<16xf32>
        %add3A_880 = arith.addf %add3A_854, %get3A_879 : vector<16xf32>
        scf.yield %add3A_865, %add3A_870, %add3A_875, %add3A_880 : vector<16xf32>, vector<16xf32>, vector<16xf32>, vector<16xf32>
      }
      %scan3A_499 = arith.constant 50 : i32
      %mul3A_500 = arith.constant 5.000000e-03 : f32
      %mul3A_501 = vector.broadcast %mul3A_500 : f32 to vector<16xf32>
      %mul3A_502 = arith.mulf %scan3A_498#0, %mul3A_501 : vector<16xf32>
      %max3A_503 = arith.constant 0.000000e+00 : f32
      %max3A_504 = vector.broadcast %max3A_503 : f32 to vector<16xf32>
      %max3A_505 = arith.maximumf %mul3A_502, %max3A_504 : vector<16xf32>
      %swap3A_506 = arith.constant 5 : i32
      %swap3A_507 = arith.index_cast %swap3A_506 : i32 to index
      %swap3A_508 = arith.constant 0 : index
      %swap3A_509 = tpu.vector_load %arg9[%swap3A_507, %swap3A_508] {strides = array<i32>} : memref<8x64xf32, #tpu.memory_space<vmem>>, vector<1x16xf32>,
      %swap3A_510 = vector.shape_cast %swap3A_509 : vector<1x16xf32> to vector<16xf32>
      %swap3A_511 = vector.shape_cast %max3A_505 : vector<16xf32> to vector<1x16xf32>
      tpu.vector_store %arg9[%swap3A_507, %swap3A_508], %swap3A_511 {strides = array<i32>} : memref<8x64xf32, #tpu.memory_space<vmem>>, vector<1x16xf32>,
      %mul3A_512 = arith.constant 5.000000e-03 : f32
      %mul3A_513 = vector.broadcast %mul3A_512 : f32 to vector<16xf32>
      %mul3A_514 = arith.mulf %scan3A_498#1, %mul3A_513 : vector<16xf32>
      %max3A_515 = arith.constant 0.000000e+00 : f32
      %max3A_516 = vector.broadcast %max3A_515 : f32 to vector<16xf32>
      %max3A_517 = arith.maximumf %mul3A_514, %max3A_516 : vector<16xf32>
      %swap3A_518 = arith.constant 5 : i32
      %swap3A_519 = arith.index_cast %swap3A_518 : i32 to index
      %swap3A_520 = arith.constant 16 : index
      %swap3A_521 = tpu.vector_load %arg9[%swap3A_519, %swap3A_520] {strides = array<i32>} : memref<8x64xf32, #tpu.memory_space<vmem>>, vector<1x16xf32>,
      %swap3A_522 = vector.shape_cast %swap3A_521 : vector<1x16xf32> to vector<16xf32>
      %swap3A_523 = vector.shape_cast %max3A_517 : vector<16xf32> to vector<1x16xf32>
      tpu.vector_store %arg9[%swap3A_519, %swap3A_520], %swap3A_523 {strides = array<i32>} : memref<8x64xf32, #tpu.memory_space<vmem>>, vector<1x16xf32>,
      %mul3A_524 = arith.constant 5.000000e-03 : f32
      %mul3A_525 = vector.broadcast %mul3A_524 : f32 to vector<16xf32>
      %mul3A_526 = arith.mulf %scan3A_498#2, %mul3A_525 : vector<16xf32>
      %max3A_527 = arith.constant 0.000000e+00 : f32
      %max3A_528 = vector.broadcast %max3A_527 : f32 to vector<16xf32>
      %max3A_529 = arith.maximumf %mul3A_526, %max3A_528 : vector<16xf32>
      %swap3A_530 = arith.constant 5 : i32
      %swap3A_531 = arith.index_cast %swap3A_530 : i32 to index
      %swap3A_532 = arith.constant 32 : index
      %swap3A_533 = tpu.vector_load %arg9[%swap3A_531, %swap3A_532] {strides = array<i32>} : memref<8x64xf32, #tpu.memory_space<vmem>>, vector<1x16xf32>,
      %swap3A_534 = vector.shape_cast %swap3A_533 : vector<1x16xf32> to vector<16xf32>
      %swap3A_535 = vector.shape_cast %max3A_529 : vector<16xf32> to vector<1x16xf32>
      tpu.vector_store %arg9[%swap3A_531, %swap3A_532], %swap3A_535 {strides = array<i32>} : memref<8x64xf32, #tpu.memory_space<vmem>>, vector<1x16xf32>,
      %mul3A_536 = arith.constant 5.000000e-03 : f32
      %mul3A_537 = vector.broadcast %mul3A_536 : f32 to vector<16xf32>
      %mul3A_538 = arith.mulf %scan3A_498#3, %mul3A_537 : vector<16xf32>
      %max3A_539 = arith.constant 0.000000e+00 : f32
      %max3A_540 = vector.broadcast %max3A_539 : f32 to vector<16xf32>
      %max3A_541 = arith.maximumf %mul3A_538, %max3A_540 : vector<16xf32>
      %swap3A_542 = arith.constant 5 : i32
      %swap3A_543 = arith.index_cast %swap3A_542 : i32 to index
      %swap3A_544 = arith.constant 48 : index
      %swap3A_545 = tpu.vector_load %arg9[%swap3A_543, %swap3A_544] {strides = array<i32>} : memref<8x64xf32, #tpu.memory_space<vmem>>, vector<1x16xf32>,
      %swap3A_546 = vector.shape_cast %swap3A_545 : vector<1x16xf32> to vector<16xf32>
      %swap3A_547 = vector.shape_cast %max3A_541 : vector<16xf32> to vector<1x16xf32>
      tpu.vector_store %arg9[%swap3A_543, %swap3A_544], %swap3A_547 {strides = array<i32>} : memref<8x64xf32, #tpu.memory_space<vmem>>, vector<1x16xf32>,
      %broadcast_in_dim3A_548 = arith.constant 0.000000e+00 : f32
      %broadcast_in_dim3A_549 = vector.broadcast %broadcast_in_dim3A_548 : f32 to vector<16xf32>
      %scan3A_550 = arith.constant 0 : i32
      %scan3A_551 = arith.constant 50 : i32
      %scan3A_552 = arith.addi %scan3A_550, %scan3A_551 : i32
      %scan3A_553 = arith.constant 2 : i32
      %scan3A_554:4 = scf.for %scan3A_667 = %scan3A_550 to %scan3A_552 step %scan3A_553 iter_args(%scan3A_668 = %broadcast_in_dim3A_549, %scan3A_669 = %broadcast_in_dim3A_549, %scan3A_670 = %broadcast_in_dim3A_549, %scan3A_671 = %broadcast_in_dim3A_549) -> (vector<16xf32>, vector<16xf32>, vector<16xf32>, vector<16xf32>)  : i32 {
        %mul3A_672 = arith.constant 4 : i32
        %mul3A_673 = arith.muli %scan3A_667, %mul3A_672 : i32
        %add3A_674 = arith.constant 400 : i32
        %add3A_675 = arith.addi %add3A_674, %mul3A_673 : i32
        %add3A_676 = arith.constant 0 : i32
        %add3A_677 = arith.addi %add3A_675, %add3A_676 : i32
        %get3A = arith.index_cast %add3A_677 : i32 to index
        %get3A_678 = arith.constant 0 : index
        %get3A_679 = tpu.vector_load %arg8[%get3A, %get3A_678] {strides = array<i32>} : memref<800x64xf32, #tpu.memory_space<vmem>>, vector<1x16xf32>,
        %get3A_680 = vector.shape_cast %get3A_679 : vector<1x16xf32> to vector<16xf32>
        %add3A_681 = arith.addf %scan3A_668, %get3A_680 : vector<16xf32>
        %get3A_682 = arith.index_cast %add3A_677 : i32 to index
        %get3A_683 = arith.constant 16 : index
        %get3A_684 = tpu.vector_load %arg8[%get3A_682, %get3A_683] {strides = array<i32>} : memref<800x64xf32, #tpu.memory_space<vmem>>, vector<1x16xf32>,
        %get3A_685 = vector.shape_cast %get3A_684 : vector<1x16xf32> to vector<16xf32>
        %add3A_686 = arith.addf %scan3A_669, %get3A_685 : vector<16xf32>
        %get3A_687 = arith.index_cast %add3A_677 : i32 to index
        %get3A_688 = arith.constant 32 : index
        %get3A_689 = tpu.vector_load %arg8[%get3A_687, %get3A_688] {strides = array<i32>} : memref<800x64xf32, #tpu.memory_space<vmem>>, vector<1x16xf32>,
        %get3A_690 = vector.shape_cast %get3A_689 : vector<1x16xf32> to vector<16xf32>
        %add3A_691 = arith.addf %scan3A_670, %get3A_690 : vector<16xf32>
        %get3A_692 = arith.index_cast %add3A_677 : i32 to index
        %get3A_693 = arith.constant 48 : index
        %get3A_694 = tpu.vector_load %arg8[%get3A_692, %get3A_693] {strides = array<i32>} : memref<800x64xf32, #tpu.memory_space<vmem>>, vector<1x16xf32>,
        %get3A_695 = vector.shape_cast %get3A_694 : vector<1x16xf32> to vector<16xf32>
        %add3A_696 = arith.addf %scan3A_671, %get3A_695 : vector<16xf32>
        %mul3A_697 = arith.constant 4 : i32
        %mul3A_698 = arith.muli %scan3A_667, %mul3A_697 : i32
        %add3A_699 = arith.constant 400 : i32
        %add3A_700 = arith.addi %add3A_699, %mul3A_698 : i32
        %add3A_701 = arith.constant 1 : i32
        %add3A_702 = arith.addi %add3A_700, %add3A_701 : i32
        %get3A_703 = arith.index_cast %add3A_702 : i32 to index
        %get3A_704 = arith.constant 0 : index
        %get3A_705 = tpu.vector_load %arg8[%get3A_703, %get3A_704] {strides = array<i32>} : memref<800x64xf32, #tpu.memory_space<vmem>>, vector<1x16xf32>,
        %get3A_706 = vector.shape_cast %get3A_705 : vector<1x16xf32> to vector<16xf32>
        %add3A_707 = arith.addf %add3A_681, %get3A_706 : vector<16xf32>
        %get3A_708 = arith.index_cast %add3A_702 : i32 to index
        %get3A_709 = arith.constant 16 : index
        %get3A_710 = tpu.vector_load %arg8[%get3A_708, %get3A_709] {strides = array<i32>} : memref<800x64xf32, #tpu.memory_space<vmem>>, vector<1x16xf32>,
        %get3A_711 = vector.shape_cast %get3A_710 : vector<1x16xf32> to vector<16xf32>
        %add3A_712 = arith.addf %add3A_686, %get3A_711 : vector<16xf32>
        %get3A_713 = arith.index_cast %add3A_702 : i32 to index
        %get3A_714 = arith.constant 32 : index
        %get3A_715 = tpu.vector_load %arg8[%get3A_713, %get3A_714] {strides = array<i32>} : memref<800x64xf32, #tpu.memory_space<vmem>>, vector<1x16xf32>,
        %get3A_716 = vector.shape_cast %get3A_715 : vector<1x16xf32> to vector<16xf32>
        %add3A_717 = arith.addf %add3A_691, %get3A_716 : vector<16xf32>
        %get3A_718 = arith.index_cast %add3A_702 : i32 to index
        %get3A_719 = arith.constant 48 : index
        %get3A_720 = tpu.vector_load %arg8[%get3A_718, %get3A_719] {strides = array<i32>} : memref<800x64xf32, #tpu.memory_space<vmem>>, vector<1x16xf32>,
        %get3A_721 = vector.shape_cast %get3A_720 : vector<1x16xf32> to vector<16xf32>
        %add3A_722 = arith.addf %add3A_696, %get3A_721 : vector<16xf32>
        %mul3A_723 = arith.constant 4 : i32
        %mul3A_724 = arith.muli %scan3A_667, %mul3A_723 : i32
        %add3A_725 = arith.constant 400 : i32
        %add3A_726 = arith.addi %add3A_725, %mul3A_724 : i32
        %add3A_727 = arith.constant 2 : i32
        %add3A_728 = arith.addi %add3A_726, %add3A_727 : i32
        %get3A_729 = arith.index_cast %add3A_728 : i32 to index
        %get3A_730 = arith.constant 0 : index
        %get3A_731 = tpu.vector_load %arg8[%get3A_729, %get3A_730] {strides = array<i32>} : memref<800x64xf32, #tpu.memory_space<vmem>>, vector<1x16xf32>,
        %get3A_732 = vector.shape_cast %get3A_731 : vector<1x16xf32> to vector<16xf32>
        %add3A_733 = arith.addf %add3A_707, %get3A_732 : vector<16xf32>
        %get3A_734 = arith.index_cast %add3A_728 : i32 to index
        %get3A_735 = arith.constant 16 : index
        %get3A_736 = tpu.vector_load %arg8[%get3A_734, %get3A_735] {strides = array<i32>} : memref<800x64xf32, #tpu.memory_space<vmem>>, vector<1x16xf32>,
        %get3A_737 = vector.shape_cast %get3A_736 : vector<1x16xf32> to vector<16xf32>
        %add3A_738 = arith.addf %add3A_712, %get3A_737 : vector<16xf32>
        %get3A_739 = arith.index_cast %add3A_728 : i32 to index
        %get3A_740 = arith.constant 32 : index
        %get3A_741 = tpu.vector_load %arg8[%get3A_739, %get3A_740] {strides = array<i32>} : memref<800x64xf32, #tpu.memory_space<vmem>>, vector<1x16xf32>,
        %get3A_742 = vector.shape_cast %get3A_741 : vector<1x16xf32> to vector<16xf32>
        %add3A_743 = arith.addf %add3A_717, %get3A_742 : vector<16xf32>
        %get3A_744 = arith.index_cast %add3A_728 : i32 to index
        %get3A_745 = arith.constant 48 : index
        %get3A_746 = tpu.vector_load %arg8[%get3A_744, %get3A_745] {strides = array<i32>} : memref<800x64xf32, #tpu.memory_space<vmem>>, vector<1x16xf32>,
        %get3A_747 = vector.shape_cast %get3A_746 : vector<1x16xf32> to vector<16xf32>
        %add3A_748 = arith.addf %add3A_722, %get3A_747 : vector<16xf32>
        %mul3A_749 = arith.constant 4 : i32
        %mul3A_750 = arith.muli %scan3A_667, %mul3A_749 : i32
        %add3A_751 = arith.constant 400 : i32
        %add3A_752 = arith.addi %add3A_751, %mul3A_750 : i32
        %add3A_753 = arith.constant 3 : i32
        %add3A_754 = arith.addi %add3A_752, %add3A_753 : i32
        %get3A_755 = arith.index_cast %add3A_754 : i32 to index
        %get3A_756 = arith.constant 0 : index
        %get3A_757 = tpu.vector_load %arg8[%get3A_755, %get3A_756] {strides = array<i32>} : memref<800x64xf32, #tpu.memory_space<vmem>>, vector<1x16xf32>,
        %get3A_758 = vector.shape_cast %get3A_757 : vector<1x16xf32> to vector<16xf32>
        %add3A_759 = arith.addf %add3A_733, %get3A_758 : vector<16xf32>
        %get3A_760 = arith.index_cast %add3A_754 : i32 to index
        %get3A_761 = arith.constant 16 : index
        %get3A_762 = tpu.vector_load %arg8[%get3A_760, %get3A_761] {strides = array<i32>} : memref<800x64xf32, #tpu.memory_space<vmem>>, vector<1x16xf32>,
        %get3A_763 = vector.shape_cast %get3A_762 : vector<1x16xf32> to vector<16xf32>
        %add3A_764 = arith.addf %add3A_738, %get3A_763 : vector<16xf32>
        %get3A_765 = arith.index_cast %add3A_754 : i32 to index
        %get3A_766 = arith.constant 32 : index
        %get3A_767 = tpu.vector_load %arg8[%get3A_765, %get3A_766] {strides = array<i32>} : memref<800x64xf32, #tpu.memory_space<vmem>>, vector<1x16xf32>,
        %get3A_768 = vector.shape_cast %get3A_767 : vector<1x16xf32> to vector<16xf32>
        %add3A_769 = arith.addf %add3A_743, %get3A_768 : vector<16xf32>
        %get3A_770 = arith.index_cast %add3A_754 : i32 to index
        %get3A_771 = arith.constant 48 : index
        %get3A_772 = tpu.vector_load %arg8[%get3A_770, %get3A_771] {strides = array<i32>} : memref<800x64xf32, #tpu.memory_space<vmem>>, vector<1x16xf32>,
        %get3A_773 = vector.shape_cast %get3A_772 : vector<1x16xf32> to vector<16xf32>
        %add3A_774 = arith.addf %add3A_748, %get3A_773 : vector<16xf32>
        %scan3A_775 = arith.constant 1 : i32
        %scan3A_776 = arith.addi %scan3A_667, %scan3A_775 : i32
        %mul3A_777 = arith.constant 4 : i32
        %mul3A_778 = arith.muli %scan3A_776, %mul3A_777 : i32
        %add3A_779 = arith.constant 400 : i32
        %add3A_780 = arith.addi %add3A_779, %mul3A_778 : i32
        %add3A_781 = arith.constant 0 : i32
        %add3A_782 = arith.addi %add3A_780, %add3A_781 : i32
        %get3A_783 = arith.index_cast %add3A_782 : i32 to index
        %get3A_784 = arith.constant 0 : index
        %get3A_785 = tpu.vector_load %arg8[%get3A_783, %get3A_784] {strides = array<i32>} : memref<800x64xf32, #tpu.memory_space<vmem>>, vector<1x16xf32>,
        %get3A_786 = vector.shape_cast %get3A_785 : vector<1x16xf32> to vector<16xf32>
        %add3A_787 = arith.addf %add3A_759, %get3A_786 : vector<16xf32>
        %get3A_788 = arith.index_cast %add3A_782 : i32 to index
        %get3A_789 = arith.constant 16 : index
        %get3A_790 = tpu.vector_load %arg8[%get3A_788, %get3A_789] {strides = array<i32>} : memref<800x64xf32, #tpu.memory_space<vmem>>, vector<1x16xf32>,
        %get3A_791 = vector.shape_cast %get3A_790 : vector<1x16xf32> to vector<16xf32>
        %add3A_792 = arith.addf %add3A_764, %get3A_791 : vector<16xf32>
        %get3A_793 = arith.index_cast %add3A_782 : i32 to index
        %get3A_794 = arith.constant 32 : index
        %get3A_795 = tpu.vector_load %arg8[%get3A_793, %get3A_794] {strides = array<i32>} : memref<800x64xf32, #tpu.memory_space<vmem>>, vector<1x16xf32>,
        %get3A_796 = vector.shape_cast %get3A_795 : vector<1x16xf32> to vector<16xf32>
        %add3A_797 = arith.addf %add3A_769, %get3A_796 : vector<16xf32>
        %get3A_798 = arith.index_cast %add3A_782 : i32 to index
        %get3A_799 = arith.constant 48 : index
        %get3A_800 = tpu.vector_load %arg8[%get3A_798, %get3A_799] {strides = array<i32>} : memref<800x64xf32, #tpu.memory_space<vmem>>, vector<1x16xf32>,
        %get3A_801 = vector.shape_cast %get3A_800 : vector<1x16xf32> to vector<16xf32>
        %add3A_802 = arith.addf %add3A_774, %get3A_801 : vector<16xf32>
        %mul3A_803 = arith.constant 4 : i32
        %mul3A_804 = arith.muli %scan3A_776, %mul3A_803 : i32
        %add3A_805 = arith.constant 400 : i32
        %add3A_806 = arith.addi %add3A_805, %mul3A_804 : i32
        %add3A_807 = arith.constant 1 : i32
        %add3A_808 = arith.addi %add3A_806, %add3A_807 : i32
        %get3A_809 = arith.index_cast %add3A_808 : i32 to index
        %get3A_810 = arith.constant 0 : index
        %get3A_811 = tpu.vector_load %arg8[%get3A_809, %get3A_810] {strides = array<i32>} : memref<800x64xf32, #tpu.memory_space<vmem>>, vector<1x16xf32>,
        %get3A_812 = vector.shape_cast %get3A_811 : vector<1x16xf32> to vector<16xf32>
        %add3A_813 = arith.addf %add3A_787, %get3A_812 : vector<16xf32>
        %get3A_814 = arith.index_cast %add3A_808 : i32 to index
        %get3A_815 = arith.constant 16 : index
        %get3A_816 = tpu.vector_load %arg8[%get3A_814, %get3A_815] {strides = array<i32>} : memref<800x64xf32, #tpu.memory_space<vmem>>, vector<1x16xf32>,
        %get3A_817 = vector.shape_cast %get3A_816 : vector<1x16xf32> to vector<16xf32>
        %add3A_818 = arith.addf %add3A_792, %get3A_817 : vector<16xf32>
        %get3A_819 = arith.index_cast %add3A_808 : i32 to index
        %get3A_820 = arith.constant 32 : index
        %get3A_821 = tpu.vector_load %arg8[%get3A_819, %get3A_820] {strides = array<i32>} : memref<800x64xf32, #tpu.memory_space<vmem>>, vector<1x16xf32>,
        %get3A_822 = vector.shape_cast %get3A_821 : vector<1x16xf32> to vector<16xf32>
        %add3A_823 = arith.addf %add3A_797, %get3A_822 : vector<16xf32>
        %get3A_824 = arith.index_cast %add3A_808 : i32 to index
        %get3A_825 = arith.constant 48 : index
        %get3A_826 = tpu.vector_load %arg8[%get3A_824, %get3A_825] {strides = array<i32>} : memref<800x64xf32, #tpu.memory_space<vmem>>, vector<1x16xf32>,
        %get3A_827 = vector.shape_cast %get3A_826 : vector<1x16xf32> to vector<16xf32>
        %add3A_828 = arith.addf %add3A_802, %get3A_827 : vector<16xf32>
        %mul3A_829 = arith.constant 4 : i32
        %mul3A_830 = arith.muli %scan3A_776, %mul3A_829 : i32
        %add3A_831 = arith.constant 400 : i32
        %add3A_832 = arith.addi %add3A_831, %mul3A_830 : i32
        %add3A_833 = arith.constant 2 : i32
        %add3A_834 = arith.addi %add3A_832, %add3A_833 : i32
        %get3A_835 = arith.index_cast %add3A_834 : i32 to index
        %get3A_836 = arith.constant 0 : index
        %get3A_837 = tpu.vector_load %arg8[%get3A_835, %get3A_836] {strides = array<i32>} : memref<800x64xf32, #tpu.memory_space<vmem>>, vector<1x16xf32>,
        %get3A_838 = vector.shape_cast %get3A_837 : vector<1x16xf32> to vector<16xf32>
        %add3A_839 = arith.addf %add3A_813, %get3A_838 : vector<16xf32>
        %get3A_840 = arith.index_cast %add3A_834 : i32 to index
        %get3A_841 = arith.constant 16 : index
        %get3A_842 = tpu.vector_load %arg8[%get3A_840, %get3A_841] {strides = array<i32>} : memref<800x64xf32, #tpu.memory_space<vmem>>, vector<1x16xf32>,
        %get3A_843 = vector.shape_cast %get3A_842 : vector<1x16xf32> to vector<16xf32>
        %add3A_844 = arith.addf %add3A_818, %get3A_843 : vector<16xf32>
        %get3A_845 = arith.index_cast %add3A_834 : i32 to index
        %get3A_846 = arith.constant 32 : index
        %get3A_847 = tpu.vector_load %arg8[%get3A_845, %get3A_846] {strides = array<i32>} : memref<800x64xf32, #tpu.memory_space<vmem>>, vector<1x16xf32>,
        %get3A_848 = vector.shape_cast %get3A_847 : vector<1x16xf32> to vector<16xf32>
        %add3A_849 = arith.addf %add3A_823, %get3A_848 : vector<16xf32>
        %get3A_850 = arith.index_cast %add3A_834 : i32 to index
        %get3A_851 = arith.constant 48 : index
        %get3A_852 = tpu.vector_load %arg8[%get3A_850, %get3A_851] {strides = array<i32>} : memref<800x64xf32, #tpu.memory_space<vmem>>, vector<1x16xf32>,
        %get3A_853 = vector.shape_cast %get3A_852 : vector<1x16xf32> to vector<16xf32>
        %add3A_854 = arith.addf %add3A_828, %get3A_853 : vector<16xf32>
        %mul3A_855 = arith.constant 4 : i32
        %mul3A_856 = arith.muli %scan3A_776, %mul3A_855 : i32
        %add3A_857 = arith.constant 400 : i32
        %add3A_858 = arith.addi %add3A_857, %mul3A_856 : i32
        %add3A_859 = arith.constant 3 : i32
        %add3A_860 = arith.addi %add3A_858, %add3A_859 : i32
        %get3A_861 = arith.index_cast %add3A_860 : i32 to index
        %get3A_862 = arith.constant 0 : index
        %get3A_863 = tpu.vector_load %arg8[%get3A_861, %get3A_862] {strides = array<i32>} : memref<800x64xf32, #tpu.memory_space<vmem>>, vector<1x16xf32>,
        %get3A_864 = vector.shape_cast %get3A_863 : vector<1x16xf32> to vector<16xf32>
        %add3A_865 = arith.addf %add3A_839, %get3A_864 : vector<16xf32>
        %get3A_866 = arith.index_cast %add3A_860 : i32 to index
        %get3A_867 = arith.constant 16 : index
        %get3A_868 = tpu.vector_load %arg8[%get3A_866, %get3A_867] {strides = array<i32>} : memref<800x64xf32, #tpu.memory_space<vmem>>, vector<1x16xf32>,
        %get3A_869 = vector.shape_cast %get3A_868 : vector<1x16xf32> to vector<16xf32>
        %add3A_870 = arith.addf %add3A_844, %get3A_869 : vector<16xf32>
        %get3A_871 = arith.index_cast %add3A_860 : i32 to index
        %get3A_872 = arith.constant 32 : index
        %get3A_873 = tpu.vector_load %arg8[%get3A_871, %get3A_872] {strides = array<i32>} : memref<800x64xf32, #tpu.memory_space<vmem>>, vector<1x16xf32>,
        %get3A_874 = vector.shape_cast %get3A_873 : vector<1x16xf32> to vector<16xf32>
        %add3A_875 = arith.addf %add3A_849, %get3A_874 : vector<16xf32>
        %get3A_876 = arith.index_cast %add3A_860 : i32 to index
        %get3A_877 = arith.constant 48 : index
        %get3A_878 = tpu.vector_load %arg8[%get3A_876, %get3A_877] {strides = array<i32>} : memref<800x64xf32, #tpu.memory_space<vmem>>, vector<1x16xf32>,
        %get3A_879 = vector.shape_cast %get3A_878 : vector<1x16xf32> to vector<16xf32>
        %add3A_880 = arith.addf %add3A_854, %get3A_879 : vector<16xf32>
        scf.yield %add3A_865, %add3A_870, %add3A_875, %add3A_880 : vector<16xf32>, vector<16xf32>, vector<16xf32>, vector<16xf32>
      }
      %scan3A_555 = arith.constant 50 : i32
      %mul3A_556 = arith.constant 5.000000e-03 : f32
      %mul3A_557 = vector.broadcast %mul3A_556 : f32 to vector<16xf32>
      %mul3A_558 = arith.mulf %scan3A_554#0, %mul3A_557 : vector<16xf32>
      %max3A_559 = arith.constant 0.000000e+00 : f32
      %max3A_560 = vector.broadcast %max3A_559 : f32 to vector<16xf32>
      %max3A_561 = arith.maximumf %mul3A_558, %max3A_560 : vector<16xf32>
      %swap3A_562 = arith.constant 6 : i32
      %swap3A_563 = arith.index_cast %swap3A_562 : i32 to index
      %swap3A_564 = arith.constant 0 : index
      %swap3A_565 = tpu.vector_load %arg9[%swap3A_563, %swap3A_564] {strides = array<i32>} : memref<8x64xf32, #tpu.memory_space<vmem>>, vector<1x16xf32>,
      %swap3A_566 = vector.shape_cast %swap3A_565 : vector<1x16xf32> to vector<16xf32>
      %swap3A_567 = vector.shape_cast %max3A_561 : vector<16xf32> to vector<1x16xf32>
      tpu.vector_store %arg9[%swap3A_563, %swap3A_564], %swap3A_567 {strides = array<i32>} : memref<8x64xf32, #tpu.memory_space<vmem>>, vector<1x16xf32>,
      %mul3A_568 = arith.constant 5.000000e-03 : f32
      %mul3A_569 = vector.broadcast %mul3A_568 : f32 to vector<16xf32>
      %mul3A_570 = arith.mulf %scan3A_554#1, %mul3A_569 : vector<16xf32>
      %max3A_571 = arith.constant 0.000000e+00 : f32
      %max3A_572 = vector.broadcast %max3A_571 : f32 to vector<16xf32>
      %max3A_573 = arith.maximumf %mul3A_570, %max3A_572 : vector<16xf32>
      %swap3A_574 = arith.constant 6 : i32
      %swap3A_575 = arith.index_cast %swap3A_574 : i32 to index
      %swap3A_576 = arith.constant 16 : index
      %swap3A_577 = tpu.vector_load %arg9[%swap3A_575, %swap3A_576] {strides = array<i32>} : memref<8x64xf32, #tpu.memory_space<vmem>>, vector<1x16xf32>,
      %swap3A_578 = vector.shape_cast %swap3A_577 : vector<1x16xf32> to vector<16xf32>
      %swap3A_579 = vector.shape_cast %max3A_573 : vector<16xf32> to vector<1x16xf32>
      tpu.vector_store %arg9[%swap3A_575, %swap3A_576], %swap3A_579 {strides = array<i32>} : memref<8x64xf32, #tpu.memory_space<vmem>>, vector<1x16xf32>,
      %mul3A_580 = arith.constant 5.000000e-03 : f32
      %mul3A_581 = vector.broadcast %mul3A_580 : f32 to vector<16xf32>
      %mul3A_582 = arith.mulf %scan3A_554#2, %mul3A_581 : vector<16xf32>
      %max3A_583 = arith.constant 0.000000e+00 : f32
      %max3A_584 = vector.broadcast %max3A_583 : f32 to vector<16xf32>
      %max3A_585 = arith.maximumf %mul3A_582, %max3A_584 : vector<16xf32>
      %swap3A_586 = arith.constant 6 : i32
      %swap3A_587 = arith.index_cast %swap3A_586 : i32 to index
      %swap3A_588 = arith.constant 32 : index
      %swap3A_589 = tpu.vector_load %arg9[%swap3A_587, %swap3A_588] {strides = array<i32>} : memref<8x64xf32, #tpu.memory_space<vmem>>, vector<1x16xf32>,
      %swap3A_590 = vector.shape_cast %swap3A_589 : vector<1x16xf32> to vector<16xf32>
      %swap3A_591 = vector.shape_cast %max3A_585 : vector<16xf32> to vector<1x16xf32>
      tpu.vector_store %arg9[%swap3A_587, %swap3A_588], %swap3A_591 {strides = array<i32>} : memref<8x64xf32, #tpu.memory_space<vmem>>, vector<1x16xf32>,
      %mul3A_592 = arith.constant 5.000000e-03 : f32
      %mul3A_593 = vector.broadcast %mul3A_592 : f32 to vector<16xf32>
      %mul3A_594 = arith.mulf %scan3A_554#3, %mul3A_593 : vector<16xf32>
      %max3A_595 = arith.constant 0.000000e+00 : f32
      %max3A_596 = vector.broadcast %max3A_595 : f32 to vector<16xf32>
      %max3A_597 = arith.maximumf %mul3A_594, %max3A_596 : vector<16xf32>
      %swap3A_598 = arith.constant 6 : i32
      %swap3A_599 = arith.index_cast %swap3A_598 : i32 to index
      %swap3A_600 = arith.constant 48 : index
      %swap3A_601 = tpu.vector_load %arg9[%swap3A_599, %swap3A_600] {strides = array<i32>} : memref<8x64xf32, #tpu.memory_space<vmem>>, vector<1x16xf32>,
      %swap3A_602 = vector.shape_cast %swap3A_601 : vector<1x16xf32> to vector<16xf32>
      %swap3A_603 = vector.shape_cast %max3A_597 : vector<16xf32> to vector<1x16xf32>
      tpu.vector_store %arg9[%swap3A_599, %swap3A_600], %swap3A_603 {strides = array<i32>} : memref<8x64xf32, #tpu.memory_space<vmem>>, vector<1x16xf32>,
      %broadcast_in_dim3A_604 = arith.constant 0.000000e+00 : f32
      %broadcast_in_dim3A_605 = vector.broadcast %broadcast_in_dim3A_604 : f32 to vector<16xf32>
      %scan3A_606 = arith.constant 0 : i32
      %scan3A_607 = arith.constant 50 : i32
      %scan3A_608 = arith.addi %scan3A_606, %scan3A_607 : i32
      %scan3A_609 = arith.constant 2 : i32
      %scan3A_610:4 = scf.for %scan3A_667 = %scan3A_606 to %scan3A_608 step %scan3A_609 iter_args(%scan3A_668 = %broadcast_in_dim3A_605, %scan3A_669 = %broadcast_in_dim3A_605, %scan3A_670 = %broadcast_in_dim3A_605, %scan3A_671 = %broadcast_in_dim3A_605) -> (vector<16xf32>, vector<16xf32>, vector<16xf32>, vector<16xf32>)  : i32 {
        %mul3A_672 = arith.constant 4 : i32
        %mul3A_673 = arith.muli %scan3A_667, %mul3A_672 : i32
        %add3A_674 = arith.constant 600 : i32
        %add3A_675 = arith.addi %add3A_674, %mul3A_673 : i32
        %add3A_676 = arith.constant 0 : i32
        %add3A_677 = arith.addi %add3A_675, %add3A_676 : i32
        %get3A = arith.index_cast %add3A_677 : i32 to index
        %get3A_678 = arith.constant 0 : index
        %get3A_679 = tpu.vector_load %arg8[%get3A, %get3A_678] {strides = array<i32>} : memref<800x64xf32, #tpu.memory_space<vmem>>, vector<1x16xf32>,
        %get3A_680 = vector.shape_cast %get3A_679 : vector<1x16xf32> to vector<16xf32>
        %add3A_681 = arith.addf %scan3A_668, %get3A_680 : vector<16xf32>
        %get3A_682 = arith.index_cast %add3A_677 : i32 to index
        %get3A_683 = arith.constant 16 : index
        %get3A_684 = tpu.vector_load %arg8[%get3A_682, %get3A_683] {strides = array<i32>} : memref<800x64xf32, #tpu.memory_space<vmem>>, vector<1x16xf32>,
        %get3A_685 = vector.shape_cast %get3A_684 : vector<1x16xf32> to vector<16xf32>
        %add3A_686 = arith.addf %scan3A_669, %get3A_685 : vector<16xf32>
        %get3A_687 = arith.index_cast %add3A_677 : i32 to index
        %get3A_688 = arith.constant 32 : index
        %get3A_689 = tpu.vector_load %arg8[%get3A_687, %get3A_688] {strides = array<i32>} : memref<800x64xf32, #tpu.memory_space<vmem>>, vector<1x16xf32>,
        %get3A_690 = vector.shape_cast %get3A_689 : vector<1x16xf32> to vector<16xf32>
        %add3A_691 = arith.addf %scan3A_670, %get3A_690 : vector<16xf32>
        %get3A_692 = arith.index_cast %add3A_677 : i32 to index
        %get3A_693 = arith.constant 48 : index
        %get3A_694 = tpu.vector_load %arg8[%get3A_692, %get3A_693] {strides = array<i32>} : memref<800x64xf32, #tpu.memory_space<vmem>>, vector<1x16xf32>,
        %get3A_695 = vector.shape_cast %get3A_694 : vector<1x16xf32> to vector<16xf32>
        %add3A_696 = arith.addf %scan3A_671, %get3A_695 : vector<16xf32>
        %mul3A_697 = arith.constant 4 : i32
        %mul3A_698 = arith.muli %scan3A_667, %mul3A_697 : i32
        %add3A_699 = arith.constant 600 : i32
        %add3A_700 = arith.addi %add3A_699, %mul3A_698 : i32
        %add3A_701 = arith.constant 1 : i32
        %add3A_702 = arith.addi %add3A_700, %add3A_701 : i32
        %get3A_703 = arith.index_cast %add3A_702 : i32 to index
        %get3A_704 = arith.constant 0 : index
        %get3A_705 = tpu.vector_load %arg8[%get3A_703, %get3A_704] {strides = array<i32>} : memref<800x64xf32, #tpu.memory_space<vmem>>, vector<1x16xf32>,
        %get3A_706 = vector.shape_cast %get3A_705 : vector<1x16xf32> to vector<16xf32>
        %add3A_707 = arith.addf %add3A_681, %get3A_706 : vector<16xf32>
        %get3A_708 = arith.index_cast %add3A_702 : i32 to index
        %get3A_709 = arith.constant 16 : index
        %get3A_710 = tpu.vector_load %arg8[%get3A_708, %get3A_709] {strides = array<i32>} : memref<800x64xf32, #tpu.memory_space<vmem>>, vector<1x16xf32>,
        %get3A_711 = vector.shape_cast %get3A_710 : vector<1x16xf32> to vector<16xf32>
        %add3A_712 = arith.addf %add3A_686, %get3A_711 : vector<16xf32>
        %get3A_713 = arith.index_cast %add3A_702 : i32 to index
        %get3A_714 = arith.constant 32 : index
        %get3A_715 = tpu.vector_load %arg8[%get3A_713, %get3A_714] {strides = array<i32>} : memref<800x64xf32, #tpu.memory_space<vmem>>, vector<1x16xf32>,
        %get3A_716 = vector.shape_cast %get3A_715 : vector<1x16xf32> to vector<16xf32>
        %add3A_717 = arith.addf %add3A_691, %get3A_716 : vector<16xf32>
        %get3A_718 = arith.index_cast %add3A_702 : i32 to index
        %get3A_719 = arith.constant 48 : index
        %get3A_720 = tpu.vector_load %arg8[%get3A_718, %get3A_719] {strides = array<i32>} : memref<800x64xf32, #tpu.memory_space<vmem>>, vector<1x16xf32>,
        %get3A_721 = vector.shape_cast %get3A_720 : vector<1x16xf32> to vector<16xf32>
        %add3A_722 = arith.addf %add3A_696, %get3A_721 : vector<16xf32>
        %mul3A_723 = arith.constant 4 : i32
        %mul3A_724 = arith.muli %scan3A_667, %mul3A_723 : i32
        %add3A_725 = arith.constant 600 : i32
        %add3A_726 = arith.addi %add3A_725, %mul3A_724 : i32
        %add3A_727 = arith.constant 2 : i32
        %add3A_728 = arith.addi %add3A_726, %add3A_727 : i32
        %get3A_729 = arith.index_cast %add3A_728 : i32 to index
        %get3A_730 = arith.constant 0 : index
        %get3A_731 = tpu.vector_load %arg8[%get3A_729, %get3A_730] {strides = array<i32>} : memref<800x64xf32, #tpu.memory_space<vmem>>, vector<1x16xf32>,
        %get3A_732 = vector.shape_cast %get3A_731 : vector<1x16xf32> to vector<16xf32>
        %add3A_733 = arith.addf %add3A_707, %get3A_732 : vector<16xf32>
        %get3A_734 = arith.index_cast %add3A_728 : i32 to index
        %get3A_735 = arith.constant 16 : index
        %get3A_736 = tpu.vector_load %arg8[%get3A_734, %get3A_735] {strides = array<i32>} : memref<800x64xf32, #tpu.memory_space<vmem>>, vector<1x16xf32>,
        %get3A_737 = vector.shape_cast %get3A_736 : vector<1x16xf32> to vector<16xf32>
        %add3A_738 = arith.addf %add3A_712, %get3A_737 : vector<16xf32>
        %get3A_739 = arith.index_cast %add3A_728 : i32 to index
        %get3A_740 = arith.constant 32 : index
        %get3A_741 = tpu.vector_load %arg8[%get3A_739, %get3A_740] {strides = array<i32>} : memref<800x64xf32, #tpu.memory_space<vmem>>, vector<1x16xf32>,
        %get3A_742 = vector.shape_cast %get3A_741 : vector<1x16xf32> to vector<16xf32>
        %add3A_743 = arith.addf %add3A_717, %get3A_742 : vector<16xf32>
        %get3A_744 = arith.index_cast %add3A_728 : i32 to index
        %get3A_745 = arith.constant 48 : index
        %get3A_746 = tpu.vector_load %arg8[%get3A_744, %get3A_745] {strides = array<i32>} : memref<800x64xf32, #tpu.memory_space<vmem>>, vector<1x16xf32>,
        %get3A_747 = vector.shape_cast %get3A_746 : vector<1x16xf32> to vector<16xf32>
        %add3A_748 = arith.addf %add3A_722, %get3A_747 : vector<16xf32>
        %mul3A_749 = arith.constant 4 : i32
        %mul3A_750 = arith.muli %scan3A_667, %mul3A_749 : i32
        %add3A_751 = arith.constant 600 : i32
        %add3A_752 = arith.addi %add3A_751, %mul3A_750 : i32
        %add3A_753 = arith.constant 3 : i32
        %add3A_754 = arith.addi %add3A_752, %add3A_753 : i32
        %get3A_755 = arith.index_cast %add3A_754 : i32 to index
        %get3A_756 = arith.constant 0 : index
        %get3A_757 = tpu.vector_load %arg8[%get3A_755, %get3A_756] {strides = array<i32>} : memref<800x64xf32, #tpu.memory_space<vmem>>, vector<1x16xf32>,
        %get3A_758 = vector.shape_cast %get3A_757 : vector<1x16xf32> to vector<16xf32>
        %add3A_759 = arith.addf %add3A_733, %get3A_758 : vector<16xf32>
        %get3A_760 = arith.index_cast %add3A_754 : i32 to index
        %get3A_761 = arith.constant 16 : index
        %get3A_762 = tpu.vector_load %arg8[%get3A_760, %get3A_761] {strides = array<i32>} : memref<800x64xf32, #tpu.memory_space<vmem>>, vector<1x16xf32>,
        %get3A_763 = vector.shape_cast %get3A_762 : vector<1x16xf32> to vector<16xf32>
        %add3A_764 = arith.addf %add3A_738, %get3A_763 : vector<16xf32>
        %get3A_765 = arith.index_cast %add3A_754 : i32 to index
        %get3A_766 = arith.constant 32 : index
        %get3A_767 = tpu.vector_load %arg8[%get3A_765, %get3A_766] {strides = array<i32>} : memref<800x64xf32, #tpu.memory_space<vmem>>, vector<1x16xf32>,
        %get3A_768 = vector.shape_cast %get3A_767 : vector<1x16xf32> to vector<16xf32>
        %add3A_769 = arith.addf %add3A_743, %get3A_768 : vector<16xf32>
        %get3A_770 = arith.index_cast %add3A_754 : i32 to index
        %get3A_771 = arith.constant 48 : index
        %get3A_772 = tpu.vector_load %arg8[%get3A_770, %get3A_771] {strides = array<i32>} : memref<800x64xf32, #tpu.memory_space<vmem>>, vector<1x16xf32>,
        %get3A_773 = vector.shape_cast %get3A_772 : vector<1x16xf32> to vector<16xf32>
        %add3A_774 = arith.addf %add3A_748, %get3A_773 : vector<16xf32>
        %scan3A_775 = arith.constant 1 : i32
        %scan3A_776 = arith.addi %scan3A_667, %scan3A_775 : i32
        %mul3A_777 = arith.constant 4 : i32
        %mul3A_778 = arith.muli %scan3A_776, %mul3A_777 : i32
        %add3A_779 = arith.constant 600 : i32
        %add3A_780 = arith.addi %add3A_779, %mul3A_778 : i32
        %add3A_781 = arith.constant 0 : i32
        %add3A_782 = arith.addi %add3A_780, %add3A_781 : i32
        %get3A_783 = arith.index_cast %add3A_782 : i32 to index
        %get3A_784 = arith.constant 0 : index
        %get3A_785 = tpu.vector_load %arg8[%get3A_783, %get3A_784] {strides = array<i32>} : memref<800x64xf32, #tpu.memory_space<vmem>>, vector<1x16xf32>,
        %get3A_786 = vector.shape_cast %get3A_785 : vector<1x16xf32> to vector<16xf32>
        %add3A_787 = arith.addf %add3A_759, %get3A_786 : vector<16xf32>
        %get3A_788 = arith.index_cast %add3A_782 : i32 to index
        %get3A_789 = arith.constant 16 : index
        %get3A_790 = tpu.vector_load %arg8[%get3A_788, %get3A_789] {strides = array<i32>} : memref<800x64xf32, #tpu.memory_space<vmem>>, vector<1x16xf32>,
        %get3A_791 = vector.shape_cast %get3A_790 : vector<1x16xf32> to vector<16xf32>
        %add3A_792 = arith.addf %add3A_764, %get3A_791 : vector<16xf32>
        %get3A_793 = arith.index_cast %add3A_782 : i32 to index
        %get3A_794 = arith.constant 32 : index
        %get3A_795 = tpu.vector_load %arg8[%get3A_793, %get3A_794] {strides = array<i32>} : memref<800x64xf32, #tpu.memory_space<vmem>>, vector<1x16xf32>,
        %get3A_796 = vector.shape_cast %get3A_795 : vector<1x16xf32> to vector<16xf32>
        %add3A_797 = arith.addf %add3A_769, %get3A_796 : vector<16xf32>
        %get3A_798 = arith.index_cast %add3A_782 : i32 to index
        %get3A_799 = arith.constant 48 : index
        %get3A_800 = tpu.vector_load %arg8[%get3A_798, %get3A_799] {strides = array<i32>} : memref<800x64xf32, #tpu.memory_space<vmem>>, vector<1x16xf32>,
        %get3A_801 = vector.shape_cast %get3A_800 : vector<1x16xf32> to vector<16xf32>
        %add3A_802 = arith.addf %add3A_774, %get3A_801 : vector<16xf32>
        %mul3A_803 = arith.constant 4 : i32
        %mul3A_804 = arith.muli %scan3A_776, %mul3A_803 : i32
        %add3A_805 = arith.constant 600 : i32
        %add3A_806 = arith.addi %add3A_805, %mul3A_804 : i32
        %add3A_807 = arith.constant 1 : i32
        %add3A_808 = arith.addi %add3A_806, %add3A_807 : i32
        %get3A_809 = arith.index_cast %add3A_808 : i32 to index
        %get3A_810 = arith.constant 0 : index
        %get3A_811 = tpu.vector_load %arg8[%get3A_809, %get3A_810] {strides = array<i32>} : memref<800x64xf32, #tpu.memory_space<vmem>>, vector<1x16xf32>,
        %get3A_812 = vector.shape_cast %get3A_811 : vector<1x16xf32> to vector<16xf32>
        %add3A_813 = arith.addf %add3A_787, %get3A_812 : vector<16xf32>
        %get3A_814 = arith.index_cast %add3A_808 : i32 to index
        %get3A_815 = arith.constant 16 : index
        %get3A_816 = tpu.vector_load %arg8[%get3A_814, %get3A_815] {strides = array<i32>} : memref<800x64xf32, #tpu.memory_space<vmem>>, vector<1x16xf32>,
        %get3A_817 = vector.shape_cast %get3A_816 : vector<1x16xf32> to vector<16xf32>
        %add3A_818 = arith.addf %add3A_792, %get3A_817 : vector<16xf32>
        %get3A_819 = arith.index_cast %add3A_808 : i32 to index
        %get3A_820 = arith.constant 32 : index
        %get3A_821 = tpu.vector_load %arg8[%get3A_819, %get3A_820] {strides = array<i32>} : memref<800x64xf32, #tpu.memory_space<vmem>>, vector<1x16xf32>,
        %get3A_822 = vector.shape_cast %get3A_821 : vector<1x16xf32> to vector<16xf32>
        %add3A_823 = arith.addf %add3A_797, %get3A_822 : vector<16xf32>
        %get3A_824 = arith.index_cast %add3A_808 : i32 to index
        %get3A_825 = arith.constant 48 : index
        %get3A_826 = tpu.vector_load %arg8[%get3A_824, %get3A_825] {strides = array<i32>} : memref<800x64xf32, #tpu.memory_space<vmem>>, vector<1x16xf32>,
        %get3A_827 = vector.shape_cast %get3A_826 : vector<1x16xf32> to vector<16xf32>
        %add3A_828 = arith.addf %add3A_802, %get3A_827 : vector<16xf32>
        %mul3A_829 = arith.constant 4 : i32
        %mul3A_830 = arith.muli %scan3A_776, %mul3A_829 : i32
        %add3A_831 = arith.constant 600 : i32
        %add3A_832 = arith.addi %add3A_831, %mul3A_830 : i32
        %add3A_833 = arith.constant 2 : i32
        %add3A_834 = arith.addi %add3A_832, %add3A_833 : i32
        %get3A_835 = arith.index_cast %add3A_834 : i32 to index
        %get3A_836 = arith.constant 0 : index
        %get3A_837 = tpu.vector_load %arg8[%get3A_835, %get3A_836] {strides = array<i32>} : memref<800x64xf32, #tpu.memory_space<vmem>>, vector<1x16xf32>,
        %get3A_838 = vector.shape_cast %get3A_837 : vector<1x16xf32> to vector<16xf32>
        %add3A_839 = arith.addf %add3A_813, %get3A_838 : vector<16xf32>
        %get3A_840 = arith.index_cast %add3A_834 : i32 to index
        %get3A_841 = arith.constant 16 : index
        %get3A_842 = tpu.vector_load %arg8[%get3A_840, %get3A_841] {strides = array<i32>} : memref<800x64xf32, #tpu.memory_space<vmem>>, vector<1x16xf32>,
        %get3A_843 = vector.shape_cast %get3A_842 : vector<1x16xf32> to vector<16xf32>
        %add3A_844 = arith.addf %add3A_818, %get3A_843 : vector<16xf32>
        %get3A_845 = arith.index_cast %add3A_834 : i32 to index
        %get3A_846 = arith.constant 32 : index
        %get3A_847 = tpu.vector_load %arg8[%get3A_845, %get3A_846] {strides = array<i32>} : memref<800x64xf32, #tpu.memory_space<vmem>>, vector<1x16xf32>,
        %get3A_848 = vector.shape_cast %get3A_847 : vector<1x16xf32> to vector<16xf32>
        %add3A_849 = arith.addf %add3A_823, %get3A_848 : vector<16xf32>
        %get3A_850 = arith.index_cast %add3A_834 : i32 to index
        %get3A_851 = arith.constant 48 : index
        %get3A_852 = tpu.vector_load %arg8[%get3A_850, %get3A_851] {strides = array<i32>} : memref<800x64xf32, #tpu.memory_space<vmem>>, vector<1x16xf32>,
        %get3A_853 = vector.shape_cast %get3A_852 : vector<1x16xf32> to vector<16xf32>
        %add3A_854 = arith.addf %add3A_828, %get3A_853 : vector<16xf32>
        %mul3A_855 = arith.constant 4 : i32
        %mul3A_856 = arith.muli %scan3A_776, %mul3A_855 : i32
        %add3A_857 = arith.constant 600 : i32
        %add3A_858 = arith.addi %add3A_857, %mul3A_856 : i32
        %add3A_859 = arith.constant 3 : i32
        %add3A_860 = arith.addi %add3A_858, %add3A_859 : i32
        %get3A_861 = arith.index_cast %add3A_860 : i32 to index
        %get3A_862 = arith.constant 0 : index
        %get3A_863 = tpu.vector_load %arg8[%get3A_861, %get3A_862] {strides = array<i32>} : memref<800x64xf32, #tpu.memory_space<vmem>>, vector<1x16xf32>,
        %get3A_864 = vector.shape_cast %get3A_863 : vector<1x16xf32> to vector<16xf32>
        %add3A_865 = arith.addf %add3A_839, %get3A_864 : vector<16xf32>
        %get3A_866 = arith.index_cast %add3A_860 : i32 to index
        %get3A_867 = arith.constant 16 : index
        %get3A_868 = tpu.vector_load %arg8[%get3A_866, %get3A_867] {strides = array<i32>} : memref<800x64xf32, #tpu.memory_space<vmem>>, vector<1x16xf32>,
        %get3A_869 = vector.shape_cast %get3A_868 : vector<1x16xf32> to vector<16xf32>
        %add3A_870 = arith.addf %add3A_844, %get3A_869 : vector<16xf32>
        %get3A_871 = arith.index_cast %add3A_860 : i32 to index
        %get3A_872 = arith.constant 32 : index
        %get3A_873 = tpu.vector_load %arg8[%get3A_871, %get3A_872] {strides = array<i32>} : memref<800x64xf32, #tpu.memory_space<vmem>>, vector<1x16xf32>,
        %get3A_874 = vector.shape_cast %get3A_873 : vector<1x16xf32> to vector<16xf32>
        %add3A_875 = arith.addf %add3A_849, %get3A_874 : vector<16xf32>
        %get3A_876 = arith.index_cast %add3A_860 : i32 to index
        %get3A_877 = arith.constant 48 : index
        %get3A_878 = tpu.vector_load %arg8[%get3A_876, %get3A_877] {strides = array<i32>} : memref<800x64xf32, #tpu.memory_space<vmem>>, vector<1x16xf32>,
        %get3A_879 = vector.shape_cast %get3A_878 : vector<1x16xf32> to vector<16xf32>
        %add3A_880 = arith.addf %add3A_854, %get3A_879 : vector<16xf32>
        scf.yield %add3A_865, %add3A_870, %add3A_875, %add3A_880 : vector<16xf32>, vector<16xf32>, vector<16xf32>, vector<16xf32>
      }
      %scan3A_611 = arith.constant 50 : i32
      %mul3A_612 = arith.constant 5.000000e-03 : f32
      %mul3A_613 = vector.broadcast %mul3A_612 : f32 to vector<16xf32>
      %mul3A_614 = arith.mulf %scan3A_610#0, %mul3A_613 : vector<16xf32>
      %max3A_615 = arith.constant 0.000000e+00 : f32
      %max3A_616 = vector.broadcast %max3A_615 : f32 to vector<16xf32>
      %max3A_617 = arith.maximumf %mul3A_614, %max3A_616 : vector<16xf32>
      %swap3A_618 = arith.constant 7 : i32
      %swap3A_619 = arith.index_cast %swap3A_618 : i32 to index
      %swap3A_620 = arith.constant 0 : index
      %swap3A_621 = tpu.vector_load %arg9[%swap3A_619, %swap3A_620] {strides = array<i32>} : memref<8x64xf32, #tpu.memory_space<vmem>>, vector<1x16xf32>,
      %swap3A_622 = vector.shape_cast %swap3A_621 : vector<1x16xf32> to vector<16xf32>
      %swap3A_623 = vector.shape_cast %max3A_617 : vector<16xf32> to vector<1x16xf32>
      tpu.vector_store %arg9[%swap3A_619, %swap3A_620], %swap3A_623 {strides = array<i32>} : memref<8x64xf32, #tpu.memory_space<vmem>>, vector<1x16xf32>,
      %mul3A_624 = arith.constant 5.000000e-03 : f32
      %mul3A_625 = vector.broadcast %mul3A_624 : f32 to vector<16xf32>
      %mul3A_626 = arith.mulf %scan3A_610#1, %mul3A_625 : vector<16xf32>
      %max3A_627 = arith.constant 0.000000e+00 : f32
      %max3A_628 = vector.broadcast %max3A_627 : f32 to vector<16xf32>
      %max3A_629 = arith.maximumf %mul3A_626, %max3A_628 : vector<16xf32>
      %swap3A_630 = arith.constant 7 : i32
      %swap3A_631 = arith.index_cast %swap3A_630 : i32 to index
      %swap3A_632 = arith.constant 16 : index
      %swap3A_633 = tpu.vector_load %arg9[%swap3A_631, %swap3A_632] {strides = array<i32>} : memref<8x64xf32, #tpu.memory_space<vmem>>, vector<1x16xf32>,
      %swap3A_634 = vector.shape_cast %swap3A_633 : vector<1x16xf32> to vector<16xf32>
      %swap3A_635 = vector.shape_cast %max3A_629 : vector<16xf32> to vector<1x16xf32>
      tpu.vector_store %arg9[%swap3A_631, %swap3A_632], %swap3A_635 {strides = array<i32>} : memref<8x64xf32, #tpu.memory_space<vmem>>, vector<1x16xf32>,
      %mul3A_636 = arith.constant 5.000000e-03 : f32
      %mul3A_637 = vector.broadcast %mul3A_636 : f32 to vector<16xf32>
      %mul3A_638 = arith.mulf %scan3A_610#2, %mul3A_637 : vector<16xf32>
      %max3A_639 = arith.constant 0.000000e+00 : f32
      %max3A_640 = vector.broadcast %max3A_639 : f32 to vector<16xf32>
      %max3A_641 = arith.maximumf %mul3A_638, %max3A_640 : vector<16xf32>
      %swap3A_642 = arith.constant 7 : i32
      %swap3A_643 = arith.index_cast %swap3A_642 : i32 to index
      %swap3A_644 = arith.constant 32 : index
      %swap3A_645 = tpu.vector_load %arg9[%swap3A_643, %swap3A_644] {strides = array<i32>} : memref<8x64xf32, #tpu.memory_space<vmem>>, vector<1x16xf32>,
      %swap3A_646 = vector.shape_cast %swap3A_645 : vector<1x16xf32> to vector<16xf32>
      %swap3A_647 = vector.shape_cast %max3A_641 : vector<16xf32> to vector<1x16xf32>
      tpu.vector_store %arg9[%swap3A_643, %swap3A_644], %swap3A_647 {strides = array<i32>} : memref<8x64xf32, #tpu.memory_space<vmem>>, vector<1x16xf32>,
      %mul3A_648 = arith.constant 5.000000e-03 : f32
      %mul3A_649 = vector.broadcast %mul3A_648 : f32 to vector<16xf32>
      %mul3A_650 = arith.mulf %scan3A_610#3, %mul3A_649 : vector<16xf32>
      %max3A_651 = arith.constant 0.000000e+00 : f32
      %max3A_652 = vector.broadcast %max3A_651 : f32 to vector<16xf32>
      %max3A_653 = arith.maximumf %mul3A_650, %max3A_652 : vector<16xf32>
      %swap3A_654 = arith.constant 7 : i32
      %swap3A_655 = arith.index_cast %swap3A_654 : i32 to index
      %swap3A_656 = arith.constant 48 : index
      %swap3A_657 = tpu.vector_load %arg9[%swap3A_655, %swap3A_656] {strides = array<i32>} : memref<8x64xf32, #tpu.memory_space<vmem>>, vector<1x16xf32>,
      %swap3A_658 = vector.shape_cast %swap3A_657 : vector<1x16xf32> to vector<16xf32>
      %swap3A_659 = vector.shape_cast %max3A_653 : vector<16xf32> to vector<1x16xf32>
      tpu.vector_store %arg9[%swap3A_655, %swap3A_656], %swap3A_659 {strides = array<i32>} : memref<8x64xf32, #tpu.memory_space<vmem>>, vector<1x16xf32>,
      %mul3A_660 = arith.constant 8 : i32
      %mul3A_661 = arith.muli %scan3A_100, %mul3A_660 : i32
      %add3A_662 = arith.addi %mul3A_4, %mul3A_661 : i32
      %dma_start3A_663 = arith.constant 0 : i32
      %dma_start3A_664 = tpu.memref_slice %arg4[%add3A_662, %dma_start3A_663] : memref<16384x64xf32, #tpu.memory_space<hbm>> -> memref<8x64xf32, #tpu.memory_space<hbm>>
      %dma_start3A_665 = arith.constant 0 : i32
      %dma_start3A_666 = tpu.memref_slice %arg4[%add3A_662, %dma_start3A_665] : memref<16384x64xf32, #tpu.memory_space<hbm>> -> memref<8x64xf32, #tpu.memory_space<hbm>>
      tpu.enqueue_dma source(%arg9 : memref<8x64xf32, #tpu.memory_space<vmem>>) target(%dma_start3A_666 : memref<8x64xf32, #tpu.memory_space<hbm>>) target_semaphore(%arg14 : memref<!tpu.dma_semaphore, #tpu.memory_space<semaphore_mem>>)
    }
    %scan3A_94 = arith.constant 64 : i32
    %dma_wait3A = arith.constant 0 : i32
    %dma_wait3A_95 = arith.constant 0 : i32
    %dma_wait3A_96 = tpu.memref_slice %arg4[%dma_wait3A, %dma_wait3A_95] : memref<16384x64xf32, #tpu.memory_space<hbm>> -> memref<8x64xf32, #tpu.memory_space<hbm>>
    %dma_wait3A_97 = arith.constant 0 : i32
    %dma_wait3A_98 = arith.constant 0 : i32
    %dma_wait3A_99 = tpu.memref_slice %arg4[%dma_wait3A_97, %dma_wait3A_98] : memref<16384x64xf32, #tpu.memory_space<hbm>> -> memref<8x64xf32, #tpu.memory_space<hbm>>
    tpu.wait_dma2 semaphore(%arg14 : memref<!tpu.dma_semaphore, #tpu.memory_space<semaphore_mem>>) src(%arg9 : memref<8x64xf32, #tpu.memory_space<vmem>>) dst(%dma_wait3A_99 : memref<8x64xf32, #tpu.memory_space<hbm>>)
    return
  }
}

module attributes {stable_mosaic.version = 14 : i64} {
  func.func @body(%arg0: i32, %arg1: memref<1024x64xf32, #tpu.memory_space<vmem>>, %arg2: memref<64x8xf32, #tpu.memory_space<vmem>>, %arg3: memref<1x8xf32, #tpu.memory_space<vmem>>, %arg4: memref<1024x8xf32, #tpu.memory_space<vmem>>) attributes {dimension_semantics = [#tpu.dimension_semantics<arbitrary>], iteration_bounds = array<i64: 16>, scalar_prefetch = 0 : i64, scratch_operands = 0 : i64, tpu.core_type = #tpu.core_type<tc>, window_params = [{transform_indices = @transform_0, window_bounds = array<i64: 1024, 64>}, {pipeline_mode = #tpu.pipeline_mode<synchronous>, transform_indices = @transform_1, window_bounds = array<i64: 64, 8>}, {pipeline_mode = #tpu.pipeline_mode<synchronous>, transform_indices = @transform_2, window_bounds = array<i64: 1, 8>}, {transform_indices = @transform_3, window_bounds = array<i64: 1024, 8>}]} {
    %get3A = arith.constant 0 : index
    %get3A_0 = arith.constant 0 : index
    %get3A_1 = vector.load %arg1[%get3A, %get3A_0] : memref<1024x64xf32, #tpu.memory_space<vmem>>, vector<1024x64xf32>
    %get3A_2 = arith.constant 0 : index
    %get3A_3 = arith.constant 0 : index
    %get3A_4 = vector.load %arg2[%get3A_2, %get3A_3] : memref<64x8xf32, #tpu.memory_space<vmem>>, vector<64x8xf32>
    %dot_general3A = arith.constant dense<0.000000e+00> : vector<1024x8xf32>
    %dot_general3A_5 = tpu.matmul %get3A_1, %get3A_4, %dot_general3A {dimension_numbers = #tpu.dot_dimension_numbers<[1], [0], [0], [1], [0, 0, 1, 1], [], []>, transpose_lhs_hint = false} : vector<1024x64xf32>, vector<64x8xf32>, vector<1024x8xf32> -> vector<1024x8xf32>
    %get3A_6 = arith.constant 0 : index
    %get3A_7 = arith.constant 0 : index
    %get3A_8 = vector.load %arg3[%get3A_6, %get3A_7] : memref<1x8xf32, #tpu.memory_space<vmem>>, vector<1x8xf32>
    %add3A = vector.broadcast %get3A_8 : vector<1x8xf32> to vector<1024x8xf32>
    %add3A_9 = arith.addf %dot_general3A_5, %add3A : vector<1024x8xf32>
    %swap3A = arith.constant 0 : index
    %swap3A_10 = arith.constant 0 : index
    %swap3A_11 = vector.load %arg4[%swap3A, %swap3A_10] : memref<1024x8xf32, #tpu.memory_space<vmem>>, vector<1024x8xf32>
    tpu.vector_store %arg4[%swap3A, %swap3A_10], %add3A_9 {strides = array<i32>} : memref<1024x8xf32, #tpu.memory_space<vmem>>, vector<1024x8xf32>,
    return
  }
  func.func @transform_0(%arg0: i32) -> (i32, i32) {
    %c0_i32 = arith.constant 0 : i32
    %c0_i32_0 = arith.constant 0 : i32
    return %arg0, %c0_i32 : i32, i32
  }
  func.func @transform_1(%arg0: i32) -> (i32, i32) {
    %c0_i32 = arith.constant 0 : i32
    %c0_i32_0 = arith.constant 0 : i32
    %c0_i32_1 = arith.constant 0 : i32
    return %c0_i32, %c0_i32_0 : i32, i32
  }
  func.func @transform_2(%arg0: i32) -> (i32, i32) {
    %c0_i32 = arith.constant 0 : i32
    %c0_i32_0 = arith.constant 0 : i32
    %c0_i32_1 = arith.constant 0 : i32
    return %c0_i32, %c0_i32_0 : i32, i32
  }
  func.func @transform_3(%arg0: i32) -> (i32, i32) {
    %c0_i32 = arith.constant 0 : i32
    %c0_i32_0 = arith.constant 0 : i32
    return %arg0, %c0_i32 : i32, i32
  }
}

</mosaic_0001>

<sc_bundles>
// kernel: kernel.4.cloned.1.call-start
scs
__scs_entry_jumppad:
0x0: {  	(pc) =	sbr.rel $0x88, $3  }
0x1: {  	(tag) =	ssettag $0x0;
	lr =	simm.s32 $0x1  }
0x2: {  	[smem:$0x3F9D] =	sst lr;
	_ =	strace $0xD0000000  }
0x3: {  	_ = 	snop  }
0x4: {  	_ = 	snop  }
0x5: {  	_ = 	snop  }
0x6: {  	_ = 	snop  }
0x7: {  	_ = 	snop  }
__scs_overlays_trampoline_lowered:
0x8: {  	[smem:$0x3FAC] =	sst s0  }
0x9: {  	[smem:$0x3FAD] =	sst s1  }
0xa: {  	[smem:$0x3FAE] =	sst s2  }
0xb: {  	[smem:$0x3FAF] =	sst s3  }
0xc: {  	[smem:$0x3FB0] =	sst s4  }
0xd: {  	[smem:$0x3FB1] =	sst s5  }
0xe: {  	[smem:$0x3FB2] =	sst s6  }
0xf: {  	[smem:$0x3FB3] =	sst s7  }
0x10: {  	[smem:$0x3FB4] =	sst s8  }
0x11: {  	[smem:$0x3FB5] =	sst s9;
	s0 =	simm.s32 @!p0 $0x0  }
0x12: {  	s1 =	sld [smem:$0x3F9B];
	s0 =	simm.s32 @p0 $0x1  }
0x13: {  	[smem:$0x3FB6] =	sst s0;
	s0 =	simm.s32 @!p1 $0x0  }
0x14: {  	s2 =	sld [smem:$0x3F9A];
	s0 =	simm.s32 @p1 $0x1  }
0x15: {  	[smem:$0x3FB7] =	sst s0;
	s0 =	simm.s32 @!p2 $0x0  }
0x16: {  	s3 =	sld [smem:$0x3FDB];
	s0 =	simm.s32 @p2 $0x1  }
0x17: {  	s4 =	simm.s32 $0x1BF5;
	[smem:$0x3FB9] =	sst s0  }
0x18: {  	s0 =	sld [smem:$0x3F9C];
	_ =	swait.ge [sflag:s4], $0x0  }
0x19: {  	s7 =	sld [smem:$0x3F9D]  }
0x1a: {  	s8 =	sadd.s32 $0xFFFFE003, lr  }
0x1b: {  	s9 =	sadd.s32 $0xFFFFFEF7, lr;
	s5 =	simm.s32 $0xFFFFFFFF;
	p2 =	slt.u32 s8, $0xFFFFF086  }
0x1c: {  	p1 =	slt.u32 s9, $0xF7A;
	s5 =	simm.s32 @!p2 $0x0  }
0x1d: {  	s5 =	simm.s32 @p1 $0x1;
	p0 =	seq.s32 s7, s2  }
0x1e: {  	s7 =	smul.u32 @!p0 $0xF7A, s2;
	p2 =	seq.s32 @!p0 s5, $0x0  }
0x1f: {  	s9 =	smul.u32 $0xF7A, s1;
	s8 =	simm.s32 @!p0 $0x1BF5;
	p2 =	por !p2, p0  }
0x20: {  	[sflag:s8] =	ssyncset.s32 @!p0 $0xFFFFF086;
	s6 =	sadd.s32 @!p0 s3, s7;
	s7 =	simm.s32 @!p0 $0x108  }
0x21: {  	s3 =	sadd.s32 s3, s9;
	s6 =	sadd.s32 @!p0 $0x88, s6;
	s7 =	simm.s32 @p2 $0x1082  }
0x22: {  	[simem:s7], [sflag:s8] =	dma.local @!p0 [hbm:s6], $0xF7A  }
0x23: {  	s9 =	sor.u32 $0xD0000000, s2;
	s6 =	simm.s32 $0x108;
	_ =	swait.ge @!p0 [sflag:s8], $0x0  }
0x24: {  	s3 =	sadd.s32 $0x88, s3;
	s6 =	simm.s32 @!p1 $0x1082;
	[sflag:s4] =	ssyncset.s32 $0xFFFFF086  }
0x25: {  	[simem:s6], [sflag:s4] =	dma.local [hbm:s3], $0xF7A  }
0x26: {  	[smem:$0x3F9D] =	sst s1;
	(tag) =	ssettag s2;
	_ =	strace s9  }
0x27: {  	s1 =	sld [smem:$0x3FAD]  }
0x28: {  	s2 =	sld [smem:$0x3FAE]  }
0x29: {  	s4 =	sld [smem:$0x3FB0]  }
0x2a: {  	p0 =	seq.s32 s5, $0x0;
	s5 =	sld [smem:$0x3FB1]  }
0x2b: {  	s6 =	sld [smem:$0x3FB2]  }
0x2c: {  	s7 =	sld [smem:$0x3FB3]  }
0x2d: {  	s3 =	simm.s32 $0x108;
	s8 =	sld [smem:$0x3FB4]  }
0x2e: {  	s3 =	simm.s32 @!p0 $0x1082;
	s9 =	sld [smem:$0x3FB5]  }
0x2f: {  	lr =	sadd.s32 s0, s3;
	s0 =	sld [smem:$0x3FAC]  }
0x30: {  	s3 =	sld [smem:$0x3FAF]  }
0x31: {  	[smem:$0x3FB8] =	sst s10  }
0x32: {  	s10 =	sld [smem:$0x3FB6];
	_ =	sdelay $0x3  }
0x33: {  	p0 =	seq.s32 s10, $0x1;
	s10 =	sld [smem:$0x3FB8];
	_ =	sdelay $0x3  }
0x34: {  	[smem:$0x3FB8] =	sst s10  }
0x35: {  	s10 =	sld [smem:$0x3FB7];
	_ =	sdelay $0x3  }
0x36: {  	p1 =	seq.s32 s10, $0x1;
	s10 =	sld [smem:$0x3FB8];
	_ =	sdelay $0x3  }
0x37: {  	[smem:$0x3FB8] =	sst s10  }
0x38: {  	s10 =	sld [smem:$0x3FB9]  }
0x39: {  	_ = 	snop;
	(pc) =	sbr.ind lr, $3  }
0x3a: {  	_ = 	snop  }
0x3b: {  	_ = 	snop  }
0x3c: {  	p2 =	seq.s32 s10, $0x1;
	s10 =	sld [smem:$0x3FB8]  }
0x3d: {  	_ =	shalt  }
0x3e: {  	_ =	shalt  }
0x3f: {  	_ =	shalt  }
0x40: {  	_ =	shalt  }
0x41: {  	_ =	shalt  }
0x42: {  	_ =	shalt  }
0x43: {  	_ =	shalt  }
0x44: {  	_ =	shalt  }
0x45: {  	_ =	shalt  }
0x46: {  	_ =	shalt  }
0x47: {  	_ =	shalt  }
0x48: {  	_ =	shalt  }
0x49: {  	_ =	shalt  }
0x4a: {  	_ =	shalt  }
0x4b: {  	_ =	shalt  }
0x4c: {  	_ =	shalt  }
0x4d: {  	_ =	shalt  }
0x4e: {  	_ =	shalt  }
0x4f: {  	_ =	shalt  }
0x50: {  	_ =	shalt  }
0x51: {  	_ =	shalt  }
0x52: {  	_ =	shalt  }
0x53: {  	_ =	shalt  }
0x54: {  	_ =	shalt  }
0x55: {  	_ =	shalt  }
0x56: {  	_ =	shalt  }
0x57: {  	_ =	shalt  }
0x58: {  	_ =	shalt  }
0x59: {  	_ =	shalt  }
0x5a: {  	_ =	shalt  }
0x5b: {  	_ =	shalt  }
0x5c: {  	_ =	shalt  }
0x5d: {  	_ =	shalt  }
0x5e: {  	_ =	shalt  }
0x5f: {  	_ =	shalt  }
0x60: {  	_ =	shalt  }
0x61: {  	_ =	shalt  }
0x62: {  	_ =	shalt  }
0x63: {  	_ =	shalt  }
0x64: {  	_ =	shalt  }
0x65: {  	_ =	shalt  }
0x66: {  	_ =	shalt  }
0x67: {  	_ =	shalt  }
0x68: {  	_ =	shalt  }
0x69: {  	_ =	shalt  }
0x6a: {  	_ =	shalt  }
0x6b: {  	_ =	shalt  }
0x6c: {  	_ =	shalt  }
0x6d: {  	_ =	shalt  }
0x6e: {  	_ =	shalt  }
0x6f: {  	_ =	shalt  }
0x70: {  	_ =	shalt  }
0x71: {  	_ =	shalt  }
0x72: {  	_ =	shalt  }
0x73: {  	_ =	shalt  }
0x74: {  	_ =	shalt  }
0x75: {  	_ =	shalt  }
0x76: {  	_ =	shalt  }
0x77: {  	_ =	shalt  }
0x78: {  	_ =	shalt  }
0x79: {  	_ =	shalt  }
0x7a: {  	_ =	shalt  }
0x7b: {  	_ =	shalt  }
0x7c: {  	_ =	shalt  }
0x7d: {  	_ =	shalt  }
0x7e: {  	_ =	shalt  }
0x7f: {  	_ =	shalt  }
0x80: {  	_ =	shalt  }
0x81: {  	_ =	shalt  }
0x82: {  	_ =	shalt  }
0x83: {  	_ =	shalt  }
0x84: {  	_ =	shalt  }
0x85: {  	_ =	shalt  }
0x86: {  	_ =	shalt  }
0x87: {  	_ =	shalt  }
.Lfunc_end0:
.L_simem_size_0:
called_computation_lowered:
.L_overlay_start_0:
0x88: {  	s2 =	sld [smem:$0x3FD9]  }
0x89: {  	s3 =	sld [smem:$0x3FFE];
	_ =	sdelay $0x1  }
0x8a: {  	s1 =	srdreg.scid  }
0x8b: {  	s0 =	sand.u32 $0x1, s1  }
0x8c: {  	s16 =	sshll.u32 s0, $0xA;
	s2 =	sadd.s32 s3, s2  }
0x8d: {  	s2 =	sadd.s32 s2, s16  }
0x8e: {  	[smem:$0x3FC4] =	sst s2  }
0x8f: {  	_ = 	snop  }
0x90: {  	(tm) =	ssettm $0x1  }
0x91: {  	s17 =	sld [smem:$0x3FFB];
	_ =	sdelay $0x3  }
0x92: {  	_ =	strace s17  }
0x93: {  	s2 =	sld [smem:$0x3FFC];
	_ =	sdelay $0x3  }
0x94: {  	_ =	strace s2  }
0x95: {  	s2 =	sld [smem:$0x3FFD];
	_ =	sdelay $0x3  }
0x96: {  	_ =	strace s2  }
0x97: {  	_ =	strace $0x8FFFFFFF  }
0x98: {  	s18 =	sld [smem:$0x3FDB];
	_ =	sdelay $0x1  }
0x99: {  	s19 =	simm.s32 $_scs_section_size  }
0x9a: {  	s4 =	simm.s32 $_size__tile_overlayer_lowered;
	s5 =	simm.s32 $_tile_overlayer_lowered  }
0x9b: {  	s22 =	simm.s32 $0x1BFF;
	s21 =	sshll.u32 s5, $0x1;
	s2 =	sadd.s32 s19, s18  }
0x9c: {  	s6 =	simm.s32 $0x0;
	s20 =	sshll.u32 s4, $0x1;
	s4 =	sadd.s32 s21, s2  }
0x9d: {  	[timem:s6], [sflag:s22] =	dma.local [hbm:s4], s20  }
0x9e: {  	_ =	swait.ge [sflag:s22], s20  }
0x9f: {  	s3 =	ssub.s32 $0x0, s20;
	[sflag:s22] =	ssyncset.done $0x0  }
0xa0: {  	[sflag:s22] =	ssyncadd.s32 s3;
	_ =	sdelay $0x1  }
0xa1: {  	s23 =	simm.s32 $0x1B8B  }
0xa2: {  	_ =	swait.ge [sflag:s23], $0x1  }
0xa3: {  	[sflag:s23] =	ssyncset.done $0x0  }
0xa4: {  	s25 =	simm.s32 $0x1B8E;
	s24 =	sld [smem:$0x3FFE];
	[sflag:s23] =	ssyncadd.s32 $0xFFFFFFFF  }
0xa5: {  	s26 =	simm.s32 $execute0_lowered;
	[smem:$0x3FD2] =	sst s25  }
0xa6: {  	s4 =	sshll.u32 s26, $0x1;
	_ =	strace $0x80000046;
	[dreg:$0x1] =	wrdreg $0xFFFFFFFF  }
0xa7: {  	s28 =	simm.s32 $_size_execute0_lowered;
	s2 =	sadd.s32 s2, s4;
	[dreg:$0x0] =	wrdreg $0x0  }
0xa8: {  	s4 =	sshll.u32 s28, $0x1;
	[dreg:$0x2] =	wrdreg s2  }
0xa9: {  	[dreg:$0x3] =	wrdreg s4  }
0xaa: {  	[dreg:$0x4] =	wrdreg $0xC0  }
0xab: {  	_ =	task [dreg:s6], $0x5FFFF  }
0xac: {  	[dreg:$0x1] =	wrdreg $0xFFFFFFFF  }
0xad: {  	[dreg:$0x0] =	wrdreg $0x60  }
0xae: {  	[dreg:$0x2] =	wrdreg s24  }
0xaf: {  	[dreg:$0x3] =	wrdreg $0x9  }
0xb0: {  	_ =	task.clear_ibuf [dreg:s6], $0x4FFFF;
	_ =	strace $0x90000046  }
0xb1: {  	s29 =	simm.s32 $0x9;
	_ =	strace $0x80000048  }
0xb2: {  	_ =	swait.ge [sflag:s29], $0x1  }
0xb3: {  	[sflag:s29] =	ssyncadd.s32 $0xFFFFFFFF  }
0xb4: {  	_ =	strace $0x90000048  }
0xb5: {  	_ =	sfence  }
0xb6: {  	s30 =	sld [smem:$0x0];
	_ =	sdelay $0x2  }
0xb7: {  	s31 =	sshll.u32 s1, $0xD;
	s1 =	sshrl.u32 s1, $0x2  }
0xb8: {  	s3 =	sand.u32 $0x4000, s31;
	s1 =	sadd.s32 s1, s30  }
0xb9: {  	s0 =	sor.u32 s3, s0;
	s1 =	sshll.u32 s1, $0x11  }
0xba: {  	s0 =	sor.u32 s1, s0  }
0xbb: {  	s0 =	sadd.s32 $0x8F2B, s0  }
0xbc: {  	[sflag:s0] =	ssyncadd.remote.s32 $0x1  }
0xbd: {  	_ =	sfence.sel $0xFFFF  }
0xbe: {  	[dreg:$0x0] =	wrdreg $0xFFFFFFFF;
	(pc) =	sbr.abs _section_cstart, $3  }
0xbf: {  	[dreg:$0x1] =	wrdreg $0xFFFFFFFF  }
0xc0: {  	_ =	task.clear_ibuf [dreg:s6], $0x2FFFF;
	_ =	strace $0x9FFFFFFF  }
0xc1: {  	(tm) =	ssettm $0x7FFFFFFF  }
tec
execute0_lowered:
.L_overlay_start_1:
0x0: {  	(tag) =	ssettag $0x1  }
0x1: {  	s0 =	rddreg [dreg:$0x0];
	s1 =	srdreg.scid  }
0x2: {  	s3 =	stileid.u32;
	s2 =	simm.s32 $0x0;
	s12 =	simm.s32 $0x64  }
0x3: {  	s29 =	simm.s32 $0x340;
	s30 =	simm.s32 $0x4;
	s13 =	simm.s32 $0x410  }
0x4: {  	s14 =	simm.s32 $0x10080;
	s15 =	simm.s32 $0x478;
	s16 =	simm.s32 $0x11980  }
0x5: {  	s17 =	simm.s32 $0x4E0;
	s18 =	simm.s32 $0x13280;
	s19 =	simm.s32 $0x548  }
0x6: {  	s20 =	simm.s32 $0x14B80;
	s21 =	simm.s32 $0x5B0;
	s22 =	simm.s32 $0x16480  }
0x7: {  	s23 =	simm.s32 $0x618;
	s24 =	simm.s32 $0x17D80;
	s25 =	simm.s32 $0x1  }
0x8: {  	s28 =	simm.s32 $0x5;
	s1 =	sand.u32 $0x1, s1;
	s3 =	sshll.u32 s3, $0x1  }
0x9: {  	[smem:$0x7FF] =	sst s2;
	s4 =	sadd.s32 $0xF42A00, s0;
	s5 =	sor.u32 s1, s3  }
0xa: {  	_ =	strace $0x80000047;
	s3 =	sadd.s32 $0x600, s0;
	s1 =	ssub.s32 $0x2, s1  }
0xb: {  	s6 =	smul.u32 $0x3400, s5;
	s7 =	sshll.u32 s5, $0xC;
	s26 =	sshrl.u32 s1, $0x1  }
0xc: {  	s5 =	sshll.u32 s5, $0xA;
	s0 =	sadd.s32 s7, s0;
	s1 =	ssub.s32 s1, s26  }
0xd: {  	s7 =	sor.u32 $0x10, s5;
	s8 =	sor.u32 $0x18, s5;
	s6 =	sadd.s32 s3, s6  }
0xe: {  	s26 =	simm.s32 $0x19680;
	s31 =	smax.u32 s1, $0x1;
	[dreg:$0x2] =	wrdreg s6  }
0xf: {  	s5 =	simm.s32 $0x0;
	s6 =	sadd.s32 $0x68, s6;
	[dreg:$0x4] =	wrdreg s31  }
0x10: {  	s9 =	sadd.s32 $0x68600, s0;
	s1 =	simm.s32 $0xE780;
	[dreg:$0x3] =	wrdreg s6  }
.LBB2_1:
0x11: {  	[dreg:$0x5] =	wrdreg s5  }
0x12: {  	s0 =	rddreg [dreg:$0x2];
	s6 =	simm.s32 $0x6  }
0x13: {  	[tilespmem:s2], [sflag:$0x6] =	stream.linear.gather [hbm4b:s0+s2], $0x340, $0x38;
	[tilespmem:$0x19880] =	vst v63  }
0x14: {  	_ =	swait.ge [sflag:s6], $0x340  }
0x15: {  	[sflag:s6] =	ssyncset.done $0x0  }
0x16: {  	s10 =	simm.s32 $0x680;
	[sflag:s6] =	ssyncadd.s32 $0xFFFFFCC0  }
0x17: {  	[tilespmem:s10], [sflag:$0x1] =	stream.indirect.gather [hbm4b:s4+s12], $0x40, s2, s12, $0xb8;
	[tilespmem:$0x19880] =	vst v63  }
0x18: {  	s11 =	simm.s32 $0x68;
	s31 =	simm.s32 $0x1F80  }
0x19: {  	[tilespmem:s31], [sflag:$0x1] =	stream.indirect.gather [hbm4b:s4+s12], $0x40, s11, s12, $0xb8;
	[tilespmem:$0x19880] =	vst v63  }
0x1a: {  	s6 =	simm.s32 $0xD0;
	s10 =	simm.s32 $0x3880  }
0x1b: {  	[tilespmem:s10], [sflag:$0x1] =	stream.indirect.gather [hbm4b:s4+s12], $0x40, s6, s12, $0xb8;
	[tilespmem:$0x19880] =	vst v63  }
0x1c: {  	s11 =	simm.s32 $0x138;
	s31 =	simm.s32 $0x5180  }
0x1d: {  	[tilespmem:s31], [sflag:$0x1] =	stream.indirect.gather [hbm4b:s4+s12], $0x40, s11, s12, $0xb8;
	[tilespmem:$0x19880] =	vst v63  }
0x1e: {  	s6 =	simm.s32 $0x1A0;
	s10 =	simm.s32 $0x6A80  }
0x1f: {  	[tilespmem:s10], [sflag:$0x1] =	stream.indirect.gather [hbm4b:s4+s12], $0x40, s6, s12, $0xb8;
	[tilespmem:$0x19880] =	vst v63  }
0x20: {  	s11 =	simm.s32 $0x208;
	s31 =	simm.s32 $0x8380  }
0x21: {  	[tilespmem:s31], [sflag:$0x1] =	stream.indirect.gather [hbm4b:s4+s12], $0x40, s11, s12, $0xb8;
	[tilespmem:$0x19880] =	vst v63  }
0x22: {  	s5 =	simm.s32 $0x270;
	s6 =	simm.s32 $0x9C80  }
0x23: {  	[tilespmem:s6], [sflag:$0x1] =	stream.indirect.gather [hbm4b:s4+s12], $0x40, s5, s12, $0xb8;
	[tilespmem:$0x19880] =	vst v63  }
0x24: {  	s10 =	simm.s32 $0x2D8;
	s11 =	simm.s32 $0xB580  }
0x25: {  	[tilespmem:s11], [sflag:$0x1] =	stream.indirect.gather [hbm4b:s4+s12], $0x40, s10, s12, $0xb8;
	[tilespmem:$0x19880] =	vst v63  }
0x26: {  	s31 =	rddreg [dreg:$0x3];
	s10 =	simm.s32 $0x0  }
0x27: {  	[tilespmem:s29], [sflag:$0x4] =	stream.linear.gather [hbm4b:s31+s2], $0x340, $0x38;
	[tilespmem:$0x19880] =	vst v63  }
.LBB2_2:
0x28: {  	_ =	swait.ge [sflag:s30], $0x340  }
0x29: {  	[sflag:s30] =	ssyncset.done $0x0  }
0x2a: {  	s0 =	simm.s32 $0xCE80;
	[sflag:s30] =	ssyncadd.s32 $0xFFFFFCC0  }
0x2b: {  	[tilespmem:s0], [sflag:$0x2] =	stream.indirect.gather [hbm4b:s4+s12], $0x40, s29, s12, $0xb8;
	[tilespmem:$0x19880] =	vst v63  }
0x2c: {  	s11 =	simm.s32 $0x3A8  }
0x2d: {  	[tilespmem:s1], [sflag:$0x2] =	stream.indirect.gather [hbm4b:s4+s12], $0x40, s11, s12, $0xb8;
	[tilespmem:$0x19880] =	vst v63  }
0x2e: {  	_ = 	snop  }
0x2f: {  	[tilespmem:s14], [sflag:$0x2] =	stream.indirect.gather [hbm4b:s4+s12], $0x40, s13, s12, $0xb8;
	[tilespmem:$0x19880] =	vst v63  }
0x30: {  	_ = 	snop  }
0x31: {  	[tilespmem:s16], [sflag:$0x2] =	stream.indirect.gather [hbm4b:s4+s12], $0x40, s15, s12, $0xb8;
	[tilespmem:$0x19880] =	vst v63  }
0x32: {  	_ = 	snop  }
0x33: {  	[tilespmem:s18], [sflag:$0x2] =	stream.indirect.gather [hbm4b:s4+s12], $0x40, s17, s12, $0xb8;
	[tilespmem:$0x19880] =	vst v63  }
0x34: {  	p0 =	seq.s32 s10, $0x3F  }
0x35: {  	[tilespmem:s20], [sflag:$0x2] =	stream.indirect.gather [hbm4b:s4+s12], $0x40, s19, s12, $0xb8;
	[tilespmem:$0x19880] =	vst v63  }
0x36: {  	s5 =	sshll.u32 @!p0 s10, $0x4  }
0x37: {  	[tilespmem:s22], [sflag:$0x2] =	stream.indirect.gather [hbm4b:s4+s12], $0x40, s21, s12, $0xb8;
	[tilespmem:$0x19880] =	vst v63  }
0x38: {  	s6 =	sadd.s32 @!p0 s5, s7  }
0x39: {  	[tilespmem:s24], [sflag:$0x2] =	stream.indirect.gather [hbm4b:s4+s12], $0x40, s23, s12, $0xb8;
	[tilespmem:$0x19880] =	vst v63  }
0x3a: {  	p1 =	seq.s32 @!p0 s10, $0x0;
	s6 =	smul.u32 @!p0 $0xD, s6;
	_ =	swait.ge [sflag:s25], $0xC800  }
0x3b: {  	p1 =	por p0, !p1;
	[sflag:s25] =	ssyncset.done $0x0  }
0x3c: {  	s6 =	sadd.s32 @!p0 s3, s6;
	s11 =	simm.s32 @!p0 $0x0;
	[sflag:s25] =	ssyncadd.s32 $0xFFFF3800  }
0x3d: {  	[tilespmem:s11], [sflag:$0x3] =	stream.linear.gather @!p0 [hbm4b:s6+s11], $0x340, $0x38;
	[tilespmem:$0x19880] =	vst v63  }
0x3e: {  	_ =	swait.ge @p1 [sflag:s28], $0x200  }
0x3f: {  	[sflag:s28] =	ssyncset.done @p1 $0x0  }
0x40: {  	s31 =	simm.s32 $0x780;
	[sflag:s28] =	ssyncadd.s32 @p1 $0xFFFFFE00  }
0x41: {  	v0 =	vld [tilespmem:s31+$0xC0]  }
0x42: {  	v1 =	vld [tilespmem:s31+$0xD0]  }
0x43: {  	v2 =	vld [tilespmem:s31+$0x80]  }
0x44: {  	v3 =	vld [tilespmem:s31+$0x90]  }
0x45: {  	v9 =	vld [tilespmem:s31+$0x40]  }
0x46: {  	v12 =	vld [tilespmem:s31+$0x50]  }
0x47: {  	v7 =	vld [tilespmem:s31+$0x0]  }
0x48: {  	v8 =	vld [tilespmem:s31+$0x10]  }
0x49: {  	v5 =	vld [tilespmem:s31+$0xFFFFFFC0]  }
0x4a: {  	v6 =	vld [tilespmem:s31+$0xFFFFFFD0]  }
0x4b: {  	v4 =	vld [tilespmem:s31+$0xFFFFFF80]  }
0x4c: {  	v10 =	vld [tilespmem:s31+$0xFFFFFF90]  }
0x4d: {  	v11 =	vld [tilespmem:s31+$0xFFFFFF40]  }
0x4e: {  	v13 =	vld [tilespmem:s31+$0xFFFFFF50]  }
0x4f: {  	v14 =	vld [tilespmem:s31+$0xFFFFFF00]  }
0x50: {  	v15 =	vld [tilespmem:s31+$0xFFFFFF10]  }
0x51: {  	v16 =	vld [tilespmem:s31+$0xFFFFFF20]  }
0x52: {  	v17 =	vld [tilespmem:s31+$0xFFFFFF30]  }
0x53: {  	v18 =	vld [tilespmem:s31+$0xFFFFFF60]  }
0x54: {  	v19 =	vld [tilespmem:s31+$0xFFFFFF70]  }
0x55: {  	v20 =	vimm.f32 $0.0e+00;
	v21 =	vld [tilespmem:s31+$0xFFFFFFA0]  }
0x56: {  	v22 =	vld [tilespmem:s31+$0xFFFFFFB0];
	v14 =	vadd.f32 v14, v20;
	v15 =	vadd.f32 v15, v20  }
0x57: {  	v59 =	vld [tilespmem:s31+$0xFFFFFFE0];
	v16 =	vadd.f32 v16, v20;
	v17 =	vadd.f32 v17, v20  }
0x58: {  	v11 =	vadd.f32 v11, v14;
	v13 =	vadd.f32 v13, v15;
	v14 =	vld [tilespmem:s31+$0xFFFFFFF0]  }
0x59: {  	v61 =	vld [tilespmem:s31+$0x20];
	v15 =	vadd.f32 v18, v16;
	v60 =	vadd.f32 v19, v17  }
0x5a: {  	v11 =	vadd.f32 v4, v11;
	v10 =	vadd.f32 v10, v13;
	v13 =	vld [tilespmem:s31+$0x30]  }
0x5b: {  	v15 =	vadd.f32 v21, v15;
	v16 =	vadd.f32 v22, v60;
	v4 =	vld [tilespmem:s31+$0x60]  }
0x5c: {  	v11 =	vadd.f32 v5, v11;
	v10 =	vadd.f32 v6, v10;
	v6 =	vld [tilespmem:s31+$0x70]  }
0x5d: {  	v15 =	vadd.f32 v59, v15;
	v5 =	vld [tilespmem:s31+$0xA0];
	v14 =	vadd.f32 v14, v16  }
0x5e: {  	v62 =	vadd.f32 v7, v11;
	v63 =	vadd.f32 v8, v10;
	v8 =	vld [tilespmem:s31+$0xB0]  }
0x5f: {  	v11 =	vadd.f32 v61, v15;
	v7 =	vld [tilespmem:s31+$0xE0];
	v10 =	vadd.f32 v13, v14  }
0x60: {  	s11 =	simm.s32 $0x0;
	s6 =	simm.s32 $0x980;
	v13 =	vadd.f32 v9, v62;
	v12 =	vadd.f32 v12, v63;
	v9 =	vld [tilespmem:s31+$0xF0]  }
.LBB2_3:
0x61: {  	v14 =	vld [tilespmem:s6+$0xC0];
	v4 =	vadd.f32 v4, v11;
	v6 =	vadd.f32 v6, v10  }
0x62: {  	v10 =	vld [tilespmem:s6+$0xD0];
	v11 =	vadd.f32 v2, v13;
	v12 =	vadd.f32 v3, v12  }
0x63: {  	v2 =	vld [tilespmem:s6+$0x80];
	v4 =	vadd.f32 v5, v4;
	v5 =	vadd.f32 v8, v6  }
0x64: {  	v3 =	vld [tilespmem:s6+$0x90];
	v6 =	vadd.f32 v0, v11;
	v8 =	vadd.f32 v1, v12  }
0x65: {  	v12 =	vld [tilespmem:s6+$0x40];
	v4 =	vadd.f32 v7, v4;
	v5 =	vadd.f32 v9, v5  }
0x66: {  	v9 =	vld [tilespmem:s6+$0x50];
	v0 =	vmov v14  }
0x67: {  	v7 =	vld [tilespmem:s6+$0x0];
	v1 =	vmov v10  }
0x68: {  	v10 =	vld [tilespmem:s6+$0x10]  }
0x69: {  	v11 =	vld [tilespmem:s6+$0xFFFFFFC0]  }
0x6a: {  	v13 =	vld [tilespmem:s6+$0xFFFFFFD0]  }
0x6b: {  	v14 =	vld [tilespmem:s6+$0xFFFFFF80]  }
0x6c: {  	v15 =	vld [tilespmem:s6+$0xFFFFFF90]  }
0x6d: {  	v16 =	vld [tilespmem:s6+$0xFFFFFF40]  }
0x6e: {  	v17 =	vld [tilespmem:s6+$0xFFFFFF50]  }
0x6f: {  	v18 =	vld [tilespmem:s6+$0xFFFFFF00]  }
0x70: {  	v19 =	vld [tilespmem:s6+$0xFFFFFF10]  }
0x71: {  	v20 =	vld [tilespmem:s6+$0xFFFFFF20]  }
0x72: {  	s11 =	sadd.s32 $0x2, s11;
	v21 =	vld [tilespmem:s6+$0xFFFFFF30]  }
0x73: {  	p1 =	slt.u32 s11, $0x30;
	v22 =	vld [tilespmem:s6+$0xFFFFFF60]  }
0x74: {  	v23 =	vld [tilespmem:s6+$0xFFFFFF70]  }
0x75: {  	v24 =	vld [tilespmem:s6+$0xFFFFFFA0]  }
0x76: {  	v6 =	vadd.f32 v18, v6;
	v8 =	vadd.f32 v19, v8;
	v18 =	vld [tilespmem:s6+$0xFFFFFFB0]  }
0x77: {  	v4 =	vadd.f32 v20, v4;
	v5 =	vadd.f32 v21, v5;
	v19 =	vld [tilespmem:s6+$0xFFFFFFE0]  }
0x78: {  	v6 =	vadd.f32 v16, v6;
	v8 =	vadd.f32 v17, v8;
	v16 =	vld [tilespmem:s6+$0xFFFFFFF0]  }
0x79: {  	v4 =	vadd.f32 v22, v4;
	v5 =	vadd.f32 v23, v5;
	v17 =	vld [tilespmem:s6+$0x20]  }
0x7a: {  	v6 =	vadd.f32 v14, v6;
	v8 =	vadd.f32 v15, v8;
	v14 =	vld [tilespmem:s6+$0x30]  }
0x7b: {  	v15 =	vadd.f32 v24, v4;
	v5 =	vadd.f32 v18, v5;
	v4 =	vld [tilespmem:s6+$0x60]  }
.Ltmp0:
0x7c: {  	v11 =	vadd.f32 v11, v6;
	v8 =	vadd.f32 v13, v8;
	v6 =	vld [tilespmem:s6+$0x70];
	(pc) =	sbr.rel @p1 .LBB2_3-.Ltmp0, $4  }
0x7d: {  	v13 =	vadd.f32 v19, v15;
	v15 =	vadd.f32 v16, v5;
	v5 =	vld [tilespmem:s6+$0xA0]  }
0x7e: {  	v16 =	vadd.f32 v7, v11;
	v18 =	vadd.f32 v10, v8;
	v8 =	vld [tilespmem:s6+$0xB0]  }
0x7f: {  	v11 =	vadd.f32 v17, v13;
	v10 =	vadd.f32 v14, v15;
	v7 =	vld [tilespmem:s6+$0xE0]  }
0x80: {  	v13 =	vadd.f32 v12, v16;
	v12 =	vadd.f32 v9, v18;
	v9 =	vld [tilespmem:s6+$0xF0];
	s6 =	sadd.s32 $0x200, s6  }
0x81: {  	_ = 	snop  }
0x82: {  	v4 =	vadd.f32 v4, v11;
	v2 =	vadd.f32 v2, v13  }
0x83: {  	v6 =	vadd.f32 v6, v10;
	v3 =	vadd.f32 v3, v12  }
0x84: {  	v4 =	vadd.f32 v5, v4;
	v0 =	vadd.f32 v0, v2  }
0x85: {  	v2 =	vadd.f32 v8, v6;
	v1 =	vadd.f32 v1, v3  }
0x86: {  	v3 =	vadd.f32 v7, v4;
	v0 =	vmul.f32 $4.999999890e-03, v0  }
0x87: {  	v2 =	vadd.f32 v9, v2;
	v1 =	vmul.f32 $4.999999890e-03, v1  }
0x88: {  	v3 =	vmul.f32 $4.999999890e-03, v3;
	v0 =	vmax.f32 v0, $0.0e+00  }
0x89: {  	[tilespmem:$0x19680] =	vst v0;
	v0 =	vmax.f32 v1, $0.0e+00;
	v1 =	vmul.f32 $4.999999890e-03, v2  }
0x8a: {  	[tilespmem:$0x19690] =	vst v0;
	v0 =	vmax.f32 v3, $0.0e+00  }
0x8b: {  	[tilespmem:$0x196A0] =	vst v0;
	v0 =	vmax.f32 v1, $0.0e+00  }
0x8c: {  	s6 =	simm.s32 $0x3A70;
	[tilespmem:$0x196B0] =	vst v0  }
0x8d: {  	v0 =	vld [tilespmem:s6+$0xFFFFFFD0]  }
0x8e: {  	v1 =	vld [tilespmem:s6+$0xFFFFFFE0]  }
0x8f: {  	v2 =	vld [tilespmem:s6+$0xFFFFFF90]  }
0x90: {  	v3 =	vld [tilespmem:s6+$0xFFFFFFA0]  }
0x91: {  	v9 =	vld [tilespmem:s6+$0xFFFFFF50]  }
0x92: {  	v12 =	vld [tilespmem:s6+$0xFFFFFF60]  }
0x93: {  	v7 =	vld [tilespmem:s6+$0xFFFFFF10]  }
0x94: {  	v8 =	vld [tilespmem:s6+$0xFFFFFF20]  }
0x95: {  	v5 =	vld [tilespmem:s6+$0xFFFFFED0]  }
0x96: {  	v6 =	vld [tilespmem:s6+$0xFFFFFEE0]  }
0x97: {  	v4 =	vld [tilespmem:s6+$0xFFFFFE90]  }
0x98: {  	v10 =	vld [tilespmem:s6+$0xFFFFFEA0]  }
0x99: {  	v11 =	vld [tilespmem:s6+$0xFFFFFE50]  }
0x9a: {  	v13 =	vld [tilespmem:s6+$0xFFFFFE60]  }
0x9b: {  	v14 =	vld [tilespmem:s6+$0xFFFFFE10]  }
0x9c: {  	v15 =	vld [tilespmem:s6+$0xFFFFFE20]  }
0x9d: {  	v16 =	vld [tilespmem:s6+$0xFFFFFE30]  }
0x9e: {  	v17 =	vld [tilespmem:s6+$0xFFFFFE40]  }
0x9f: {  	v18 =	vld [tilespmem:s6+$0xFFFFFE70]  }
0xa0: {  	v19 =	vld [tilespmem:s6+$0xFFFFFE80]  }
0xa1: {  	v20 =	vimm.f32 $0.0e+00;
	v21 =	vld [tilespmem:s6+$0xFFFFFEB0]  }
0xa2: {  	v22 =	vld [tilespmem:s6+$0xFFFFFEC0];
	v14 =	vadd.f32 v14, v20;
	v15 =	vadd.f32 v15, v20  }
0xa3: {  	v59 =	vld [tilespmem:s6+$0xFFFFFEF0];
	v16 =	vadd.f32 v16, v20;
	v17 =	vadd.f32 v17, v20  }
0xa4: {  	v11 =	vadd.f32 v11, v14;
	v13 =	vadd.f32 v13, v15;
	v14 =	vld [tilespmem:s6+$0xFFFFFF00]  }
0xa5: {  	v61 =	vld [tilespmem:s6+$0xFFFFFF30];
	v15 =	vadd.f32 v18, v16;
	v60 =	vadd.f32 v19, v17  }
0xa6: {  	v11 =	vadd.f32 v4, v11;
	v10 =	vadd.f32 v10, v13;
	v13 =	vld [tilespmem:s6+$0xFFFFFF40]  }
0xa7: {  	v15 =	vadd.f32 v21, v15;
	v16 =	vadd.f32 v22, v60;
	v4 =	vld [tilespmem:s6+$0xFFFFFF70]  }
0xa8: {  	v11 =	vadd.f32 v5, v11;
	v10 =	vadd.f32 v6, v10;
	v6 =	vld [tilespmem:s6+$0xFFFFFF80]  }
0xa9: {  	v15 =	vadd.f32 v59, v15;
	v5 =	vld [tilespmem:s6+$0xFFFFFFB0];
	v14 =	vadd.f32 v14, v16  }
0xaa: {  	v62 =	vadd.f32 v7, v11;
	v63 =	vadd.f32 v8, v10;
	v8 =	vld [tilespmem:s6+$0xFFFFFFC0]  }
0xab: {  	v11 =	vadd.f32 v61, v15;
	v7 =	vld [tilespmem:s6+$0xFFFFFFF0];
	v10 =	vadd.f32 v13, v14  }
0xac: {  	s11 =	simm.s32 $0x0;
	v13 =	vadd.f32 v9, v62;
	v12 =	vadd.f32 v12, v63;
	v9 =	vld [tilespmem:s6+$0x0];
	s6 =	simm.s32 $0x3C70  }
.LBB2_5:
0xad: {  	v14 =	vld [tilespmem:s6+$0xFFFFFFD0];
	v4 =	vadd.f32 v4, v11;
	v6 =	vadd.f32 v6, v10  }
0xae: {  	v10 =	vld [tilespmem:s6+$0xFFFFFFE0];
	v11 =	vadd.f32 v2, v13;
	v12 =	vadd.f32 v3, v12  }
0xaf: {  	v2 =	vld [tilespmem:s6+$0xFFFFFF90];
	v4 =	vadd.f32 v5, v4;
	v5 =	vadd.f32 v8, v6  }
0xb0: {  	v3 =	vld [tilespmem:s6+$0xFFFFFFA0];
	v6 =	vadd.f32 v0, v11;
	v8 =	vadd.f32 v1, v12  }
0xb1: {  	v12 =	vld [tilespmem:s6+$0xFFFFFF50];
	v4 =	vadd.f32 v7, v4;
	v5 =	vadd.f32 v9, v5  }
0xb2: {  	v9 =	vld [tilespmem:s6+$0xFFFFFF60];
	v0 =	vmov v14  }
0xb3: {  	v7 =	vld [tilespmem:s6+$0xFFFFFF10];
	v1 =	vmov v10  }
0xb4: {  	v10 =	vld [tilespmem:s6+$0xFFFFFF20]  }
0xb5: {  	v11 =	vld [tilespmem:s6+$0xFFFFFED0]  }
0xb6: {  	v13 =	vld [tilespmem:s6+$0xFFFFFEE0]  }
0xb7: {  	v14 =	vld [tilespmem:s6+$0xFFFFFE90]  }
0xb8: {  	v15 =	vld [tilespmem:s6+$0xFFFFFEA0]  }
0xb9: {  	v16 =	vld [tilespmem:s6+$0xFFFFFE50]  }
0xba: {  	v17 =	vld [tilespmem:s6+$0xFFFFFE60]  }
0xbb: {  	v18 =	vld [tilespmem:s6+$0xFFFFFE10]  }
0xbc: {  	v19 =	vld [tilespmem:s6+$0xFFFFFE20]  }
0xbd: {  	v20 =	vld [tilespmem:s6+$0xFFFFFE30]  }
0xbe: {  	s11 =	sadd.s32 $0x2, s11;
	v21 =	vld [tilespmem:s6+$0xFFFFFE40]  }
0xbf: {  	p1 =	slt.u32 s11, $0x30;
	v22 =	vld [tilespmem:s6+$0xFFFFFE70]  }
0xc0: {  	v23 =	vld [tilespmem:s6+$0xFFFFFE80]  }
0xc1: {  	v24 =	vld [tilespmem:s6+$0xFFFFFEB0]  }
0xc2: {  	v6 =	vadd.f32 v18, v6;
	v8 =	vadd.f32 v19, v8;
	v18 =	vld [tilespmem:s6+$0xFFFFFEC0]  }
0xc3: {  	v4 =	vadd.f32 v20, v4;
	v5 =	vadd.f32 v21, v5;
	v19 =	vld [tilespmem:s6+$0xFFFFFEF0]  }
0xc4: {  	v6 =	vadd.f32 v16, v6;
	v8 =	vadd.f32 v17, v8;
	v16 =	vld [tilespmem:s6+$0xFFFFFF00]  }
0xc5: {  	v4 =	vadd.f32 v22, v4;
	v5 =	vadd.f32 v23, v5;
	v17 =	vld [tilespmem:s6+$0xFFFFFF30]  }
0xc6: {  	v6 =	vadd.f32 v14, v6;
	v8 =	vadd.f32 v15, v8;
	v14 =	vld [tilespmem:s6+$0xFFFFFF40]  }
0xc7: {  	v15 =	vadd.f32 v24, v4;
	v5 =	vadd.f32 v18, v5;
	v4 =	vld [tilespmem:s6+$0xFFFFFF70]  }
.Ltmp1:
0xc8: {  	v11 =	vadd.f32 v11, v6;
	v8 =	vadd.f32 v13, v8;
	v6 =	vld [tilespmem:s6+$0xFFFFFF80];
	(pc) =	sbr.rel @p1 .LBB2_5-.Ltmp1, $4  }
0xc9: {  	v13 =	vadd.f32 v19, v15;
	v15 =	vadd.f32 v16, v5;
	v5 =	vld [tilespmem:s6+$0xFFFFFFB0]  }
0xca: {  	v16 =	vadd.f32 v7, v11;
	v18 =	vadd.f32 v10, v8;
	v8 =	vld [tilespmem:s6+$0xFFFFFFC0]  }
0xcb: {  	v11 =	vadd.f32 v17, v13;
	v10 =	vadd.f32 v14, v15;
	v7 =	vld [tilespmem:s6+$0xFFFFFFF0]  }
0xcc: {  	v13 =	vadd.f32 v12, v16;
	v12 =	vadd.f32 v9, v18;
	v9 =	vld [tilespmem:s6+$0x0];
	s6 =	sadd.s32 $0x200, s6  }
0xcd: {  	_ = 	snop  }
0xce: {  	v4 =	vadd.f32 v4, v11;
	v2 =	vadd.f32 v2, v13  }
0xcf: {  	v6 =	vadd.f32 v6, v10;
	v3 =	vadd.f32 v3, v12  }
0xd0: {  	v4 =	vadd.f32 v5, v4;
	v0 =	vadd.f32 v0, v2  }
0xd1: {  	v2 =	vadd.f32 v8, v6;
	v1 =	vadd.f32 v1, v3  }
0xd2: {  	v3 =	vadd.f32 v7, v4;
	v0 =	vmul.f32 $4.999999890e-03, v0  }
0xd3: {  	v2 =	vadd.f32 v9, v2;
	v1 =	vmul.f32 $4.999999890e-03, v1  }
0xd4: {  	v3 =	vmul.f32 $4.999999890e-03, v3;
	v0 =	vmax.f32 v0, $0.0e+00  }
0xd5: {  	[tilespmem:$0x196C0] =	vst v0;
	v0 =	vmax.f32 v1, $0.0e+00;
	v1 =	vmul.f32 $4.999999890e-03, v2  }
0xd6: {  	[tilespmem:$0x196D0] =	vst v0;
	v0 =	vmax.f32 v3, $0.0e+00  }
0xd7: {  	[tilespmem:$0x196E0] =	vst v0;
	v0 =	vmax.f32 v1, $0.0e+00  }
0xd8: {  	s6 =	simm.s32 $0x6A80;
	[tilespmem:$0x196F0] =	vst v0  }
0xd9: {  	v0 =	vld [tilespmem:s6+$0x1C0]  }
0xda: {  	v1 =	vld [tilespmem:s6+$0x1D0]  }
0xdb: {  	v2 =	vld [tilespmem:s6+$0x180]  }
0xdc: {  	v3 =	vld [tilespmem:s6+$0x190]  }
0xdd: {  	v9 =	vld [tilespmem:s6+$0x140]  }
0xde: {  	v12 =	vld [tilespmem:s6+$0x150]  }
0xdf: {  	v7 =	vld [tilespmem:s6+$0x100]  }
0xe0: {  	v8 =	vld [tilespmem:s6+$0x110]  }
0xe1: {  	v5 =	vld [tilespmem:s6+$0xC0]  }
0xe2: {  	v6 =	vld [tilespmem:s6+$0xD0]  }
0xe3: {  	v4 =	vld [tilespmem:s6+$0x80]  }
0xe4: {  	v10 =	vld [tilespmem:s6+$0x90]  }
0xe5: {  	v11 =	vld [tilespmem:s6+$0x40]  }
0xe6: {  	v13 =	vld [tilespmem:s6+$0x50]  }
0xe7: {  	v14 =	vld [tilespmem:s6+$0x0]  }
0xe8: {  	v15 =	vld [tilespmem:s6+$0x10]  }
0xe9: {  	v16 =	vld [tilespmem:s6+$0x20]  }
0xea: {  	v17 =	vld [tilespmem:s6+$0x30]  }
0xeb: {  	v18 =	vld [tilespmem:s6+$0x60]  }
0xec: {  	v19 =	vld [tilespmem:s6+$0x70]  }
0xed: {  	v20 =	vimm.f32 $0.0e+00;
	v21 =	vld [tilespmem:s6+$0xA0]  }
0xee: {  	v22 =	vld [tilespmem:s6+$0xB0];
	v14 =	vadd.f32 v14, v20;
	v15 =	vadd.f32 v15, v20  }
0xef: {  	v59 =	vld [tilespmem:s6+$0xE0];
	v16 =	vadd.f32 v16, v20;
	v17 =	vadd.f32 v17, v20  }
0xf0: {  	v11 =	vadd.f32 v11, v14;
	v13 =	vadd.f32 v13, v15;
	v14 =	vld [tilespmem:s6+$0xF0]  }
0xf1: {  	v61 =	vld [tilespmem:s6+$0x120];
	v15 =	vadd.f32 v18, v16;
	v60 =	vadd.f32 v19, v17  }
0xf2: {  	v11 =	vadd.f32 v4, v11;
	v10 =	vadd.f32 v10, v13;
	v13 =	vld [tilespmem:s6+$0x130]  }
0xf3: {  	v15 =	vadd.f32 v21, v15;
	v16 =	vadd.f32 v22, v60;
	v4 =	vld [tilespmem:s6+$0x160]  }
0xf4: {  	v11 =	vadd.f32 v5, v11;
	v10 =	vadd.f32 v6, v10;
	v6 =	vld [tilespmem:s6+$0x170]  }
0xf5: {  	v15 =	vadd.f32 v59, v15;
	v5 =	vld [tilespmem:s6+$0x1A0];
	v14 =	vadd.f32 v14, v16  }
0xf6: {  	v62 =	vadd.f32 v7, v11;
	v63 =	vadd.f32 v8, v10;
	v8 =	vld [tilespmem:s6+$0x1B0]  }
0xf7: {  	v11 =	vadd.f32 v61, v15;
	v7 =	vld [tilespmem:s6+$0x1E0];
	v10 =	vadd.f32 v13, v14  }
0xf8: {  	s11 =	simm.s32 $0x0;
	v13 =	vadd.f32 v9, v62;
	v12 =	vadd.f32 v12, v63;
	v9 =	vld [tilespmem:s6+$0x1F0];
	s6 =	simm.s32 $0x6C80  }
.LBB2_7:
0xf9: {  	v14 =	vld [tilespmem:s6+$0x1C0];
	v4 =	vadd.f32 v4, v11;
	v6 =	vadd.f32 v6, v10  }
0xfa: {  	v10 =	vld [tilespmem:s6+$0x1D0];
	v11 =	vadd.f32 v2, v13;
	v12 =	vadd.f32 v3, v12  }
0xfb: {  	v2 =	vld [tilespmem:s6+$0x180];
	v4 =	vadd.f32 v5, v4;
	v5 =	vadd.f32 v8, v6  }
0xfc: {  	v3 =	vld [tilespmem:s6+$0x190];
	v6 =	vadd.f32 v0, v11;
	v8 =	vadd.f32 v1, v12  }
0xfd: {  	v12 =	vld [tilespmem:s6+$0x140];
	v4 =	vadd.f32 v7, v4;
	v5 =	vadd.f32 v9, v5  }
0xfe: {  	v9 =	vld [tilespmem:s6+$0x150];
	v0 =	vmov v14  }
0xff: {  	v7 =	vld [tilespmem:s6+$0x100];
	v1 =	vmov v10  }
0x100: {  	v10 =	vld [tilespmem:s6+$0x110]  }
0x101: {  	v11 =	vld [tilespmem:s6+$0xC0]  }
0x102: {  	v13 =	vld [tilespmem:s6+$0xD0]  }
0x103: {  	v14 =	vld [tilespmem:s6+$0x80]  }
0x104: {  	v15 =	vld [tilespmem:s6+$0x90]  }
0x105: {  	v16 =	vld [tilespmem:s6+$0x40]  }
0x106: {  	v17 =	vld [tilespmem:s6+$0x50]  }
0x107: {  	v18 =	vld [tilespmem:s6+$0x0]  }
0x108: {  	v19 =	vld [tilespmem:s6+$0x10]  }
0x109: {  	v20 =	vld [tilespmem:s6+$0x20]  }
0x10a: {  	s11 =	sadd.s32 $0x2, s11;
	v21 =	vld [tilespmem:s6+$0x30]  }
0x10b: {  	p1 =	slt.u32 s11, $0x30;
	v22 =	vld [tilespmem:s6+$0x60]  }
0x10c: {  	v23 =	vld [tilespmem:s6+$0x70]  }
0x10d: {  	v24 =	vld [tilespmem:s6+$0xA0]  }
0x10e: {  	v6 =	vadd.f32 v18, v6;
	v8 =	vadd.f32 v19, v8;
	v18 =	vld [tilespmem:s6+$0xB0]  }
0x10f: {  	v4 =	vadd.f32 v20, v4;
	v5 =	vadd.f32 v21, v5;
	v19 =	vld [tilespmem:s6+$0xE0]  }
0x110: {  	v6 =	vadd.f32 v16, v6;
	v8 =	vadd.f32 v17, v8;
	v16 =	vld [tilespmem:s6+$0xF0]  }
0x111: {  	v4 =	vadd.f32 v22, v4;
	v5 =	vadd.f32 v23, v5;
	v17 =	vld [tilespmem:s6+$0x120]  }
0x112: {  	v6 =	vadd.f32 v14, v6;
	v8 =	vadd.f32 v15, v8;
	v14 =	vld [tilespmem:s6+$0x130]  }
0x113: {  	v15 =	vadd.f32 v24, v4;
	v5 =	vadd.f32 v18, v5;
	v4 =	vld [tilespmem:s6+$0x160]  }
.Ltmp2:
0x114: {  	v11 =	vadd.f32 v11, v6;
	v8 =	vadd.f32 v13, v8;
	v6 =	vld [tilespmem:s6+$0x170];
	(pc) =	sbr.rel @p1 .LBB2_7-.Ltmp2, $4  }
0x115: {  	v13 =	vadd.f32 v19, v15;
	v15 =	vadd.f32 v16, v5;
	v5 =	vld [tilespmem:s6+$0x1A0]  }
0x116: {  	v16 =	vadd.f32 v7, v11;
	v18 =	vadd.f32 v10, v8;
	v8 =	vld [tilespmem:s6+$0x1B0]  }
0x117: {  	v11 =	vadd.f32 v17, v13;
	v10 =	vadd.f32 v14, v15;
	v7 =	vld [tilespmem:s6+$0x1E0]  }
0x118: {  	v13 =	vadd.f32 v12, v16;
	v12 =	vadd.f32 v9, v18;
	v9 =	vld [tilespmem:s6+$0x1F0];
	s6 =	sadd.s32 $0x200, s6  }
0x119: {  	_ = 	snop  }
0x11a: {  	v4 =	vadd.f32 v4, v11;
	v2 =	vadd.f32 v2, v13  }
0x11b: {  	v6 =	vadd.f32 v6, v10;
	v3 =	vadd.f32 v3, v12  }
0x11c: {  	v4 =	vadd.f32 v5, v4;
	v0 =	vadd.f32 v0, v2  }
0x11d: {  	v2 =	vadd.f32 v8, v6;
	v1 =	vadd.f32 v1, v3  }
0x11e: {  	v3 =	vadd.f32 v7, v4;
	v0 =	vmul.f32 $4.999999890e-03, v0  }
0x11f: {  	v2 =	vadd.f32 v9, v2;
	v1 =	vmul.f32 $4.999999890e-03, v1  }
0x120: {  	v3 =	vmul.f32 $4.999999890e-03, v3;
	v0 =	vmax.f32 v0, $0.0e+00  }
0x121: {  	[tilespmem:$0x19700] =	vst v0;
	v0 =	vmax.f32 v1, $0.0e+00;
	v1 =	vmul.f32 $4.999999890e-03, v2  }
0x122: {  	[tilespmem:$0x19710] =	vst v0;
	v0 =	vmax.f32 v3, $0.0e+00  }
0x123: {  	[tilespmem:$0x19720] =	vst v0;
	v0 =	vmax.f32 v1, $0.0e+00  }
0x124: {  	s6 =	simm.s32 $0x9C80;
	[tilespmem:$0x19730] =	vst v0  }
0x125: {  	v0 =	vld [tilespmem:s6+$0x1C0]  }
0x126: {  	v1 =	vld [tilespmem:s6+$0x1D0]  }
0x127: {  	v2 =	vld [tilespmem:s6+$0x180]  }
0x128: {  	v3 =	vld [tilespmem:s6+$0x190]  }
0x129: {  	v9 =	vld [tilespmem:s6+$0x140]  }
0x12a: {  	v12 =	vld [tilespmem:s6+$0x150]  }
0x12b: {  	v7 =	vld [tilespmem:s6+$0x100]  }
0x12c: {  	v8 =	vld [tilespmem:s6+$0x110]  }
0x12d: {  	v5 =	vld [tilespmem:s6+$0xC0]  }
0x12e: {  	v6 =	vld [tilespmem:s6+$0xD0]  }
0x12f: {  	v4 =	vld [tilespmem:s6+$0x80]  }
0x130: {  	v10 =	vld [tilespmem:s6+$0x90]  }
0x131: {  	v11 =	vld [tilespmem:s6+$0x40]  }
0x132: {  	v13 =	vld [tilespmem:s6+$0x50]  }
0x133: {  	v14 =	vld [tilespmem:s6+$0x0]  }
0x134: {  	v15 =	vld [tilespmem:s6+$0x10]  }
0x135: {  	v16 =	vld [tilespmem:s6+$0x20]  }
0x136: {  	v17 =	vld [tilespmem:s6+$0x30]  }
0x137: {  	v18 =	vld [tilespmem:s6+$0x60]  }
0x138: {  	v19 =	vld [tilespmem:s6+$0x70]  }
0x139: {  	v20 =	vimm.f32 $0.0e+00;
	v21 =	vld [tilespmem:s6+$0xA0]  }
0x13a: {  	v22 =	vld [tilespmem:s6+$0xB0];
	v14 =	vadd.f32 v14, v20;
	v15 =	vadd.f32 v15, v20  }
0x13b: {  	v59 =	vld [tilespmem:s6+$0xE0];
	v16 =	vadd.f32 v16, v20;
	v17 =	vadd.f32 v17, v20  }
0x13c: {  	v11 =	vadd.f32 v11, v14;
	v13 =	vadd.f32 v13, v15;
	v14 =	vld [tilespmem:s6+$0xF0]  }
0x13d: {  	v61 =	vld [tilespmem:s6+$0x120];
	v15 =	vadd.f32 v18, v16;
	v60 =	vadd.f32 v19, v17  }
0x13e: {  	v11 =	vadd.f32 v4, v11;
	v10 =	vadd.f32 v10, v13;
	v13 =	vld [tilespmem:s6+$0x130]  }
0x13f: {  	v15 =	vadd.f32 v21, v15;
	v16 =	vadd.f32 v22, v60;
	v4 =	vld [tilespmem:s6+$0x160]  }
0x140: {  	v11 =	vadd.f32 v5, v11;
	v10 =	vadd.f32 v6, v10;
	v6 =	vld [tilespmem:s6+$0x170]  }
0x141: {  	v15 =	vadd.f32 v59, v15;
	v5 =	vld [tilespmem:s6+$0x1A0];
	v14 =	vadd.f32 v14, v16  }
0x142: {  	v62 =	vadd.f32 v7, v11;
	v63 =	vadd.f32 v8, v10;
	v8 =	vld [tilespmem:s6+$0x1B0]  }
0x143: {  	v11 =	vadd.f32 v61, v15;
	v7 =	vld [tilespmem:s6+$0x1E0];
	v10 =	vadd.f32 v13, v14  }
0x144: {  	s11 =	simm.s32 $0x0;
	v13 =	vadd.f32 v9, v62;
	v12 =	vadd.f32 v12, v63;
	v9 =	vld [tilespmem:s6+$0x1F0];
	s6 =	simm.s32 $0x9E80  }
.LBB2_9:
0x145: {  	v14 =	vld [tilespmem:s6+$0x1C0];
	v4 =	vadd.f32 v4, v11;
	v6 =	vadd.f32 v6, v10  }
0x146: {  	v10 =	vld [tilespmem:s6+$0x1D0];
	v11 =	vadd.f32 v2, v13;
	v12 =	vadd.f32 v3, v12  }
0x147: {  	v2 =	vld [tilespmem:s6+$0x180];
	v4 =	vadd.f32 v5, v4;
	v5 =	vadd.f32 v8, v6  }
0x148: {  	v3 =	vld [tilespmem:s6+$0x190];
	v6 =	vadd.f32 v0, v11;
	v8 =	vadd.f32 v1, v12  }
0x149: {  	v12 =	vld [tilespmem:s6+$0x140];
	v4 =	vadd.f32 v7, v4;
	v5 =	vadd.f32 v9, v5  }
0x14a: {  	v9 =	vld [tilespmem:s6+$0x150];
	v0 =	vmov v14  }
0x14b: {  	v7 =	vld [tilespmem:s6+$0x100];
	v1 =	vmov v10  }
0x14c: {  	v10 =	vld [tilespmem:s6+$0x110]  }
0x14d: {  	v11 =	vld [tilespmem:s6+$0xC0]  }
0x14e: {  	v13 =	vld [tilespmem:s6+$0xD0]  }
0x14f: {  	v14 =	vld [tilespmem:s6+$0x80]  }
0x150: {  	v15 =	vld [tilespmem:s6+$0x90]  }
0x151: {  	v16 =	vld [tilespmem:s6+$0x40]  }
0x152: {  	v17 =	vld [tilespmem:s6+$0x50]  }
0x153: {  	v18 =	vld [tilespmem:s6+$0x0]  }
0x154: {  	v19 =	vld [tilespmem:s6+$0x10]  }
0x155: {  	v20 =	vld [tilespmem:s6+$0x20]  }
0x156: {  	s11 =	sadd.s32 $0x2, s11;
	v21 =	vld [tilespmem:s6+$0x30]  }
0x157: {  	p1 =	slt.u32 s11, $0x30;
	v22 =	vld [tilespmem:s6+$0x60]  }
0x158: {  	v23 =	vld [tilespmem:s6+$0x70]  }
0x159: {  	v24 =	vld [tilespmem:s6+$0xA0]  }
0x15a: {  	v6 =	vadd.f32 v18, v6;
	v8 =	vadd.f32 v19, v8;
	v18 =	vld [tilespmem:s6+$0xB0]  }
0x15b: {  	v4 =	vadd.f32 v20, v4;
	v5 =	vadd.f32 v21, v5;
	v19 =	vld [tilespmem:s6+$0xE0]  }
0x15c: {  	v6 =	vadd.f32 v16, v6;
	v8 =	vadd.f32 v17, v8;
	v16 =	vld [tilespmem:s6+$0xF0]  }
0x15d: {  	v4 =	vadd.f32 v22, v4;
	v5 =	vadd.f32 v23, v5;
	v17 =	vld [tilespmem:s6+$0x120]  }
0x15e: {  	v6 =	vadd.f32 v14, v6;
	v8 =	vadd.f32 v15, v8;
	v14 =	vld [tilespmem:s6+$0x130]  }
0x15f: {  	v15 =	vadd.f32 v24, v4;
	v5 =	vadd.f32 v18, v5;
	v4 =	vld [tilespmem:s6+$0x160]  }
.Ltmp3:
0x160: {  	v11 =	vadd.f32 v11, v6;
	v8 =	vadd.f32 v13, v8;
	v6 =	vld [tilespmem:s6+$0x170];
	(pc) =	sbr.rel @p1 .LBB2_9-.Ltmp3, $4  }
0x161: {  	v13 =	vadd.f32 v19, v15;
	v15 =	vadd.f32 v16, v5;
	v5 =	vld [tilespmem:s6+$0x1A0]  }
0x162: {  	v16 =	vadd.f32 v7, v11;
	v18 =	vadd.f32 v10, v8;
	v8 =	vld [tilespmem:s6+$0x1B0]  }
0x163: {  	v11 =	vadd.f32 v17, v13;
	v10 =	vadd.f32 v14, v15;
	v7 =	vld [tilespmem:s6+$0x1E0]  }
0x164: {  	v13 =	vadd.f32 v12, v16;
	v12 =	vadd.f32 v9, v18;
	v9 =	vld [tilespmem:s6+$0x1F0];
	s6 =	sadd.s32 $0x200, s6  }
0x165: {  	_ = 	snop  }
0x166: {  	v4 =	vadd.f32 v4, v11;
	v2 =	vadd.f32 v2, v13  }
0x167: {  	v6 =	vadd.f32 v6, v10;
	v3 =	vadd.f32 v3, v12  }
0x168: {  	v4 =	vadd.f32 v5, v4;
	v0 =	vadd.f32 v0, v2  }
0x169: {  	v2 =	vadd.f32 v8, v6;
	v1 =	vadd.f32 v1, v3  }
0x16a: {  	v3 =	vadd.f32 v7, v4;
	v0 =	vmul.f32 $4.999999890e-03, v0  }
0x16b: {  	v2 =	vadd.f32 v9, v2;
	v1 =	vmul.f32 $4.999999890e-03, v1  }
0x16c: {  	v3 =	vmul.f32 $4.999999890e-03, v3;
	v0 =	vmax.f32 v0, $0.0e+00  }
0x16d: {  	[tilespmem:$0x19740] =	vst v0;
	v0 =	vmax.f32 v1, $0.0e+00;
	v1 =	vmul.f32 $4.999999890e-03, v2  }
0x16e: {  	[tilespmem:$0x19750] =	vst v0;
	v0 =	vmax.f32 v3, $0.0e+00  }
0x16f: {  	[tilespmem:$0x19760] =	vst v0;
	v0 =	vmax.f32 v1, $0.0e+00  }
0x170: {  	s6 =	simm.s32 @p0 $0x2;
	[tilespmem:$0x19770] =	vst v0  }
0x171: {  	_ =	swait.ge @p0 [sflag:s6], $0xC800  }
0x172: {  	[sflag:s6] =	ssyncset.done @p0 $0x0  }
0x173: {  	[sflag:s6] =	ssyncadd.s32 @p0 $0xFFFF3800;
	s6 =	simm.s32 @!p0 $0x3  }
0x174: {  	_ =	swait.ge @!p0 [sflag:s6], $0x340  }
0x175: {  	s11 =	simm.s32 @!p0 $0x0;
	[sflag:s6] =	ssyncset.done @!p0 $0x0  }
0x176: {  	s31 =	simm.s32 @!p0 $0x680;
	[sflag:s6] =	ssyncadd.s32 @!p0 $0xFFFFFCC0;
	s6 =	simm.s32 @!p0 $0x64  }
0x177: {  	[tilespmem:s31], [sflag:$0x1] =	stream.indirect.gather @!p0 [hbm4b:s4+s6], $0x40, s11, s6, $0xb8;
	[tilespmem:$0x19880] =	vst v63  }
0x178: {  	s0 =	simm.s32 @!p0 $0x1F80;
	s31 =	simm.s32 @!p0 $0x68  }
0x179: {  	[tilespmem:s0], [sflag:$0x1] =	stream.indirect.gather @!p0 [hbm4b:s4+s6], $0x40, s31, s6, $0xb8;
	[tilespmem:$0x19880] =	vst v63  }
0x17a: {  	s0 =	simm.s32 @!p0 $0xD0;
	s31 =	simm.s32 @!p0 $0x3880  }
0x17b: {  	[tilespmem:s31], [sflag:$0x1] =	stream.indirect.gather @!p0 [hbm4b:s4+s6], $0x40, s0, s6, $0xb8;
	[tilespmem:$0x19880] =	vst v63  }
0x17c: {  	s0 =	simm.s32 @!p0 $0x138;
	s31 =	simm.s32 @!p0 $0x5180  }
0x17d: {  	[tilespmem:s31], [sflag:$0x1] =	stream.indirect.gather @!p0 [hbm4b:s4+s6], $0x40, s0, s6, $0xb8;
	[tilespmem:$0x19880] =	vst v63  }
0x17e: {  	s0 =	simm.s32 @!p0 $0x1A0;
	s31 =	simm.s32 @!p0 $0x6A80  }
0x17f: {  	[tilespmem:s31], [sflag:$0x1] =	stream.indirect.gather @!p0 [hbm4b:s4+s6], $0x40, s0, s6, $0xb8;
	[tilespmem:$0x19880] =	vst v63  }
0x180: {  	s0 =	simm.s32 @!p0 $0x208;
	s31 =	simm.s32 @!p0 $0x8380  }
0x181: {  	[tilespmem:s31], [sflag:$0x1] =	stream.indirect.gather @!p0 [hbm4b:s4+s6], $0x40, s0, s6, $0xb8;
	[tilespmem:$0x19880] =	vst v63  }
0x182: {  	s0 =	simm.s32 @!p0 $0x270;
	s31 =	simm.s32 @!p0 $0x9C80  }
0x183: {  	[tilespmem:s31], [sflag:$0x1] =	stream.indirect.gather @!p0 [hbm4b:s4+s6], $0x40, s0, s6, $0xb8;
	[tilespmem:$0x19880] =	vst v63  }
0x184: {  	s0 =	simm.s32 @!p0 $0x2D8;
	s31 =	simm.s32 @!p0 $0xB580  }
0x185: {  	[tilespmem:s31], [sflag:$0x1] =	stream.indirect.gather @!p0 [hbm4b:s4+s6], $0x40, s0, s6, $0xb8;
	[tilespmem:$0x19880] =	vst v63  }
0x186: {  	s5 =	sadd.s32 @!p0 s5, s8;
	s0 =	simm.s32 @!p0 $0x2  }
0x187: {  	s5 =	smul.u32 @!p0 $0xD, s5;
	_ =	swait.ge @!p0 [sflag:s0], $0xC800  }
0x188: {  	s31 =	simm.s32 $0xCF80;
	[sflag:s0] =	ssyncset.done @!p0 $0x0  }
0x189: {  	[sflag:s0] =	ssyncadd.s32 @!p0 $0xFFFF3800;
	s0 =	sadd.s32 @!p0 s3, s5;
	s5 =	simm.s32 @!p0 $0x340  }
0x18a: {  	[tilespmem:s5], [sflag:$0x4] =	stream.linear.gather @!p0 [hbm4b:s0+s11], $0x340, $0x38;
	[tilespmem:$0x19880] =	vst v63  }
0x18b: {  	v0 =	vld [tilespmem:s31+$0xC0]  }
0x18c: {  	v1 =	vld [tilespmem:s31+$0xD0]  }
0x18d: {  	v2 =	vld [tilespmem:s31+$0x80]  }
0x18e: {  	v3 =	vld [tilespmem:s31+$0x90]  }
0x18f: {  	v9 =	vld [tilespmem:s31+$0x40]  }
0x190: {  	v12 =	vld [tilespmem:s31+$0x50]  }
0x191: {  	v7 =	vld [tilespmem:s31+$0x0]  }
0x192: {  	v8 =	vld [tilespmem:s31+$0x10]  }
0x193: {  	v5 =	vld [tilespmem:s31+$0xFFFFFFC0]  }
0x194: {  	v6 =	vld [tilespmem:s31+$0xFFFFFFD0]  }
0x195: {  	v4 =	vld [tilespmem:s31+$0xFFFFFF80]  }
0x196: {  	v10 =	vld [tilespmem:s31+$0xFFFFFF90]  }
0x197: {  	v11 =	vld [tilespmem:s31+$0xFFFFFF40]  }
0x198: {  	v13 =	vld [tilespmem:s31+$0xFFFFFF50]  }
0x199: {  	v14 =	vld [tilespmem:s31+$0xFFFFFF00]  }
0x19a: {  	v15 =	vld [tilespmem:s31+$0xFFFFFF10]  }
0x19b: {  	v16 =	vld [tilespmem:s31+$0xFFFFFF20]  }
0x19c: {  	v17 =	vld [tilespmem:s31+$0xFFFFFF30]  }
0x19d: {  	v18 =	vld [tilespmem:s31+$0xFFFFFF60]  }
0x19e: {  	v19 =	vld [tilespmem:s31+$0xFFFFFF70]  }
0x19f: {  	v20 =	vimm.f32 $0.0e+00;
	v21 =	vld [tilespmem:s31+$0xFFFFFFA0]  }
0x1a0: {  	v22 =	vld [tilespmem:s31+$0xFFFFFFB0];
	v14 =	vadd.f32 v14, v20;
	v15 =	vadd.f32 v15, v20  }
0x1a1: {  	v59 =	vld [tilespmem:s31+$0xFFFFFFE0];
	v16 =	vadd.f32 v16, v20;
	v17 =	vadd.f32 v17, v20  }
0x1a2: {  	v11 =	vadd.f32 v11, v14;
	v13 =	vadd.f32 v13, v15;
	v14 =	vld [tilespmem:s31+$0xFFFFFFF0]  }
0x1a3: {  	v61 =	vld [tilespmem:s31+$0x20];
	v15 =	vadd.f32 v18, v16;
	v60 =	vadd.f32 v19, v17  }
0x1a4: {  	v11 =	vadd.f32 v4, v11;
	v10 =	vadd.f32 v10, v13;
	v13 =	vld [tilespmem:s31+$0x30]  }
0x1a5: {  	v15 =	vadd.f32 v21, v15;
	v16 =	vadd.f32 v22, v60;
	v4 =	vld [tilespmem:s31+$0x60]  }
0x1a6: {  	v11 =	vadd.f32 v5, v11;
	v10 =	vadd.f32 v6, v10;
	v6 =	vld [tilespmem:s31+$0x70]  }
0x1a7: {  	v15 =	vadd.f32 v59, v15;
	v5 =	vld [tilespmem:s31+$0xA0];
	v14 =	vadd.f32 v14, v16  }
0x1a8: {  	v62 =	vadd.f32 v7, v11;
	v63 =	vadd.f32 v8, v10;
	v8 =	vld [tilespmem:s31+$0xB0]  }
0x1a9: {  	v11 =	vadd.f32 v61, v15;
	v7 =	vld [tilespmem:s31+$0xE0];
	v10 =	vadd.f32 v13, v14  }
0x1aa: {  	s6 =	simm.s32 $0xD180;
	s5 =	simm.s32 $0x0;
	v13 =	vadd.f32 v9, v62;
	v12 =	vadd.f32 v12, v63;
	v9 =	vld [tilespmem:s31+$0xF0]  }
.LBB2_11:
0x1ab: {  	v14 =	vld [tilespmem:s6+$0xC0];
	v4 =	vadd.f32 v4, v11;
	v6 =	vadd.f32 v6, v10  }
0x1ac: {  	v10 =	vld [tilespmem:s6+$0xD0];
	v11 =	vadd.f32 v2, v13;
	v12 =	vadd.f32 v3, v12  }
0x1ad: {  	v2 =	vld [tilespmem:s6+$0x80];
	v4 =	vadd.f32 v5, v4;
	v5 =	vadd.f32 v8, v6  }
0x1ae: {  	v3 =	vld [tilespmem:s6+$0x90];
	v6 =	vadd.f32 v0, v11;
	v8 =	vadd.f32 v1, v12  }
0x1af: {  	v12 =	vld [tilespmem:s6+$0x40];
	v4 =	vadd.f32 v7, v4;
	v5 =	vadd.f32 v9, v5  }
0x1b0: {  	v9 =	vld [tilespmem:s6+$0x50];
	v0 =	vmov v14  }
0x1b1: {  	v7 =	vld [tilespmem:s6+$0x0];
	v1 =	vmov v10  }
0x1b2: {  	v10 =	vld [tilespmem:s6+$0x10]  }
0x1b3: {  	v11 =	vld [tilespmem:s6+$0xFFFFFFC0]  }
0x1b4: {  	v13 =	vld [tilespmem:s6+$0xFFFFFFD0]  }
0x1b5: {  	v14 =	vld [tilespmem:s6+$0xFFFFFF80]  }
0x1b6: {  	v15 =	vld [tilespmem:s6+$0xFFFFFF90]  }
0x1b7: {  	v16 =	vld [tilespmem:s6+$0xFFFFFF40]  }
0x1b8: {  	v17 =	vld [tilespmem:s6+$0xFFFFFF50]  }
0x1b9: {  	v18 =	vld [tilespmem:s6+$0xFFFFFF00]  }
0x1ba: {  	v19 =	vld [tilespmem:s6+$0xFFFFFF10]  }
0x1bb: {  	v20 =	vld [tilespmem:s6+$0xFFFFFF20]  }
0x1bc: {  	s5 =	sadd.s32 $0x2, s5;
	v21 =	vld [tilespmem:s6+$0xFFFFFF30]  }
0x1bd: {  	p0 =	slt.u32 s5, $0x30;
	v22 =	vld [tilespmem:s6+$0xFFFFFF60]  }
0x1be: {  	v23 =	vld [tilespmem:s6+$0xFFFFFF70]  }
0x1bf: {  	v24 =	vld [tilespmem:s6+$0xFFFFFFA0]  }
0x1c0: {  	v6 =	vadd.f32 v18, v6;
	v8 =	vadd.f32 v19, v8;
	v18 =	vld [tilespmem:s6+$0xFFFFFFB0]  }
0x1c1: {  	v4 =	vadd.f32 v20, v4;
	v5 =	vadd.f32 v21, v5;
	v19 =	vld [tilespmem:s6+$0xFFFFFFE0]  }
0x1c2: {  	v6 =	vadd.f32 v16, v6;
	v8 =	vadd.f32 v17, v8;
	v16 =	vld [tilespmem:s6+$0xFFFFFFF0]  }
0x1c3: {  	v4 =	vadd.f32 v22, v4;
	v5 =	vadd.f32 v23, v5;
	v17 =	vld [tilespmem:s6+$0x20]  }
0x1c4: {  	v6 =	vadd.f32 v14, v6;
	v8 =	vadd.f32 v15, v8;
	v14 =	vld [tilespmem:s6+$0x30]  }
0x1c5: {  	v15 =	vadd.f32 v24, v4;
	v5 =	vadd.f32 v18, v5;
	v4 =	vld [tilespmem:s6+$0x60]  }
.Ltmp4:
0x1c6: {  	v11 =	vadd.f32 v11, v6;
	v8 =	vadd.f32 v13, v8;
	v6 =	vld [tilespmem:s6+$0x70];
	(pc) =	sbr.rel @p0 .LBB2_11-.Ltmp4, $4  }
0x1c7: {  	v13 =	vadd.f32 v19, v15;
	v15 =	vadd.f32 v16, v5;
	v5 =	vld [tilespmem:s6+$0xA0]  }
0x1c8: {  	v16 =	vadd.f32 v7, v11;
	v18 =	vadd.f32 v10, v8;
	v8 =	vld [tilespmem:s6+$0xB0]  }
0x1c9: {  	v11 =	vadd.f32 v17, v13;
	v10 =	vadd.f32 v14, v15;
	v7 =	vld [tilespmem:s6+$0xE0]  }
0x1ca: {  	v13 =	vadd.f32 v12, v16;
	v12 =	vadd.f32 v9, v18;
	v9 =	vld [tilespmem:s6+$0xF0];
	s6 =	sadd.s32 $0x200, s6  }
0x1cb: {  	_ = 	snop  }
0x1cc: {  	v4 =	vadd.f32 v4, v11;
	v2 =	vadd.f32 v2, v13  }
0x1cd: {  	v6 =	vadd.f32 v6, v10;
	v3 =	vadd.f32 v3, v12  }
0x1ce: {  	v4 =	vadd.f32 v5, v4;
	v0 =	vadd.f32 v0, v2  }
0x1cf: {  	v2 =	vadd.f32 v8, v6;
	v1 =	vadd.f32 v1, v3  }
0x1d0: {  	v3 =	vadd.f32 v7, v4;
	v0 =	vmul.f32 $4.999999890e-03, v0  }
0x1d1: {  	v2 =	vadd.f32 v9, v2;
	v1 =	vmul.f32 $4.999999890e-03, v1  }
0x1d2: {  	v3 =	vmul.f32 $4.999999890e-03, v3;
	v0 =	vmax.f32 v0, $0.0e+00  }
0x1d3: {  	[tilespmem:$0x19780] =	vst v0;
	v0 =	vmax.f32 v1, $0.0e+00;
	v1 =	vmul.f32 $4.999999890e-03, v2  }
0x1d4: {  	[tilespmem:$0x19790] =	vst v0;
	v0 =	vmax.f32 v3, $0.0e+00  }
0x1d5: {  	[tilespmem:$0x197A0] =	vst v0;
	v0 =	vmax.f32 v1, $0.0e+00  }
0x1d6: {  	s0 =	simm.s32 $0x10270;
	[tilespmem:$0x197B0] =	vst v0  }
0x1d7: {  	v0 =	vld [tilespmem:s0+$0xFFFFFFD0]  }
0x1d8: {  	v1 =	vld [tilespmem:s0+$0xFFFFFFE0]  }
0x1d9: {  	v2 =	vld [tilespmem:s0+$0xFFFFFF90]  }
0x1da: {  	v3 =	vld [tilespmem:s0+$0xFFFFFFA0]  }
0x1db: {  	v9 =	vld [tilespmem:s0+$0xFFFFFF50]  }
0x1dc: {  	v12 =	vld [tilespmem:s0+$0xFFFFFF60]  }
0x1dd: {  	v7 =	vld [tilespmem:s0+$0xFFFFFF10]  }
0x1de: {  	v8 =	vld [tilespmem:s0+$0xFFFFFF20]  }
0x1df: {  	v5 =	vld [tilespmem:s0+$0xFFFFFED0]  }
0x1e0: {  	v6 =	vld [tilespmem:s0+$0xFFFFFEE0]  }
0x1e1: {  	v4 =	vld [tilespmem:s0+$0xFFFFFE90]  }
0x1e2: {  	v10 =	vld [tilespmem:s0+$0xFFFFFEA0]  }
0x1e3: {  	v11 =	vld [tilespmem:s0+$0xFFFFFE50]  }
0x1e4: {  	v13 =	vld [tilespmem:s0+$0xFFFFFE60]  }
0x1e5: {  	v14 =	vld [tilespmem:s0+$0xFFFFFE10]  }
0x1e6: {  	v15 =	vld [tilespmem:s0+$0xFFFFFE20]  }
0x1e7: {  	v16 =	vld [tilespmem:s0+$0xFFFFFE30]  }
0x1e8: {  	v17 =	vld [tilespmem:s0+$0xFFFFFE40]  }
0x1e9: {  	v18 =	vld [tilespmem:s0+$0xFFFFFE70]  }
0x1ea: {  	v19 =	vld [tilespmem:s0+$0xFFFFFE80]  }
0x1eb: {  	v20 =	vimm.f32 $0.0e+00;
	v21 =	vld [tilespmem:s0+$0xFFFFFEB0]  }
0x1ec: {  	v22 =	vld [tilespmem:s0+$0xFFFFFEC0];
	v14 =	vadd.f32 v14, v20;
	v15 =	vadd.f32 v15, v20  }
0x1ed: {  	v59 =	vld [tilespmem:s0+$0xFFFFFEF0];
	v16 =	vadd.f32 v16, v20;
	v17 =	vadd.f32 v17, v20  }
0x1ee: {  	v11 =	vadd.f32 v11, v14;
	v13 =	vadd.f32 v13, v15;
	v14 =	vld [tilespmem:s0+$0xFFFFFF00]  }
0x1ef: {  	v61 =	vld [tilespmem:s0+$0xFFFFFF30];
	v15 =	vadd.f32 v18, v16;
	v60 =	vadd.f32 v19, v17  }
0x1f0: {  	v11 =	vadd.f32 v4, v11;
	v10 =	vadd.f32 v10, v13;
	v13 =	vld [tilespmem:s0+$0xFFFFFF40]  }
0x1f1: {  	v15 =	vadd.f32 v21, v15;
	v16 =	vadd.f32 v22, v60;
	v4 =	vld [tilespmem:s0+$0xFFFFFF70]  }
0x1f2: {  	v11 =	vadd.f32 v5, v11;
	v10 =	vadd.f32 v6, v10;
	v6 =	vld [tilespmem:s0+$0xFFFFFF80]  }
0x1f3: {  	v15 =	vadd.f32 v59, v15;
	v5 =	vld [tilespmem:s0+$0xFFFFFFB0];
	v14 =	vadd.f32 v14, v16  }
0x1f4: {  	v62 =	vadd.f32 v7, v11;
	v63 =	vadd.f32 v8, v10;
	v8 =	vld [tilespmem:s0+$0xFFFFFFC0]  }
0x1f5: {  	v11 =	vadd.f32 v61, v15;
	v7 =	vld [tilespmem:s0+$0xFFFFFFF0];
	v10 =	vadd.f32 v13, v14  }
0x1f6: {  	s5 =	simm.s32 $0x0;
	s6 =	simm.s32 $0x10470;
	v13 =	vadd.f32 v9, v62;
	v12 =	vadd.f32 v12, v63;
	v9 =	vld [tilespmem:s0+$0x0]  }
.LBB2_13:
0x1f7: {  	v14 =	vld [tilespmem:s6+$0xFFFFFFD0];
	v4 =	vadd.f32 v4, v11;
	v6 =	vadd.f32 v6, v10  }
0x1f8: {  	v10 =	vld [tilespmem:s6+$0xFFFFFFE0];
	v11 =	vadd.f32 v2, v13;
	v12 =	vadd.f32 v3, v12  }
0x1f9: {  	v2 =	vld [tilespmem:s6+$0xFFFFFF90];
	v4 =	vadd.f32 v5, v4;
	v5 =	vadd.f32 v8, v6  }
0x1fa: {  	v3 =	vld [tilespmem:s6+$0xFFFFFFA0];
	v6 =	vadd.f32 v0, v11;
	v8 =	vadd.f32 v1, v12  }
0x1fb: {  	v12 =	vld [tilespmem:s6+$0xFFFFFF50];
	v4 =	vadd.f32 v7, v4;
	v5 =	vadd.f32 v9, v5  }
0x1fc: {  	v9 =	vld [tilespmem:s6+$0xFFFFFF60];
	v0 =	vmov v14  }
0x1fd: {  	v7 =	vld [tilespmem:s6+$0xFFFFFF10];
	v1 =	vmov v10  }
0x1fe: {  	v10 =	vld [tilespmem:s6+$0xFFFFFF20]  }
0x1ff: {  	v11 =	vld [tilespmem:s6+$0xFFFFFED0]  }
0x200: {  	v13 =	vld [tilespmem:s6+$0xFFFFFEE0]  }
0x201: {  	v14 =	vld [tilespmem:s6+$0xFFFFFE90]  }
0x202: {  	v15 =	vld [tilespmem:s6+$0xFFFFFEA0]  }
0x203: {  	v16 =	vld [tilespmem:s6+$0xFFFFFE50]  }
0x204: {  	v17 =	vld [tilespmem:s6+$0xFFFFFE60]  }
0x205: {  	v18 =	vld [tilespmem:s6+$0xFFFFFE10]  }
0x206: {  	v19 =	vld [tilespmem:s6+$0xFFFFFE20]  }
0x207: {  	v20 =	vld [tilespmem:s6+$0xFFFFFE30]  }
0x208: {  	s5 =	sadd.s32 $0x2, s5;
	v21 =	vld [tilespmem:s6+$0xFFFFFE40]  }
0x209: {  	p0 =	slt.u32 s5, $0x30;
	v22 =	vld [tilespmem:s6+$0xFFFFFE70]  }
0x20a: {  	v23 =	vld [tilespmem:s6+$0xFFFFFE80]  }
0x20b: {  	v24 =	vld [tilespmem:s6+$0xFFFFFEB0]  }
0x20c: {  	v6 =	vadd.f32 v18, v6;
	v8 =	vadd.f32 v19, v8;
	v18 =	vld [tilespmem:s6+$0xFFFFFEC0]  }
0x20d: {  	v4 =	vadd.f32 v20, v4;
	v5 =	vadd.f32 v21, v5;
	v19 =	vld [tilespmem:s6+$0xFFFFFEF0]  }
0x20e: {  	v6 =	vadd.f32 v16, v6;
	v8 =	vadd.f32 v17, v8;
	v16 =	vld [tilespmem:s6+$0xFFFFFF00]  }
0x20f: {  	v4 =	vadd.f32 v22, v4;
	v5 =	vadd.f32 v23, v5;
	v17 =	vld [tilespmem:s6+$0xFFFFFF30]  }
0x210: {  	v6 =	vadd.f32 v14, v6;
	v8 =	vadd.f32 v15, v8;
	v14 =	vld [tilespmem:s6+$0xFFFFFF40]  }
0x211: {  	v15 =	vadd.f32 v24, v4;
	v5 =	vadd.f32 v18, v5;
	v4 =	vld [tilespmem:s6+$0xFFFFFF70]  }
.Ltmp5:
0x212: {  	v11 =	vadd.f32 v11, v6;
	v8 =	vadd.f32 v13, v8;
	v6 =	vld [tilespmem:s6+$0xFFFFFF80];
	(pc) =	sbr.rel @p0 .LBB2_13-.Ltmp5, $4  }
0x213: {  	v13 =	vadd.f32 v19, v15;
	v15 =	vadd.f32 v16, v5;
	v5 =	vld [tilespmem:s6+$0xFFFFFFB0]  }
0x214: {  	v16 =	vadd.f32 v7, v11;
	v18 =	vadd.f32 v10, v8;
	v8 =	vld [tilespmem:s6+$0xFFFFFFC0]  }
0x215: {  	v11 =	vadd.f32 v17, v13;
	v10 =	vadd.f32 v14, v15;
	v7 =	vld [tilespmem:s6+$0xFFFFFFF0]  }
0x216: {  	v13 =	vadd.f32 v12, v16;
	v12 =	vadd.f32 v9, v18;
	v9 =	vld [tilespmem:s6+$0x0];
	s6 =	sadd.s32 $0x200, s6  }
0x217: {  	_ = 	snop  }
0x218: {  	v4 =	vadd.f32 v4, v11;
	v2 =	vadd.f32 v2, v13  }
0x219: {  	v6 =	vadd.f32 v6, v10;
	v3 =	vadd.f32 v3, v12  }
0x21a: {  	v4 =	vadd.f32 v5, v4;
	v0 =	vadd.f32 v0, v2  }
0x21b: {  	v2 =	vadd.f32 v8, v6;
	v1 =	vadd.f32 v1, v3  }
0x21c: {  	v3 =	vadd.f32 v7, v4;
	v0 =	vmul.f32 $4.999999890e-03, v0  }
0x21d: {  	v2 =	vadd.f32 v9, v2;
	v1 =	vmul.f32 $4.999999890e-03, v1  }
0x21e: {  	v3 =	vmul.f32 $4.999999890e-03, v3;
	v0 =	vmax.f32 v0, $0.0e+00  }
0x21f: {  	[tilespmem:$0x197C0] =	vst v0;
	v0 =	vmax.f32 v1, $0.0e+00;
	v1 =	vmul.f32 $4.999999890e-03, v2  }
0x220: {  	[tilespmem:$0x197D0] =	vst v0;
	v0 =	vmax.f32 v3, $0.0e+00  }
0x221: {  	[tilespmem:$0x197E0] =	vst v0;
	v0 =	vmax.f32 v1, $0.0e+00  }
0x222: {  	s0 =	simm.s32 $0x13280;
	[tilespmem:$0x197F0] =	vst v0  }
0x223: {  	v0 =	vld [tilespmem:s0+$0x1C0]  }
0x224: {  	v1 =	vld [tilespmem:s0+$0x1D0]  }
0x225: {  	v2 =	vld [tilespmem:s0+$0x180]  }
0x226: {  	v3 =	vld [tilespmem:s0+$0x190]  }
0x227: {  	v9 =	vld [tilespmem:s0+$0x140]  }
0x228: {  	v12 =	vld [tilespmem:s0+$0x150]  }
0x229: {  	v7 =	vld [tilespmem:s0+$0x100]  }
0x22a: {  	v8 =	vld [tilespmem:s0+$0x110]  }
0x22b: {  	v5 =	vld [tilespmem:s0+$0xC0]  }
0x22c: {  	v6 =	vld [tilespmem:s0+$0xD0]  }
0x22d: {  	v4 =	vld [tilespmem:s0+$0x80]  }
0x22e: {  	v10 =	vld [tilespmem:s0+$0x90]  }
0x22f: {  	v11 =	vld [tilespmem:s0+$0x40]  }
0x230: {  	v13 =	vld [tilespmem:s0+$0x50]  }
0x231: {  	v14 =	vld [tilespmem:s0+$0x0]  }
0x232: {  	v15 =	vld [tilespmem:s0+$0x10]  }
0x233: {  	v16 =	vld [tilespmem:s0+$0x20]  }
0x234: {  	v17 =	vld [tilespmem:s0+$0x30]  }
0x235: {  	v18 =	vld [tilespmem:s0+$0x60]  }
0x236: {  	v19 =	vld [tilespmem:s0+$0x70]  }
0x237: {  	v20 =	vimm.f32 $0.0e+00;
	v21 =	vld [tilespmem:s0+$0xA0]  }
0x238: {  	v22 =	vld [tilespmem:s0+$0xB0];
	v14 =	vadd.f32 v14, v20;
	v15 =	vadd.f32 v15, v20  }
0x239: {  	v59 =	vld [tilespmem:s0+$0xE0];
	v16 =	vadd.f32 v16, v20;
	v17 =	vadd.f32 v17, v20  }
0x23a: {  	v11 =	vadd.f32 v11, v14;
	v13 =	vadd.f32 v13, v15;
	v14 =	vld [tilespmem:s0+$0xF0]  }
0x23b: {  	v61 =	vld [tilespmem:s0+$0x120];
	v15 =	vadd.f32 v18, v16;
	v60 =	vadd.f32 v19, v17  }
0x23c: {  	v11 =	vadd.f32 v4, v11;
	v10 =	vadd.f32 v10, v13;
	v13 =	vld [tilespmem:s0+$0x130]  }
0x23d: {  	v15 =	vadd.f32 v21, v15;
	v16 =	vadd.f32 v22, v60;
	v4 =	vld [tilespmem:s0+$0x160]  }
0x23e: {  	v11 =	vadd.f32 v5, v11;
	v10 =	vadd.f32 v6, v10;
	v6 =	vld [tilespmem:s0+$0x170]  }
0x23f: {  	v15 =	vadd.f32 v59, v15;
	v5 =	vld [tilespmem:s0+$0x1A0];
	v14 =	vadd.f32 v14, v16  }
0x240: {  	v62 =	vadd.f32 v7, v11;
	v63 =	vadd.f32 v8, v10;
	v8 =	vld [tilespmem:s0+$0x1B0]  }
0x241: {  	v11 =	vadd.f32 v61, v15;
	v7 =	vld [tilespmem:s0+$0x1E0];
	v10 =	vadd.f32 v13, v14  }
0x242: {  	s5 =	simm.s32 $0x0;
	s6 =	simm.s32 $0x13480;
	v13 =	vadd.f32 v9, v62;
	v12 =	vadd.f32 v12, v63;
	v9 =	vld [tilespmem:s0+$0x1F0]  }
.LBB2_15:
0x243: {  	v14 =	vld [tilespmem:s6+$0x1C0];
	v4 =	vadd.f32 v4, v11;
	v6 =	vadd.f32 v6, v10  }
0x244: {  	v10 =	vld [tilespmem:s6+$0x1D0];
	v11 =	vadd.f32 v2, v13;
	v12 =	vadd.f32 v3, v12  }
0x245: {  	v2 =	vld [tilespmem:s6+$0x180];
	v4 =	vadd.f32 v5, v4;
	v5 =	vadd.f32 v8, v6  }
0x246: {  	v3 =	vld [tilespmem:s6+$0x190];
	v6 =	vadd.f32 v0, v11;
	v8 =	vadd.f32 v1, v12  }
0x247: {  	v12 =	vld [tilespmem:s6+$0x140];
	v4 =	vadd.f32 v7, v4;
	v5 =	vadd.f32 v9, v5  }
0x248: {  	v9 =	vld [tilespmem:s6+$0x150];
	v0 =	vmov v14  }
0x249: {  	v7 =	vld [tilespmem:s6+$0x100];
	v1 =	vmov v10  }
0x24a: {  	v10 =	vld [tilespmem:s6+$0x110]  }
0x24b: {  	v11 =	vld [tilespmem:s6+$0xC0]  }
0x24c: {  	v13 =	vld [tilespmem:s6+$0xD0]  }
0x24d: {  	v14 =	vld [tilespmem:s6+$0x80]  }
0x24e: {  	v15 =	vld [tilespmem:s6+$0x90]  }
0x24f: {  	v16 =	vld [tilespmem:s6+$0x40]  }
0x250: {  	v17 =	vld [tilespmem:s6+$0x50]  }
0x251: {  	v18 =	vld [tilespmem:s6+$0x0]  }
0x252: {  	v19 =	vld [tilespmem:s6+$0x10]  }
0x253: {  	v20 =	vld [tilespmem:s6+$0x20]  }
0x254: {  	s5 =	sadd.s32 $0x2, s5;
	v21 =	vld [tilespmem:s6+$0x30]  }
0x255: {  	p0 =	slt.u32 s5, $0x30;
	v22 =	vld [tilespmem:s6+$0x60]  }
0x256: {  	v23 =	vld [tilespmem:s6+$0x70]  }
0x257: {  	v24 =	vld [tilespmem:s6+$0xA0]  }
0x258: {  	v6 =	vadd.f32 v18, v6;
	v8 =	vadd.f32 v19, v8;
	v18 =	vld [tilespmem:s6+$0xB0]  }
0x259: {  	v4 =	vadd.f32 v20, v4;
	v5 =	vadd.f32 v21, v5;
	v19 =	vld [tilespmem:s6+$0xE0]  }
0x25a: {  	v6 =	vadd.f32 v16, v6;
	v8 =	vadd.f32 v17, v8;
	v16 =	vld [tilespmem:s6+$0xF0]  }
0x25b: {  	v4 =	vadd.f32 v22, v4;
	v5 =	vadd.f32 v23, v5;
	v17 =	vld [tilespmem:s6+$0x120]  }
0x25c: {  	v6 =	vadd.f32 v14, v6;
	v8 =	vadd.f32 v15, v8;
	v14 =	vld [tilespmem:s6+$0x130]  }
0x25d: {  	v15 =	vadd.f32 v24, v4;
	v5 =	vadd.f32 v18, v5;
	v4 =	vld [tilespmem:s6+$0x160]  }
.Ltmp6:
0x25e: {  	v11 =	vadd.f32 v11, v6;
	v8 =	vadd.f32 v13, v8;
	v6 =	vld [tilespmem:s6+$0x170];
	(pc) =	sbr.rel @p0 .LBB2_15-.Ltmp6, $4  }
0x25f: {  	v13 =	vadd.f32 v19, v15;
	v15 =	vadd.f32 v16, v5;
	v5 =	vld [tilespmem:s6+$0x1A0]  }
0x260: {  	v16 =	vadd.f32 v7, v11;
	v18 =	vadd.f32 v10, v8;
	v8 =	vld [tilespmem:s6+$0x1B0]  }
0x261: {  	v11 =	vadd.f32 v17, v13;
	v10 =	vadd.f32 v14, v15;
	v7 =	vld [tilespmem:s6+$0x1E0]  }
0x262: {  	v13 =	vadd.f32 v12, v16;
	v12 =	vadd.f32 v9, v18;
	v9 =	vld [tilespmem:s6+$0x1F0];
	s6 =	sadd.s32 $0x200, s6  }
0x263: {  	_ = 	snop  }
0x264: {  	v4 =	vadd.f32 v4, v11;
	v2 =	vadd.f32 v2, v13  }
0x265: {  	v6 =	vadd.f32 v6, v10;
	v3 =	vadd.f32 v3, v12  }
0x266: {  	v4 =	vadd.f32 v5, v4;
	v0 =	vadd.f32 v0, v2  }
0x267: {  	v2 =	vadd.f32 v8, v6;
	v1 =	vadd.f32 v1, v3  }
0x268: {  	v3 =	vadd.f32 v7, v4;
	v0 =	vmul.f32 $4.999999890e-03, v0  }
0x269: {  	v2 =	vadd.f32 v9, v2;
	v1 =	vmul.f32 $4.999999890e-03, v1  }
0x26a: {  	v3 =	vmul.f32 $4.999999890e-03, v3;
	v0 =	vmax.f32 v0, $0.0e+00  }
0x26b: {  	[tilespmem:$0x19800] =	vst v0;
	v0 =	vmax.f32 v1, $0.0e+00;
	v1 =	vmul.f32 $4.999999890e-03, v2  }
0x26c: {  	[tilespmem:$0x19810] =	vst v0;
	v0 =	vmax.f32 v3, $0.0e+00  }
0x26d: {  	[tilespmem:$0x19820] =	vst v0;
	v0 =	vmax.f32 v1, $0.0e+00  }
0x26e: {  	s0 =	simm.s32 $0x16480;
	[tilespmem:$0x19830] =	vst v0  }
0x26f: {  	v0 =	vld [tilespmem:s0+$0x1C0]  }
0x270: {  	v1 =	vld [tilespmem:s0+$0x1D0]  }
0x271: {  	v2 =	vld [tilespmem:s0+$0x180]  }
0x272: {  	v3 =	vld [tilespmem:s0+$0x190]  }
0x273: {  	v9 =	vld [tilespmem:s0+$0x140]  }
0x274: {  	v12 =	vld [tilespmem:s0+$0x150]  }
0x275: {  	v7 =	vld [tilespmem:s0+$0x100]  }
0x276: {  	v8 =	vld [tilespmem:s0+$0x110]  }
0x277: {  	v5 =	vld [tilespmem:s0+$0xC0]  }
0x278: {  	v6 =	vld [tilespmem:s0+$0xD0]  }
0x279: {  	v4 =	vld [tilespmem:s0+$0x80]  }
0x27a: {  	v10 =	vld [tilespmem:s0+$0x90]  }
0x27b: {  	v11 =	vld [tilespmem:s0+$0x40]  }
0x27c: {  	v13 =	vld [tilespmem:s0+$0x50]  }
0x27d: {  	v14 =	vld [tilespmem:s0+$0x0]  }
0x27e: {  	v15 =	vld [tilespmem:s0+$0x10]  }
0x27f: {  	v16 =	vld [tilespmem:s0+$0x20]  }
0x280: {  	v17 =	vld [tilespmem:s0+$0x30]  }
0x281: {  	v18 =	vld [tilespmem:s0+$0x60]  }
0x282: {  	v19 =	vld [tilespmem:s0+$0x70]  }
0x283: {  	v20 =	vimm.f32 $0.0e+00;
	v21 =	vld [tilespmem:s0+$0xA0]  }
0x284: {  	v22 =	vld [tilespmem:s0+$0xB0];
	v14 =	vadd.f32 v14, v20;
	v15 =	vadd.f32 v15, v20  }
0x285: {  	v59 =	vld [tilespmem:s0+$0xE0];
	v16 =	vadd.f32 v16, v20;
	v17 =	vadd.f32 v17, v20  }
0x286: {  	v11 =	vadd.f32 v11, v14;
	v13 =	vadd.f32 v13, v15;
	v14 =	vld [tilespmem:s0+$0xF0]  }
0x287: {  	v61 =	vld [tilespmem:s0+$0x120];
	v15 =	vadd.f32 v18, v16;
	v60 =	vadd.f32 v19, v17  }
0x288: {  	v11 =	vadd.f32 v4, v11;
	v10 =	vadd.f32 v10, v13;
	v13 =	vld [tilespmem:s0+$0x130]  }
0x289: {  	v15 =	vadd.f32 v21, v15;
	v16 =	vadd.f32 v22, v60;
	v4 =	vld [tilespmem:s0+$0x160]  }
0x28a: {  	v11 =	vadd.f32 v5, v11;
	v10 =	vadd.f32 v6, v10;
	v6 =	vld [tilespmem:s0+$0x170]  }
0x28b: {  	v15 =	vadd.f32 v59, v15;
	v5 =	vld [tilespmem:s0+$0x1A0];
	v14 =	vadd.f32 v14, v16  }
0x28c: {  	v62 =	vadd.f32 v7, v11;
	v63 =	vadd.f32 v8, v10;
	v8 =	vld [tilespmem:s0+$0x1B0]  }
0x28d: {  	v11 =	vadd.f32 v61, v15;
	v7 =	vld [tilespmem:s0+$0x1E0];
	v10 =	vadd.f32 v13, v14  }
0x28e: {  	s5 =	simm.s32 $0x0;
	s6 =	simm.s32 $0x16680;
	v13 =	vadd.f32 v9, v62;
	v12 =	vadd.f32 v12, v63;
	v9 =	vld [tilespmem:s0+$0x1F0]  }
.LBB2_17:
0x28f: {  	v14 =	vld [tilespmem:s6+$0x1C0];
	v4 =	vadd.f32 v4, v11;
	v6 =	vadd.f32 v6, v10  }
0x290: {  	v10 =	vld [tilespmem:s6+$0x1D0];
	v11 =	vadd.f32 v2, v13;
	v12 =	vadd.f32 v3, v12  }
0x291: {  	v2 =	vld [tilespmem:s6+$0x180];
	v4 =	vadd.f32 v5, v4;
	v5 =	vadd.f32 v8, v6  }
0x292: {  	v3 =	vld [tilespmem:s6+$0x190];
	v6 =	vadd.f32 v0, v11;
	v8 =	vadd.f32 v1, v12  }
0x293: {  	v12 =	vld [tilespmem:s6+$0x140];
	v4 =	vadd.f32 v7, v4;
	v5 =	vadd.f32 v9, v5  }
0x294: {  	v9 =	vld [tilespmem:s6+$0x150];
	v0 =	vmov v14  }
0x295: {  	v7 =	vld [tilespmem:s6+$0x100];
	v1 =	vmov v10  }
0x296: {  	v10 =	vld [tilespmem:s6+$0x110]  }
0x297: {  	v11 =	vld [tilespmem:s6+$0xC0]  }
0x298: {  	v13 =	vld [tilespmem:s6+$0xD0]  }
0x299: {  	v14 =	vld [tilespmem:s6+$0x80]  }
0x29a: {  	v15 =	vld [tilespmem:s6+$0x90]  }
0x29b: {  	v16 =	vld [tilespmem:s6+$0x40]  }
0x29c: {  	v17 =	vld [tilespmem:s6+$0x50]  }
0x29d: {  	v18 =	vld [tilespmem:s6+$0x0]  }
0x29e: {  	v19 =	vld [tilespmem:s6+$0x10]  }
0x29f: {  	v20 =	vld [tilespmem:s6+$0x20]  }
0x2a0: {  	s5 =	sadd.s32 $0x2, s5;
	v21 =	vld [tilespmem:s6+$0x30]  }
0x2a1: {  	p0 =	slt.u32 s5, $0x30;
	v22 =	vld [tilespmem:s6+$0x60]  }
0x2a2: {  	v23 =	vld [tilespmem:s6+$0x70]  }
0x2a3: {  	v24 =	vld [tilespmem:s6+$0xA0]  }
0x2a4: {  	v6 =	vadd.f32 v18, v6;
	v8 =	vadd.f32 v19, v8;
	v18 =	vld [tilespmem:s6+$0xB0]  }
0x2a5: {  	v4 =	vadd.f32 v20, v4;
	v5 =	vadd.f32 v21, v5;
	v19 =	vld [tilespmem:s6+$0xE0]  }
0x2a6: {  	v6 =	vadd.f32 v16, v6;
	v8 =	vadd.f32 v17, v8;
	v16 =	vld [tilespmem:s6+$0xF0]  }
0x2a7: {  	v4 =	vadd.f32 v22, v4;
	v5 =	vadd.f32 v23, v5;
	v17 =	vld [tilespmem:s6+$0x120]  }
0x2a8: {  	v6 =	vadd.f32 v14, v6;
	v8 =	vadd.f32 v15, v8;
	v14 =	vld [tilespmem:s6+$0x130]  }
0x2a9: {  	v15 =	vadd.f32 v24, v4;
	v5 =	vadd.f32 v18, v5;
	v4 =	vld [tilespmem:s6+$0x160]  }
.Ltmp7:
0x2aa: {  	v11 =	vadd.f32 v11, v6;
	v8 =	vadd.f32 v13, v8;
	v6 =	vld [tilespmem:s6+$0x170];
	(pc) =	sbr.rel @p0 .LBB2_17-.Ltmp7, $4  }
0x2ab: {  	v13 =	vadd.f32 v19, v15;
	v15 =	vadd.f32 v16, v5;
	v5 =	vld [tilespmem:s6+$0x1A0]  }
0x2ac: {  	v16 =	vadd.f32 v7, v11;
	v18 =	vadd.f32 v10, v8;
	v8 =	vld [tilespmem:s6+$0x1B0]  }
0x2ad: {  	v11 =	vadd.f32 v17, v13;
	v10 =	vadd.f32 v14, v15;
	v7 =	vld [tilespmem:s6+$0x1E0]  }
0x2ae: {  	v13 =	vadd.f32 v12, v16;
	v12 =	vadd.f32 v9, v18;
	v9 =	vld [tilespmem:s6+$0x1F0];
	s6 =	sadd.s32 $0x200, s6  }
0x2af: {  	_ = 	snop  }
0x2b0: {  	v4 =	vadd.f32 v4, v11;
	v2 =	vadd.f32 v2, v13  }
0x2b1: {  	v6 =	vadd.f32 v6, v10;
	v3 =	vadd.f32 v3, v12  }
0x2b2: {  	v4 =	vadd.f32 v5, v4;
	v0 =	vadd.f32 v0, v2  }
0x2b3: {  	v58 =	vadd.f32 v8, v6;
	v1 =	vadd.f32 v1, v3  }
0x2b4: {  	v59 =	vadd.f32 v7, v4;
	v0 =	vmul.f32 $4.999999890e-03, v0  }
0x2b5: {  	s0 =	sshll.u32 s10, $0x6;
	s10 =	sadd.s32 $0x1, s10;
	v2 =	vadd.f32 v9, v58;
	v1 =	vmul.f32 $4.999999890e-03, v1  }
0x2b6: {  	p0 =	sne.s32 s10, $0x40;
	v3 =	vmul.f32 $4.999999890e-03, v59;
	v0 =	vmax.f32 v0, $0.0e+00  }
.Ltmp8:
0x2b7: {  	v61 =	vmul.f32 $4.999999890e-03, v2;
	v60 =	vmax.f32 v1, $0.0e+00;
	[tilespmem:$0x19840] =	vst v0;
	(pc) =	sbr.rel @p0 .LBB2_2-.Ltmp8, $4  }
0x2b8: {  	[tilespmem:$0x19850] =	vst v60;
	v62 =	vmax.f32 v3, $0.0e+00  }
0x2b9: {  	v63 =	vmax.f32 v61, $0.0e+00;
	[tilespmem:$0x19860] =	vst v62  }
0x2ba: {  	s0 =	sadd.s32 s0, s9;
	[tilespmem:$0x19870] =	vst v63  }
0x2bb: {  	[hbm4b:s0+s2] =	stream.linear.scatter [tilespmem:s26], [sflag:$0x5], $0x200, $0x38;
	[tilespmem:$0x19880] =	vst v63  }
0x2bc: {  	_ =	swait.ge [sflag:s28], $0x200  }
0x2bd: {  	s5 =	rddreg [dreg:$0x5]  }
0x2be: {  	s0 =	rddreg [dreg:$0x4];
	s5 =	sadd.s32 $0x1, s5  }
0x2bf: {  	p0 =	sne.s32 s5, s0  }
.Ltmp9:
0x2c0: {  	_ = 	snop;
	(pc) =	sbr.rel @p0 .LBB2_1-.Ltmp9, $3  }
0x2c1: {  	_ =	sdelay $0x1  }
0x2c2: {  	[sflag:s28] =	ssyncset.done $0x0  }
0x2c3: {  	[sflag:s28] =	ssyncadd.s32 $0xFFFFFE00  }
0x2c4: {  	_ =	sfence.sel $0x180000  }
0x2c5: {  	[bflag:$0x0] =	sbarrier.arrive $0xFFFF  }
0x2c6: {  	_ =	strace $0x90000047  }
0x2c7: {  	s0 =	stileid.u32;
	[bflag:$0x2] =	sbarrier.arrive $0xFFFF  }
0x2c8: {  	p0 =	sne.s32 s0, $0x0;
	s0 =	rddreg [dreg:$0x1]  }
0x2c9: {  	s0 =	sadd.s32 @!p0 $0x100000, s0  }
0x2ca: {  	[sflag:s0] =	ssyncadd.tile.s32 @!p0 $0x1;
	_ =	shalt  }
.Lfunc_end2:
_tile_overlayer_lowered:
.L_overlay_start_2:
0x2cb: {  	(tag) =	ssettag $0x2  }
0x2cc: {  	s0 =	rddreg [dreg:$0x0];
	s2 =	stileid.u32  }
0x2cd: {  	s1 =	rddreg [dreg:$0x1];
	p0 =	sne.s32 s2, $0x0  }
0x2ce: {  	s3 =	rddreg [dreg:$0x2];
	[bflag:$0x3] =	sbarrier.arrive $0xFFFF;
	s2 =	simm.s32 @!p0 $0x1C06  }
0x2cf: {  	[timem:s3], [sflag:s2] =	dma.local @!p0 [hbm:s0], s1  }
0x2d0: {  	s0 =	simm.s32 @!p0 $0x6  }
0x2d1: {  	_ =	swait.ge @!p0 [sflag:s0], s1  }
0x2d2: {  	s1 =	ssub.s32 @!p0 $0x0, s1;
	[sflag:s0] =	ssyncset.done @!p0 $0x0  }
0x2d3: {  	[sflag:s0] =	ssyncadd.s32 @!p0 s1  }
0x2d4: {  	[bflag:$0x3] =	sbarrier.arrive $0xFFFF  }
0x2d5: {  	_ =	shalt  }

</sc_bundles>
